<compile_context>
chip_gen: v7x
topology: tpu7x:2x2x1
jax: 0.10.2.dev20260603
libtpu: 0.0.44.dev20260713+nightly
codegen_flags: <defaults>
</compile_context>

<pallas_src>
import dataclasses
import functools

import jax
import jax.numpy as jnp
from jax import lax
from jax.experimental import pallas as pl
from jax.experimental.pallas import tpu as pltpu
from jax.experimental.pallas import tpu_sc as plsc

N_NODES = 10000
D = 128
N_PAD = 10240
N_EDGES = 320000
CHUNK = 96
NC, NS, L = 2, 16, 16
SCH = 27
NSB = 8
CPPAIR = NSB * SCH
NSI0 = 5
NSI1 = NSB - NSI0
SEDG = SCH * CHUNK
E_PAD = NS * CPPAIR * CHUNK
N_DUMMY = E_PAD - N_EDGES - N_PAD
ROWS_PER_TILE = N_PAD // NS
COPB = 80
RB = ROWS_PER_TILE // COPB

_SC_MESH = plsc.VectorSubcoreMesh(
    core_axis_name="c", subcore_axis_name="s", num_cores=NC, num_subcores=NS
)

_SC_PARAMS = pltpu.CompilerParams()
if "needs_layout_passes" in pltpu.CompilerParams.__dataclass_fields__:
    _SC_PARAMS = dataclasses.replace(_SC_PARAMS, needs_layout_passes=False)


def _matmul(x_pad, W):
    def body(x_ref, w_ref, o_ref):
        o_ref[...] = jnp.dot(x_ref[...], w_ref[...],
                             preferred_element_type=jnp.float32)

    blk = N_PAD // 8
    return pl.pallas_call(
        body,
        grid=(8,),
        in_specs=[
            pl.BlockSpec((blk, D), lambda i: (i, 0)),
            pl.BlockSpec((D, D), lambda i: (0, 0)),
        ],
        out_specs=pl.BlockSpec((blk, D), lambda i: (i, 0)),
        out_shape=jax.ShapeDtypeStruct((N_PAD, D), jnp.float32),
    )(x_pad, W)


@functools.partial(
    pl.kernel,
    out_type=jax.ShapeDtypeStruct((NC, N_PAD), jnp.float32),
    mesh=_SC_MESH,
    scratch_types=[
        pltpu.VMEM_SHARED((N_PAD,), jnp.float32),
        pltpu.VMEM((SCH, CHUNK), jnp.int32),
        pltpu.VMEM((SEDG,), jnp.float32),
        pltpu.VMEM((ROWS_PER_TILE,), jnp.float32),
        pltpu.SemaphoreType.DMA,
    ],
    compiler_params=_SC_PARAMS,
)
def _deg_kernel(dst2_hbm, ew_hbm, deg_out, deg_sh, dstv, ewv, zbuf, sem):
    c = lax.axis_index("c")
    s = lax.axis_index("s")
    nsi = jnp.where(c == 0, NSI0, NSI1)

    @pl.loop(0, ROWS_PER_TILE // L)
    def _(i):
        zbuf[pl.ds(i * L, L)] = jnp.zeros((L,), jnp.float32)

    pltpu.sync_copy(zbuf, deg_sh.at[pl.ds(s * ROWS_PER_TILE, ROWS_PER_TILE)])
    plsc.subcore_barrier()

    @pl.loop(0, nsi)
    def _(si):
        sb = s * NSB + c * NSI0 + si
        pltpu.sync_copy(dst2_hbm.at[sb], dstv)
        pltpu.sync_copy(ew_hbm.at[pl.ds(sb * SEDG, SEDG)], ewv)

        @pl.loop(0, SCH)
        def _(j):
            pltpu.async_copy(ewv.at[pl.ds(j * CHUNK, CHUNK)],
                             deg_sh.at[dstv.at[j]], sem, add=True)

            @pl.when(j >= 8)
            def _():
                pltpu.make_async_copy(ewv.at[pl.ds(0, CHUNK)],
                                      deg_sh.at[dstv.at[0]], sem).wait()

        @pl.loop(0, 8)
        def _(j):
            pltpu.make_async_copy(ewv.at[pl.ds(0, CHUNK)],
                                  deg_sh.at[dstv.at[0]], sem).wait()

    plsc.subcore_barrier()
    sl = pl.ds(s * ROWS_PER_TILE, ROWS_PER_TILE)
    pltpu.sync_copy(deg_sh.at[sl], deg_out.at[c, sl])


def _dis_kernel(degp):
    def body(d_ref, o_ref):
        o_ref[...] = lax.rsqrt(d_ref[0] + d_ref[1])

    return pl.pallas_call(
        body,
        out_shape=jax.ShapeDtypeStruct((N_PAD // D, D), jnp.float32),
    )(degp)


def _hscale_kernel(h, dis_b):
    def body(h_ref, d_ref, o_ref):
        o_ref[...] = h_ref[...] * d_ref[...]

    blk = N_PAD // 8
    return pl.pallas_call(
        body,
        grid=(8,),
        in_specs=[
            pl.BlockSpec((blk, D), lambda i: (i, 0)),
            pl.BlockSpec((blk, D), lambda i: (i, 0)),
        ],
        out_specs=pl.BlockSpec((blk, D), lambda i: (i, 0)),
        out_shape=jax.ShapeDtypeStruct((N_PAD, D), jnp.float32),
    )(h, dis_b)


@functools.partial(
    pl.kernel,
    out_type=jax.ShapeDtypeStruct((NC, N_PAD, D), jnp.float32),
    mesh=_SC_MESH,
    scratch_types=[
        pltpu.VMEM_SHARED((N_PAD, D), jnp.float32),
        pltpu.VMEM((SEDG,), jnp.int32),
        pltpu.VMEM((SCH, CHUNK), jnp.int32),
        pltpu.VMEM((SEDG,), jnp.float32),
        pltpu.VMEM((CHUNK, D), jnp.float32),
        pltpu.VMEM((CHUNK, D), jnp.float32),
        pltpu.VMEM((CHUNK, D), jnp.float32),
        pltpu.SemaphoreType.DMA,
        pltpu.SemaphoreType.DMA,
        pltpu.SemaphoreType.DMA,
        pltpu.SemaphoreType.DMA,
        pltpu.SemaphoreType.DMA,
        pltpu.SemaphoreType.DMA,
    ],
    compiler_params=_SC_PARAMS,
)
def _agg_kernel(src_hbm, dst2_hbm, ew_hbm, h2_hbm, acc_out,
                acc_sh, srcv, dstv, wv,
                rows0, rows1, rows2, g0, g1, g2, s0, s1, s2):
    c = lax.axis_index("c")
    s = lax.axis_index("s")
    nsi = jnp.where(c == 0, NSI0, NSI1)
    rows = (rows0, rows1, rows2)
    gsem = (g0, g1, g2)
    ssem = (s0, s1, s2)

    @pl.loop(0, CHUNK)
    def _(i):
        for j in range(D // L):
            rows0[i, pl.ds(j * L, L)] = jnp.zeros((L,), jnp.float32)

    for k in range(RB):
        pltpu.async_copy(
            rows0.at[pl.ds(0, COPB)],
            acc_sh.at[pl.ds(s * ROWS_PER_TILE + k * COPB, COPB)], g0)
    for k in range(RB):
        pltpu.make_async_copy(
            rows0.at[pl.ds(0, COPB)],
            acc_sh.at[pl.ds(s * ROWS_PER_TILE, COPB)], g0).wait()
    plsc.subcore_barrier()

    def fire_gather(j, u):
        pltpu.async_copy(h2_hbm.at[srcv.at[pl.ds(j * CHUNK, CHUNK)]],
                         rows[u], gsem[u])

    def wait_gather(u):
        pltpu.make_async_copy(h2_hbm.at[srcv.at[pl.ds(0, CHUNK)]],
                              rows[u], gsem[u]).wait()

    def fire_scatter(j, u):
        pltpu.async_copy(rows[u], acc_sh.at[dstv.at[j]], ssem[u], add=True)

    def wait_scatter(u):
        pltpu.make_async_copy(rows[u], acc_sh.at[dstv.at[0]], ssem[u]).wait()

    def scale(j, u):
        buf = rows[u]

        @plsc.parallel_loop(0, CHUNK, unroll=4)
        def _(i):
            idx16 = jnp.zeros((L,), jnp.int32) + (j * CHUNK + i)
            w16 = plsc.load_gather(wv, [idx16])
            for jj in range(D // L):
                sl = pl.ds(jj * L, L)
                buf[i, sl] = buf[i, sl] * w16

    @pl.loop(0, nsi)
    def _(si):
        sb = s * NSB + c * NSI0 + si
        sbase = sb * SEDG
        pltpu.sync_copy(src_hbm.at[pl.ds(sbase, SEDG)], srcv)
        pltpu.sync_copy(dst2_hbm.at[sb], dstv)
        pltpu.sync_copy(ew_hbm.at[pl.ds(sbase, SEDG)], wv)

        fire_gather(0, 0)

        @pl.loop(0, SCH // 3)
        def _(t):
            j0 = t * 3

            @pl.when(t > 0)
            def _():
                wait_scatter(1)
            fire_gather(j0 + 1, 1)
            wait_gather(0)
            scale(j0, 0)
            fire_scatter(j0, 0)

            @pl.when(t > 0)
            def _():
                wait_scatter(2)
            fire_gather(j0 + 2, 2)
            wait_gather(1)
            scale(j0 + 1, 1)
            fire_scatter(j0 + 1, 1)

            wait_scatter(0)

            @pl.when(t < SCH // 3 - 1)
            def _():
                fire_gather(j0 + 3, 0)
            wait_gather(2)
            scale(j0 + 2, 2)
            fire_scatter(j0 + 2, 2)

        wait_scatter(1)
        wait_scatter(2)

    plsc.subcore_barrier()

    for k in range(RB):
        r0 = s * ROWS_PER_TILE + k * COPB
        pltpu.async_copy(acc_sh.at[pl.ds(r0, COPB)],
                         acc_out.at[c, pl.ds(r0, COPB)], g1)
    for k in range(RB):
        pltpu.make_async_copy(acc_sh.at[pl.ds(s * ROWS_PER_TILE, COPB)],
                              acc_out.at[c, pl.ds(s * ROWS_PER_TILE, COPB)],
                              g1).wait()


def _final_kernel(acc, dis_b, b2d):
    def body(a_ref, d_ref, b_ref, o_ref):
        o_ref[...] = jnp.maximum(
            d_ref[...] * (a_ref[0] + a_ref[1]) + b_ref[...], 0.0)

    blk = N_NODES // 10
    return pl.pallas_call(
        body,
        grid=(10,),
        in_specs=[
            pl.BlockSpec((NC, blk, D), lambda i: (0, i, 0)),
            pl.BlockSpec((blk, D), lambda i: (i, 0)),
            pl.BlockSpec((1, D), lambda i: (0, 0)),
        ],
        out_specs=pl.BlockSpec((blk, D), lambda i: (i, 0)),
        out_shape=jax.ShapeDtypeStruct((N_NODES, D), jnp.float32),
    )(acc, dis_b, b2d)


def kernel(x, edge_index, edge_weights, W, b):
    src = edge_index[0].astype(jnp.int32)
    dst = edge_index[1].astype(jnp.int32)
    ew = edge_weights.astype(jnp.float32)

    loop_idx = jnp.arange(N_PAD, dtype=jnp.int32)
    dummy_dst = N_NODES + (jnp.arange(N_DUMMY, dtype=jnp.int32) % (N_PAD - N_NODES))
    src_all = jnp.concatenate(
        [src, loop_idx, jnp.full((N_DUMMY,), N_PAD - 1, jnp.int32)])
    dst_all = jnp.concatenate([dst, loop_idx, dummy_dst])
    ew_all = jnp.concatenate(
        [ew, jnp.ones((N_PAD,), jnp.float32), jnp.zeros((N_DUMMY,), jnp.float32)])
    dst2 = dst_all.reshape(E_PAD // SEDG, SCH, CHUNK)

    x_pad = jnp.pad(x.astype(jnp.float32), ((0, N_PAD - N_NODES), (0, 0)))

    h = _matmul(x_pad, W.astype(jnp.float32))
    degp = _deg_kernel(dst2, ew_all)
    dis = _dis_kernel(degp.reshape(NC, N_PAD // D, D))
    dis_b = jnp.broadcast_to(dis.reshape(N_PAD, 1), (N_PAD, D))
    h2 = _hscale_kernel(h, dis_b)
    acc = _agg_kernel(src_all, dst2, ew_all, h2)
    return _final_kernel(acc, dis_b, b.astype(jnp.float32).reshape(1, D))

# --- scband reference (transcript-rebuilt; emitter-appended) ---
"""Pipeline reference for scband-gnnblock-74285754352127 (READ-ONLY COPY).

The authoritative reference and input builder live on the scoring server;
editing this copy changes nothing except your own understanding.
"""

import jax, jax.numpy as jnp
import numpy as np

N_NODES = 10000
N_EDGES = 320000
D_IN = 128
D_OUT = 128


def setup_inputs(seed: int = 0) -> dict:
    key = jax.random.key(seed)
    k1, k2, k3, k4, k5 = jax.random.split(key, 5)
    x = jax.random.normal(k1, (N_NODES, D_IN), dtype=jnp.float32)
    edge_index = jax.random.randint(k2, (2, N_EDGES), 0, N_NODES, dtype=jnp.int64)
    edge_weights = jax.random.uniform(k3, (N_EDGES,), dtype=jnp.float32)
    # GCNConv learned parameters (glorot-ish init)
    W = jax.random.normal(k4, (D_IN, D_OUT), dtype=jnp.float32) * (1.0 / np.sqrt(D_IN))
    b = jnp.zeros((D_OUT,), dtype=jnp.float32)
    return {"x": x, "edge_index": edge_index, "edge_weights": edge_weights, "W": W, "b": b}


def reference(x, edge_index, edge_weights, W, b):
    # GNNBlock with type='GCN', norm=None, activation ReLU.
    # GCNConv: add self loops, symmetric normalization, linear transform,
    # scatter-add aggregation, bias, then ReLU.
    N = x.shape[0]
    src = edge_index[0]
    dst = edge_index[1]
    loop = jnp.arange(N, dtype=edge_index.dtype)
    src2 = jnp.concatenate([src, loop])
    dst2 = jnp.concatenate([dst, loop])
    ew = jnp.concatenate([edge_weights, jnp.ones((N,), dtype=x.dtype)])
    # degree by destination node (weighted, incl. self loops)
    deg = jax.ops.segment_sum(ew, dst2, num_segments=N)
    deg_inv_sqrt = jnp.where(deg > 0, jax.lax.rsqrt(deg), 0.0)
    norm = deg_inv_sqrt[src2] * ew * deg_inv_sqrt[dst2]
    # linear transform
    h = x @ W
    # message passing: gather from src, scale, scatter-add to dst
    msg = h[src2] * norm[:, None]
    out = jax.ops.segment_sum(msg, dst2, num_segments=N)
    out = out + b
    # activation (ReLU branch)
    return jax.nn.relu(out)

if __name__ == "__main__":
    import jax
    _d = setup_inputs()
    print(jax.jit(kernel)(*tuple(_d.values())))

</pallas_src>

<mosaic_0001>
#map = affine_map<(d0, d1) -> (0)>
#map1 = affine_map<(d0, d1) -> (0, 0, 0)>
#map2 = affine_map<(d0, d1) -> (0, 0)>
module attributes {stable_mosaic.version = 14 : i64} {
  func.func @_agg_kernel(%arg0: i32, %arg1: i32, %arg2: memref<331776xi32, #tpu.memory_space<hbm>>, %arg3: memref<128x27x96xi32, #tpu.memory_space<hbm>>, %arg4: memref<331776xf32, #tpu.memory_space<hbm>>, %arg5: memref<10240x128xf32, #tpu.memory_space<hbm>>, %arg6: memref<2x10240x128xf32, #tpu.memory_space<hbm>>, %arg7: memref<10240x128xf32, #tpu.memory_space<vmem_shared>>, %arg8: memref<2592xi32, #tpu.memory_space<vmem>>, %arg9: memref<27x96xi32, #tpu.memory_space<vmem>>, %arg10: memref<2592xf32, #tpu.memory_space<vmem>>, %arg11: memref<96x128xf32, #tpu.memory_space<vmem>>, %arg12: memref<96x128xf32, #tpu.memory_space<vmem>>, %arg13: memref<96x128xf32, #tpu.memory_space<vmem>>, %arg14: memref<!tpu.dma_semaphore, #tpu.memory_space<semaphore_mem>>, %arg15: memref<!tpu.dma_semaphore, #tpu.memory_space<semaphore_mem>>, %arg16: memref<!tpu.dma_semaphore, #tpu.memory_space<semaphore_mem>>, %arg17: memref<!tpu.dma_semaphore, #tpu.memory_space<semaphore_mem>>, %arg18: memref<!tpu.dma_semaphore, #tpu.memory_space<semaphore_mem>>, %arg19: memref<!tpu.dma_semaphore, #tpu.memory_space<semaphore_mem>>) attributes {dimension_semantics = [#tpu.dimension_semantics<core_parallel>, #tpu.dimension_semantics<subcore_parallel>], iteration_bounds = array<i64: 2, 16>, scalar_prefetch = 0 : i64, scratch_operands = 13 : i64, tpu.core_type = #tpu.core_type<sc_vector_subcore>, window_params = [{transform_indices = #map}, {transform_indices = #map1}, {transform_indices = #map}, {transform_indices = #map2}, {transform_indices = #map1}]} {
    %eq3A = arith.constant 0 : i32
    %eq3A_0 = arith.cmpi eq, %arg0, %eq3A : i32
    %jit3A = arith.constant 5 : i32
    %jit3A_1 = arith.constant 3 : i32
    %select_n3A = arith.select %eq3A_0, %jit3A, %jit3A_1 : i32
    %scan3A = arith.constant 0 : i32
    %scan3A_2 = arith.constant 96 : i32
    %scan3A_3 = arith.addi %scan3A, %scan3A_2 : i32
    %scan3A_4 = arith.constant 1 : i32
    scf.for %scan3A_371 = %scan3A to %scan3A_3 step %scan3A_4  : i32 {
      %mul3A_372 = arith.constant 1 : i32
      %mul3A_373 = arith.muli %scan3A_371, %mul3A_372 : i32
      %add3A_374 = arith.constant 0 : i32
      %add3A_375 = arith.addi %add3A_374, %mul3A_373 : i32
      %broadcast_in_dim3A = arith.constant 0.000000e+00 : f32
      %broadcast_in_dim3A_376 = vector.broadcast %broadcast_in_dim3A : f32 to vector<16xf32>
      %swap3A = arith.index_cast %add3A_375 : i32 to index
      %swap3A_377 = arith.constant 0 : index
      %swap3A_378 = tpu.vector_load %arg11[%swap3A, %swap3A_377] {strides = array<i32>} : memref<96x128xf32, #tpu.memory_space<vmem>>, vector<16xf32>,
      tpu.vector_store %arg11[%swap3A, %swap3A_377], %broadcast_in_dim3A_376 {strides = array<i32>} : memref<96x128xf32, #tpu.memory_space<vmem>>, vector<16xf32>,
      %broadcast_in_dim3A_379 = arith.constant 0.000000e+00 : f32
      %broadcast_in_dim3A_380 = vector.broadcast %broadcast_in_dim3A_379 : f32 to vector<16xf32>
      %swap3A_381 = arith.index_cast %add3A_375 : i32 to index
      %swap3A_382 = arith.constant 16 : index
      %swap3A_383 = tpu.vector_load %arg11[%swap3A_381, %swap3A_382] {strides = array<i32>} : memref<96x128xf32, #tpu.memory_space<vmem>>, vector<16xf32>,
      tpu.vector_store %arg11[%swap3A_381, %swap3A_382], %broadcast_in_dim3A_380 {strides = array<i32>} : memref<96x128xf32, #tpu.memory_space<vmem>>, vector<16xf32>,
      %broadcast_in_dim3A_384 = arith.constant 0.000000e+00 : f32
      %broadcast_in_dim3A_385 = vector.broadcast %broadcast_in_dim3A_384 : f32 to vector<16xf32>
      %swap3A_386 = arith.index_cast %add3A_375 : i32 to index
      %swap3A_387 = arith.constant 32 : index
      %swap3A_388 = tpu.vector_load %arg11[%swap3A_386, %swap3A_387] {strides = array<i32>} : memref<96x128xf32, #tpu.memory_space<vmem>>, vector<16xf32>,
      tpu.vector_store %arg11[%swap3A_386, %swap3A_387], %broadcast_in_dim3A_385 {strides = array<i32>} : memref<96x128xf32, #tpu.memory_space<vmem>>, vector<16xf32>,
      %broadcast_in_dim3A_389 = arith.constant 0.000000e+00 : f32
      %broadcast_in_dim3A_390 = vector.broadcast %broadcast_in_dim3A_389 : f32 to vector<16xf32>
      %swap3A_391 = arith.index_cast %add3A_375 : i32 to index
      %swap3A_392 = arith.constant 48 : index
      %swap3A_393 = tpu.vector_load %arg11[%swap3A_391, %swap3A_392] {strides = array<i32>} : memref<96x128xf32, #tpu.memory_space<vmem>>, vector<16xf32>,
      tpu.vector_store %arg11[%swap3A_391, %swap3A_392], %broadcast_in_dim3A_390 {strides = array<i32>} : memref<96x128xf32, #tpu.memory_space<vmem>>, vector<16xf32>,
      %broadcast_in_dim3A_394 = arith.constant 0.000000e+00 : f32
      %broadcast_in_dim3A_395 = vector.broadcast %broadcast_in_dim3A_394 : f32 to vector<16xf32>
      %swap3A_396 = arith.index_cast %add3A_375 : i32 to index
      %swap3A_397 = arith.constant 64 : index
      %swap3A_398 = tpu.vector_load %arg11[%swap3A_396, %swap3A_397] {strides = array<i32>} : memref<96x128xf32, #tpu.memory_space<vmem>>, vector<16xf32>,
      tpu.vector_store %arg11[%swap3A_396, %swap3A_397], %broadcast_in_dim3A_395 {strides = array<i32>} : memref<96x128xf32, #tpu.memory_space<vmem>>, vector<16xf32>,
      %broadcast_in_dim3A_399 = arith.constant 0.000000e+00 : f32
      %broadcast_in_dim3A_400 = vector.broadcast %broadcast_in_dim3A_399 : f32 to vector<16xf32>
      %swap3A_401 = arith.index_cast %add3A_375 : i32 to index
      %swap3A_402 = arith.constant 80 : index
      %swap3A_403 = tpu.vector_load %arg11[%swap3A_401, %swap3A_402] {strides = array<i32>} : memref<96x128xf32, #tpu.memory_space<vmem>>, vector<16xf32>,
      tpu.vector_store %arg11[%swap3A_401, %swap3A_402], %broadcast_in_dim3A_400 {strides = array<i32>} : memref<96x128xf32, #tpu.memory_space<vmem>>, vector<16xf32>,
      %broadcast_in_dim3A_404 = arith.constant 0.000000e+00 : f32
      %broadcast_in_dim3A_405 = vector.broadcast %broadcast_in_dim3A_404 : f32 to vector<16xf32>
      %swap3A_406 = arith.index_cast %add3A_375 : i32 to index
      %swap3A_407 = arith.constant 96 : index
      %swap3A_408 = tpu.vector_load %arg11[%swap3A_406, %swap3A_407] {strides = array<i32>} : memref<96x128xf32, #tpu.memory_space<vmem>>, vector<16xf32>,
      tpu.vector_store %arg11[%swap3A_406, %swap3A_407], %broadcast_in_dim3A_405 {strides = array<i32>} : memref<96x128xf32, #tpu.memory_space<vmem>>, vector<16xf32>,
      %broadcast_in_dim3A_409 = arith.constant 0.000000e+00 : f32
      %broadcast_in_dim3A_410 = vector.broadcast %broadcast_in_dim3A_409 : f32 to vector<16xf32>
      %swap3A_411 = arith.index_cast %add3A_375 : i32 to index
      %swap3A_412 = arith.constant 112 : index
      %swap3A_413 = tpu.vector_load %arg11[%swap3A_411, %swap3A_412] {strides = array<i32>} : memref<96x128xf32, #tpu.memory_space<vmem>>, vector<16xf32>,
      tpu.vector_store %arg11[%swap3A_411, %swap3A_412], %broadcast_in_dim3A_410 {strides = array<i32>} : memref<96x128xf32, #tpu.memory_space<vmem>>, vector<16xf32>,
    }
    %scan3A_5 = arith.constant 96 : i32
    %mul3A = arith.constant 640 : i32
    %mul3A_6 = arith.muli %arg1, %mul3A : i32
    %add3A = arith.constant 0 : i32
    %add3A_7 = arith.addi %mul3A_6, %add3A : i32
    %dma_start3A = arith.constant 0 : i32
    %dma_start3A_8 = arith.constant 0 : i32
    %dma_start3A_9 = tpu.memref_slice %arg11[%dma_start3A, %dma_start3A_8] : memref<96x128xf32, #tpu.memory_space<vmem>> -> memref<80x128xf32, #tpu.memory_space<vmem>>
    %dma_start3A_10 = arith.constant 0 : i32
    %dma_start3A_11 = tpu.memref_slice %arg7[%add3A_7, %dma_start3A_10] : memref<10240x128xf32, #tpu.memory_space<vmem_shared>> -> memref<80x128xf32, #tpu.memory_space<vmem_shared>>
    %dma_start3A_12 = arith.constant 0 : i32
    %dma_start3A_13 = tpu.memref_slice %arg7[%add3A_7, %dma_start3A_12] : memref<10240x128xf32, #tpu.memory_space<vmem_shared>> -> memref<80x128xf32, #tpu.memory_space<vmem_shared>>
    %dma_start3A_14 = arith.constant 0 : i32
    %dma_start3A_15 = arith.constant 0 : i32
    %dma_start3A_16 = tpu.memref_slice %arg11[%dma_start3A_14, %dma_start3A_15] : memref<96x128xf32, #tpu.memory_space<vmem>> -> memref<80x128xf32, #tpu.memory_space<vmem>>
    tpu.enqueue_dma source(%dma_start3A_16 : memref<80x128xf32, #tpu.memory_space<vmem>>) target(%dma_start3A_13 : memref<80x128xf32, #tpu.memory_space<vmem_shared>>) target_semaphore(%arg14 : memref<!tpu.dma_semaphore, #tpu.memory_space<semaphore_mem>>)
    %mul3A_17 = arith.constant 640 : i32
    %mul3A_18 = arith.muli %arg1, %mul3A_17 : i32
    %add3A_19 = arith.constant 80 : i32
    %add3A_20 = arith.addi %mul3A_18, %add3A_19 : i32
    %dma_start3A_21 = arith.constant 0 : i32
    %dma_start3A_22 = arith.constant 0 : i32
    %dma_start3A_23 = tpu.memref_slice %arg11[%dma_start3A_21, %dma_start3A_22] : memref<96x128xf32, #tpu.memory_space<vmem>> -> memref<80x128xf32, #tpu.memory_space<vmem>>
    %dma_start3A_24 = arith.constant 0 : i32
    %dma_start3A_25 = tpu.memref_slice %arg7[%add3A_20, %dma_start3A_24] : memref<10240x128xf32, #tpu.memory_space<vmem_shared>> -> memref<80x128xf32, #tpu.memory_space<vmem_shared>>
    %dma_start3A_26 = arith.constant 0 : i32
    %dma_start3A_27 = tpu.memref_slice %arg7[%add3A_20, %dma_start3A_26] : memref<10240x128xf32, #tpu.memory_space<vmem_shared>> -> memref<80x128xf32, #tpu.memory_space<vmem_shared>>
    %dma_start3A_28 = arith.constant 0 : i32
    %dma_start3A_29 = arith.constant 0 : i32
    %dma_start3A_30 = tpu.memref_slice %arg11[%dma_start3A_28, %dma_start3A_29] : memref<96x128xf32, #tpu.memory_space<vmem>> -> memref<80x128xf32, #tpu.memory_space<vmem>>
    tpu.enqueue_dma source(%dma_start3A_30 : memref<80x128xf32, #tpu.memory_space<vmem>>) target(%dma_start3A_27 : memref<80x128xf32, #tpu.memory_space<vmem_shared>>) target_semaphore(%arg14 : memref<!tpu.dma_semaphore, #tpu.memory_space<semaphore_mem>>)
    %mul3A_31 = arith.constant 640 : i32
    %mul3A_32 = arith.muli %arg1, %mul3A_31 : i32
    %add3A_33 = arith.constant 160 : i32
    %add3A_34 = arith.addi %mul3A_32, %add3A_33 : i32
    %dma_start3A_35 = arith.constant 0 : i32
    %dma_start3A_36 = arith.constant 0 : i32
    %dma_start3A_37 = tpu.memref_slice %arg11[%dma_start3A_35, %dma_start3A_36] : memref<96x128xf32, #tpu.memory_space<vmem>> -> memref<80x128xf32, #tpu.memory_space<vmem>>
    %dma_start3A_38 = arith.constant 0 : i32
    %dma_start3A_39 = tpu.memref_slice %arg7[%add3A_34, %dma_start3A_38] : memref<10240x128xf32, #tpu.memory_space<vmem_shared>> -> memref<80x128xf32, #tpu.memory_space<vmem_shared>>
    %dma_start3A_40 = arith.constant 0 : i32
    %dma_start3A_41 = tpu.memref_slice %arg7[%add3A_34, %dma_start3A_40] : memref<10240x128xf32, #tpu.memory_space<vmem_shared>> -> memref<80x128xf32, #tpu.memory_space<vmem_shared>>
    %dma_start3A_42 = arith.constant 0 : i32
    %dma_start3A_43 = arith.constant 0 : i32
    %dma_start3A_44 = tpu.memref_slice %arg11[%dma_start3A_42, %dma_start3A_43] : memref<96x128xf32, #tpu.memory_space<vmem>> -> memref<80x128xf32, #tpu.memory_space<vmem>>
    tpu.enqueue_dma source(%dma_start3A_44 : memref<80x128xf32, #tpu.memory_space<vmem>>) target(%dma_start3A_41 : memref<80x128xf32, #tpu.memory_space<vmem_shared>>) target_semaphore(%arg14 : memref<!tpu.dma_semaphore, #tpu.memory_space<semaphore_mem>>)
    %mul3A_45 = arith.constant 640 : i32
    %mul3A_46 = arith.muli %arg1, %mul3A_45 : i32
    %add3A_47 = arith.constant 240 : i32
    %add3A_48 = arith.addi %mul3A_46, %add3A_47 : i32
    %dma_start3A_49 = arith.constant 0 : i32
    %dma_start3A_50 = arith.constant 0 : i32
    %dma_start3A_51 = tpu.memref_slice %arg11[%dma_start3A_49, %dma_start3A_50] : memref<96x128xf32, #tpu.memory_space<vmem>> -> memref<80x128xf32, #tpu.memory_space<vmem>>
    %dma_start3A_52 = arith.constant 0 : i32
    %dma_start3A_53 = tpu.memref_slice %arg7[%add3A_48, %dma_start3A_52] : memref<10240x128xf32, #tpu.memory_space<vmem_shared>> -> memref<80x128xf32, #tpu.memory_space<vmem_shared>>
    %dma_start3A_54 = arith.constant 0 : i32
    %dma_start3A_55 = tpu.memref_slice %arg7[%add3A_48, %dma_start3A_54] : memref<10240x128xf32, #tpu.memory_space<vmem_shared>> -> memref<80x128xf32, #tpu.memory_space<vmem_shared>>
    %dma_start3A_56 = arith.constant 0 : i32
    %dma_start3A_57 = arith.constant 0 : i32
    %dma_start3A_58 = tpu.memref_slice %arg11[%dma_start3A_56, %dma_start3A_57] : memref<96x128xf32, #tpu.memory_space<vmem>> -> memref<80x128xf32, #tpu.memory_space<vmem>>
    tpu.enqueue_dma source(%dma_start3A_58 : memref<80x128xf32, #tpu.memory_space<vmem>>) target(%dma_start3A_55 : memref<80x128xf32, #tpu.memory_space<vmem_shared>>) target_semaphore(%arg14 : memref<!tpu.dma_semaphore, #tpu.memory_space<semaphore_mem>>)
    %mul3A_59 = arith.constant 640 : i32
    %mul3A_60 = arith.muli %arg1, %mul3A_59 : i32
    %add3A_61 = arith.constant 320 : i32
    %add3A_62 = arith.addi %mul3A_60, %add3A_61 : i32
    %dma_start3A_63 = arith.constant 0 : i32
    %dma_start3A_64 = arith.constant 0 : i32
    %dma_start3A_65 = tpu.memref_slice %arg11[%dma_start3A_63, %dma_start3A_64] : memref<96x128xf32, #tpu.memory_space<vmem>> -> memref<80x128xf32, #tpu.memory_space<vmem>>
    %dma_start3A_66 = arith.constant 0 : i32
    %dma_start3A_67 = tpu.memref_slice %arg7[%add3A_62, %dma_start3A_66] : memref<10240x128xf32, #tpu.memory_space<vmem_shared>> -> memref<80x128xf32, #tpu.memory_space<vmem_shared>>
    %dma_start3A_68 = arith.constant 0 : i32
    %dma_start3A_69 = tpu.memref_slice %arg7[%add3A_62, %dma_start3A_68] : memref<10240x128xf32, #tpu.memory_space<vmem_shared>> -> memref<80x128xf32, #tpu.memory_space<vmem_shared>>
    %dma_start3A_70 = arith.constant 0 : i32
    %dma_start3A_71 = arith.constant 0 : i32
    %dma_start3A_72 = tpu.memref_slice %arg11[%dma_start3A_70, %dma_start3A_71] : memref<96x128xf32, #tpu.memory_space<vmem>> -> memref<80x128xf32, #tpu.memory_space<vmem>>
    tpu.enqueue_dma source(%dma_start3A_72 : memref<80x128xf32, #tpu.memory_space<vmem>>) target(%dma_start3A_69 : memref<80x128xf32, #tpu.memory_space<vmem_shared>>) target_semaphore(%arg14 : memref<!tpu.dma_semaphore, #tpu.memory_space<semaphore_mem>>)
    %mul3A_73 = arith.constant 640 : i32
    %mul3A_74 = arith.muli %arg1, %mul3A_73 : i32
    %add3A_75 = arith.constant 400 : i32
    %add3A_76 = arith.addi %mul3A_74, %add3A_75 : i32
    %dma_start3A_77 = arith.constant 0 : i32
    %dma_start3A_78 = arith.constant 0 : i32
    %dma_start3A_79 = tpu.memref_slice %arg11[%dma_start3A_77, %dma_start3A_78] : memref<96x128xf32, #tpu.memory_space<vmem>> -> memref<80x128xf32, #tpu.memory_space<vmem>>
    %dma_start3A_80 = arith.constant 0 : i32
    %dma_start3A_81 = tpu.memref_slice %arg7[%add3A_76, %dma_start3A_80] : memref<10240x128xf32, #tpu.memory_space<vmem_shared>> -> memref<80x128xf32, #tpu.memory_space<vmem_shared>>
    %dma_start3A_82 = arith.constant 0 : i32
    %dma_start3A_83 = tpu.memref_slice %arg7[%add3A_76, %dma_start3A_82] : memref<10240x128xf32, #tpu.memory_space<vmem_shared>> -> memref<80x128xf32, #tpu.memory_space<vmem_shared>>
    %dma_start3A_84 = arith.constant 0 : i32
    %dma_start3A_85 = arith.constant 0 : i32
    %dma_start3A_86 = tpu.memref_slice %arg11[%dma_start3A_84, %dma_start3A_85] : memref<96x128xf32, #tpu.memory_space<vmem>> -> memref<80x128xf32, #tpu.memory_space<vmem>>
    tpu.enqueue_dma source(%dma_start3A_86 : memref<80x128xf32, #tpu.memory_space<vmem>>) target(%dma_start3A_83 : memref<80x128xf32, #tpu.memory_space<vmem_shared>>) target_semaphore(%arg14 : memref<!tpu.dma_semaphore, #tpu.memory_space<semaphore_mem>>)
    %mul3A_87 = arith.constant 640 : i32
    %mul3A_88 = arith.muli %arg1, %mul3A_87 : i32
    %add3A_89 = arith.constant 480 : i32
    %add3A_90 = arith.addi %mul3A_88, %add3A_89 : i32
    %dma_start3A_91 = arith.constant 0 : i32
    %dma_start3A_92 = arith.constant 0 : i32
    %dma_start3A_93 = tpu.memref_slice %arg11[%dma_start3A_91, %dma_start3A_92] : memref<96x128xf32, #tpu.memory_space<vmem>> -> memref<80x128xf32, #tpu.memory_space<vmem>>
    %dma_start3A_94 = arith.constant 0 : i32
    %dma_start3A_95 = tpu.memref_slice %arg7[%add3A_90, %dma_start3A_94] : memref<10240x128xf32, #tpu.memory_space<vmem_shared>> -> memref<80x128xf32, #tpu.memory_space<vmem_shared>>
    %dma_start3A_96 = arith.constant 0 : i32
    %dma_start3A_97 = tpu.memref_slice %arg7[%add3A_90, %dma_start3A_96] : memref<10240x128xf32, #tpu.memory_space<vmem_shared>> -> memref<80x128xf32, #tpu.memory_space<vmem_shared>>
    %dma_start3A_98 = arith.constant 0 : i32
    %dma_start3A_99 = arith.constant 0 : i32
    %dma_start3A_100 = tpu.memref_slice %arg11[%dma_start3A_98, %dma_start3A_99] : memref<96x128xf32, #tpu.memory_space<vmem>> -> memref<80x128xf32, #tpu.memory_space<vmem>>
    tpu.enqueue_dma source(%dma_start3A_100 : memref<80x128xf32, #tpu.memory_space<vmem>>) target(%dma_start3A_97 : memref<80x128xf32, #tpu.memory_space<vmem_shared>>) target_semaphore(%arg14 : memref<!tpu.dma_semaphore, #tpu.memory_space<semaphore_mem>>)
    %mul3A_101 = arith.constant 640 : i32
    %mul3A_102 = arith.muli %arg1, %mul3A_101 : i32
    %add3A_103 = arith.constant 560 : i32
    %add3A_104 = arith.addi %mul3A_102, %add3A_103 : i32
    %dma_start3A_105 = arith.constant 0 : i32
    %dma_start3A_106 = arith.constant 0 : i32
    %dma_start3A_107 = tpu.memref_slice %arg11[%dma_start3A_105, %dma_start3A_106] : memref<96x128xf32, #tpu.memory_space<vmem>> -> memref<80x128xf32, #tpu.memory_space<vmem>>
    %dma_start3A_108 = arith.constant 0 : i32
    %dma_start3A_109 = tpu.memref_slice %arg7[%add3A_104, %dma_start3A_108] : memref<10240x128xf32, #tpu.memory_space<vmem_shared>> -> memref<80x128xf32, #tpu.memory_space<vmem_shared>>
    %dma_start3A_110 = arith.constant 0 : i32
    %dma_start3A_111 = tpu.memref_slice %arg7[%add3A_104, %dma_start3A_110] : memref<10240x128xf32, #tpu.memory_space<vmem_shared>> -> memref<80x128xf32, #tpu.memory_space<vmem_shared>>
    %dma_start3A_112 = arith.constant 0 : i32
    %dma_start3A_113 = arith.constant 0 : i32
    %dma_start3A_114 = tpu.memref_slice %arg11[%dma_start3A_112, %dma_start3A_113] : memref<96x128xf32, #tpu.memory_space<vmem>> -> memref<80x128xf32, #tpu.memory_space<vmem>>
    tpu.enqueue_dma source(%dma_start3A_114 : memref<80x128xf32, #tpu.memory_space<vmem>>) target(%dma_start3A_111 : memref<80x128xf32, #tpu.memory_space<vmem_shared>>) target_semaphore(%arg14 : memref<!tpu.dma_semaphore, #tpu.memory_space<semaphore_mem>>)
    %mul3A_115 = arith.constant 640 : i32
    %mul3A_116 = arith.muli %arg1, %mul3A_115 : i32
    %dma_wait3A = arith.constant 0 : i32
    %dma_wait3A_117 = arith.constant 0 : i32
    %dma_wait3A_118 = tpu.memref_slice %arg11[%dma_wait3A, %dma_wait3A_117] : memref<96x128xf32, #tpu.memory_space<vmem>> -> memref<80x128xf32, #tpu.memory_space<vmem>>
    %dma_wait3A_119 = arith.constant 0 : i32
    %dma_wait3A_120 = tpu.memref_slice %arg7[%mul3A_116, %dma_wait3A_119] : memref<10240x128xf32, #tpu.memory_space<vmem_shared>> -> memref<80x128xf32, #tpu.memory_space<vmem_shared>>
    %dma_wait3A_121 = arith.constant 0 : i32
    %dma_wait3A_122 = tpu.memref_slice %arg7[%mul3A_116, %dma_wait3A_121] : memref<10240x128xf32, #tpu.memory_space<vmem_shared>> -> memref<80x128xf32, #tpu.memory_space<vmem_shared>>
    %dma_wait3A_123 = arith.constant 0 : i32
    %dma_wait3A_124 = arith.constant 0 : i32
    %dma_wait3A_125 = tpu.memref_slice %arg11[%dma_wait3A_123, %dma_wait3A_124] : memref<96x128xf32, #tpu.memory_space<vmem>> -> memref<80x128xf32, #tpu.memory_space<vmem>>
    tpu.wait_dma2 semaphore(%arg14 : memref<!tpu.dma_semaphore, #tpu.memory_space<semaphore_mem>>) src(%dma_wait3A_125 : memref<80x128xf32, #tpu.memory_space<vmem>>) dst(%dma_wait3A_122 : memref<80x128xf32, #tpu.memory_space<vmem_shared>>)
    %mul3A_126 = arith.constant 640 : i32
    %mul3A_127 = arith.muli %arg1, %mul3A_126 : i32
    %dma_wait3A_128 = arith.constant 0 : i32
    %dma_wait3A_129 = arith.constant 0 : i32
    %dma_wait3A_130 = tpu.memref_slice %arg11[%dma_wait3A_128, %dma_wait3A_129] : memref<96x128xf32, #tpu.memory_space<vmem>> -> memref<80x128xf32, #tpu.memory_space<vmem>>
    %dma_wait3A_131 = arith.constant 0 : i32
    %dma_wait3A_132 = tpu.memref_slice %arg7[%mul3A_127, %dma_wait3A_131] : memref<10240x128xf32, #tpu.memory_space<vmem_shared>> -> memref<80x128xf32, #tpu.memory_space<vmem_shared>>
    %dma_wait3A_133 = arith.constant 0 : i32
    %dma_wait3A_134 = tpu.memref_slice %arg7[%mul3A_127, %dma_wait3A_133] : memref<10240x128xf32, #tpu.memory_space<vmem_shared>> -> memref<80x128xf32, #tpu.memory_space<vmem_shared>>
    %dma_wait3A_135 = arith.constant 0 : i32
    %dma_wait3A_136 = arith.constant 0 : i32
    %dma_wait3A_137 = tpu.memref_slice %arg11[%dma_wait3A_135, %dma_wait3A_136] : memref<96x128xf32, #tpu.memory_space<vmem>> -> memref<80x128xf32, #tpu.memory_space<vmem>>
    tpu.wait_dma2 semaphore(%arg14 : memref<!tpu.dma_semaphore, #tpu.memory_space<semaphore_mem>>) src(%dma_wait3A_137 : memref<80x128xf32, #tpu.memory_space<vmem>>) dst(%dma_wait3A_134 : memref<80x128xf32, #tpu.memory_space<vmem_shared>>)
    %mul3A_138 = arith.constant 640 : i32
    %mul3A_139 = arith.muli %arg1, %mul3A_138 : i32
    %dma_wait3A_140 = arith.constant 0 : i32
    %dma_wait3A_141 = arith.constant 0 : i32
    %dma_wait3A_142 = tpu.memref_slice %arg11[%dma_wait3A_140, %dma_wait3A_141] : memref<96x128xf32, #tpu.memory_space<vmem>> -> memref<80x128xf32, #tpu.memory_space<vmem>>
    %dma_wait3A_143 = arith.constant 0 : i32
    %dma_wait3A_144 = tpu.memref_slice %arg7[%mul3A_139, %dma_wait3A_143] : memref<10240x128xf32, #tpu.memory_space<vmem_shared>> -> memref<80x128xf32, #tpu.memory_space<vmem_shared>>
    %dma_wait3A_145 = arith.constant 0 : i32
    %dma_wait3A_146 = tpu.memref_slice %arg7[%mul3A_139, %dma_wait3A_145] : memref<10240x128xf32, #tpu.memory_space<vmem_shared>> -> memref<80x128xf32, #tpu.memory_space<vmem_shared>>
    %dma_wait3A_147 = arith.constant 0 : i32
    %dma_wait3A_148 = arith.constant 0 : i32
    %dma_wait3A_149 = tpu.memref_slice %arg11[%dma_wait3A_147, %dma_wait3A_148] : memref<96x128xf32, #tpu.memory_space<vmem>> -> memref<80x128xf32, #tpu.memory_space<vmem>>
    tpu.wait_dma2 semaphore(%arg14 : memref<!tpu.dma_semaphore, #tpu.memory_space<semaphore_mem>>) src(%dma_wait3A_149 : memref<80x128xf32, #tpu.memory_space<vmem>>) dst(%dma_wait3A_146 : memref<80x128xf32, #tpu.memory_space<vmem_shared>>)
    %mul3A_150 = arith.constant 640 : i32
    %mul3A_151 = arith.muli %arg1, %mul3A_150 : i32
    %dma_wait3A_152 = arith.constant 0 : i32
    %dma_wait3A_153 = arith.constant 0 : i32
    %dma_wait3A_154 = tpu.memref_slice %arg11[%dma_wait3A_152, %dma_wait3A_153] : memref<96x128xf32, #tpu.memory_space<vmem>> -> memref<80x128xf32, #tpu.memory_space<vmem>>
    %dma_wait3A_155 = arith.constant 0 : i32
    %dma_wait3A_156 = tpu.memref_slice %arg7[%mul3A_151, %dma_wait3A_155] : memref<10240x128xf32, #tpu.memory_space<vmem_shared>> -> memref<80x128xf32, #tpu.memory_space<vmem_shared>>
    %dma_wait3A_157 = arith.constant 0 : i32
    %dma_wait3A_158 = tpu.memref_slice %arg7[%mul3A_151, %dma_wait3A_157] : memref<10240x128xf32, #tpu.memory_space<vmem_shared>> -> memref<80x128xf32, #tpu.memory_space<vmem_shared>>
    %dma_wait3A_159 = arith.constant 0 : i32
    %dma_wait3A_160 = arith.constant 0 : i32
    %dma_wait3A_161 = tpu.memref_slice %arg11[%dma_wait3A_159, %dma_wait3A_160] : memref<96x128xf32, #tpu.memory_space<vmem>> -> memref<80x128xf32, #tpu.memory_space<vmem>>
    tpu.wait_dma2 semaphore(%arg14 : memref<!tpu.dma_semaphore, #tpu.memory_space<semaphore_mem>>) src(%dma_wait3A_161 : memref<80x128xf32, #tpu.memory_space<vmem>>) dst(%dma_wait3A_158 : memref<80x128xf32, #tpu.memory_space<vmem_shared>>)
    %mul3A_162 = arith.constant 640 : i32
    %mul3A_163 = arith.muli %arg1, %mul3A_162 : i32
    %dma_wait3A_164 = arith.constant 0 : i32
    %dma_wait3A_165 = arith.constant 0 : i32
    %dma_wait3A_166 = tpu.memref_slice %arg11[%dma_wait3A_164, %dma_wait3A_165] : memref<96x128xf32, #tpu.memory_space<vmem>> -> memref<80x128xf32, #tpu.memory_space<vmem>>
    %dma_wait3A_167 = arith.constant 0 : i32
    %dma_wait3A_168 = tpu.memref_slice %arg7[%mul3A_163, %dma_wait3A_167] : memref<10240x128xf32, #tpu.memory_space<vmem_shared>> -> memref<80x128xf32, #tpu.memory_space<vmem_shared>>
    %dma_wait3A_169 = arith.constant 0 : i32
    %dma_wait3A_170 = tpu.memref_slice %arg7[%mul3A_163, %dma_wait3A_169] : memref<10240x128xf32, #tpu.memory_space<vmem_shared>> -> memref<80x128xf32, #tpu.memory_space<vmem_shared>>
    %dma_wait3A_171 = arith.constant 0 : i32
    %dma_wait3A_172 = arith.constant 0 : i32
    %dma_wait3A_173 = tpu.memref_slice %arg11[%dma_wait3A_171, %dma_wait3A_172] : memref<96x128xf32, #tpu.memory_space<vmem>> -> memref<80x128xf32, #tpu.memory_space<vmem>>
    tpu.wait_dma2 semaphore(%arg14 : memref<!tpu.dma_semaphore, #tpu.memory_space<semaphore_mem>>) src(%dma_wait3A_173 : memref<80x128xf32, #tpu.memory_space<vmem>>) dst(%dma_wait3A_170 : memref<80x128xf32, #tpu.memory_space<vmem_shared>>)
    %mul3A_174 = arith.constant 640 : i32
    %mul3A_175 = arith.muli %arg1, %mul3A_174 : i32
    %dma_wait3A_176 = arith.constant 0 : i32
    %dma_wait3A_177 = arith.constant 0 : i32
    %dma_wait3A_178 = tpu.memref_slice %arg11[%dma_wait3A_176, %dma_wait3A_177] : memref<96x128xf32, #tpu.memory_space<vmem>> -> memref<80x128xf32, #tpu.memory_space<vmem>>
    %dma_wait3A_179 = arith.constant 0 : i32
    %dma_wait3A_180 = tpu.memref_slice %arg7[%mul3A_175, %dma_wait3A_179] : memref<10240x128xf32, #tpu.memory_space<vmem_shared>> -> memref<80x128xf32, #tpu.memory_space<vmem_shared>>
    %dma_wait3A_181 = arith.constant 0 : i32
    %dma_wait3A_182 = tpu.memref_slice %arg7[%mul3A_175, %dma_wait3A_181] : memref<10240x128xf32, #tpu.memory_space<vmem_shared>> -> memref<80x128xf32, #tpu.memory_space<vmem_shared>>
    %dma_wait3A_183 = arith.constant 0 : i32
    %dma_wait3A_184 = arith.constant 0 : i32
    %dma_wait3A_185 = tpu.memref_slice %arg11[%dma_wait3A_183, %dma_wait3A_184] : memref<96x128xf32, #tpu.memory_space<vmem>> -> memref<80x128xf32, #tpu.memory_space<vmem>>
    tpu.wait_dma2 semaphore(%arg14 : memref<!tpu.dma_semaphore, #tpu.memory_space<semaphore_mem>>) src(%dma_wait3A_185 : memref<80x128xf32, #tpu.memory_space<vmem>>) dst(%dma_wait3A_182 : memref<80x128xf32, #tpu.memory_space<vmem_shared>>)
    %mul3A_186 = arith.constant 640 : i32
    %mul3A_187 = arith.muli %arg1, %mul3A_186 : i32
    %dma_wait3A_188 = arith.constant 0 : i32
    %dma_wait3A_189 = arith.constant 0 : i32
    %dma_wait3A_190 = tpu.memref_slice %arg11[%dma_wait3A_188, %dma_wait3A_189] : memref<96x128xf32, #tpu.memory_space<vmem>> -> memref<80x128xf32, #tpu.memory_space<vmem>>
    %dma_wait3A_191 = arith.constant 0 : i32
    %dma_wait3A_192 = tpu.memref_slice %arg7[%mul3A_187, %dma_wait3A_191] : memref<10240x128xf32, #tpu.memory_space<vmem_shared>> -> memref<80x128xf32, #tpu.memory_space<vmem_shared>>
    %dma_wait3A_193 = arith.constant 0 : i32
    %dma_wait3A_194 = tpu.memref_slice %arg7[%mul3A_187, %dma_wait3A_193] : memref<10240x128xf32, #tpu.memory_space<vmem_shared>> -> memref<80x128xf32, #tpu.memory_space<vmem_shared>>
    %dma_wait3A_195 = arith.constant 0 : i32
    %dma_wait3A_196 = arith.constant 0 : i32
    %dma_wait3A_197 = tpu.memref_slice %arg11[%dma_wait3A_195, %dma_wait3A_196] : memref<96x128xf32, #tpu.memory_space<vmem>> -> memref<80x128xf32, #tpu.memory_space<vmem>>
    tpu.wait_dma2 semaphore(%arg14 : memref<!tpu.dma_semaphore, #tpu.memory_space<semaphore_mem>>) src(%dma_wait3A_197 : memref<80x128xf32, #tpu.memory_space<vmem>>) dst(%dma_wait3A_194 : memref<80x128xf32, #tpu.memory_space<vmem_shared>>)
    %mul3A_198 = arith.constant 640 : i32
    %mul3A_199 = arith.muli %arg1, %mul3A_198 : i32
    %dma_wait3A_200 = arith.constant 0 : i32
    %dma_wait3A_201 = arith.constant 0 : i32
    %dma_wait3A_202 = tpu.memref_slice %arg11[%dma_wait3A_200, %dma_wait3A_201] : memref<96x128xf32, #tpu.memory_space<vmem>> -> memref<80x128xf32, #tpu.memory_space<vmem>>
    %dma_wait3A_203 = arith.constant 0 : i32
    %dma_wait3A_204 = tpu.memref_slice %arg7[%mul3A_199, %dma_wait3A_203] : memref<10240x128xf32, #tpu.memory_space<vmem_shared>> -> memref<80x128xf32, #tpu.memory_space<vmem_shared>>
    %dma_wait3A_205 = arith.constant 0 : i32
    %dma_wait3A_206 = tpu.memref_slice %arg7[%mul3A_199, %dma_wait3A_205] : memref<10240x128xf32, #tpu.memory_space<vmem_shared>> -> memref<80x128xf32, #tpu.memory_space<vmem_shared>>
    %dma_wait3A_207 = arith.constant 0 : i32
    %dma_wait3A_208 = arith.constant 0 : i32
    %dma_wait3A_209 = tpu.memref_slice %arg11[%dma_wait3A_207, %dma_wait3A_208] : memref<96x128xf32, #tpu.memory_space<vmem>> -> memref<80x128xf32, #tpu.memory_space<vmem>>
    tpu.wait_dma2 semaphore(%arg14 : memref<!tpu.dma_semaphore, #tpu.memory_space<semaphore_mem>>) src(%dma_wait3A_209 : memref<80x128xf32, #tpu.memory_space<vmem>>) dst(%dma_wait3A_206 : memref<80x128xf32, #tpu.memory_space<vmem_shared>>)
    %barrier3A = arith.constant 0 : index
    tpu.barrier barrier_id(%barrier3A)
    %sub3A = arith.constant 0 : i32
    %sub3A_210 = arith.subi %select_n3A, %sub3A : i32
    %sub3A_211 = arith.constant 1 : i32
    %sub3A_212 = arith.constant 1 : i32
    %sub3A_213 = arith.subi %sub3A_211, %sub3A_212 : i32
    %add3A_214 = arith.addi %sub3A_210, %sub3A_213 : i32
    %div3A = arith.constant 1 : i32
    %div3A_215 = arith.divsi %add3A_214, %div3A : i32
    %while3A = arith.constant 1 : i32
    %while3A_216 = arith.constant 0 : i32
    %while3A_217 = arith.constant 0 : i32
    %while3A_218 = arith.subi %div3A_215, %while3A_217 : i32
    %while3A_219 = arith.addi %while3A_217, %while3A_218 : i32
    %while3A_220 = arith.constant 1 : i32
    %while3A_221 = arith.divsi %while3A_218, %while3A_220 : i32
    %while3A_222 = arith.muli %while3A_221, %while3A_220 : i32
    %while3A_223 = arith.addi %while3A_217, %while3A_222 : i32
    %while3A_224 = arith.constant 1 : i32
    scf.for %while3A_371 = %while3A_217 to %while3A_223 step %while3A_224  : i32 {
      %mul3A_372 = arith.muli %while3A_371, %while3A : i32
      %add3A_373 = arith.addi %while3A_216, %mul3A_372 : i32
      %mul3A_374 = arith.constant 8 : i32
      %mul3A_375 = arith.muli %arg1, %mul3A_374 : i32
      %mul3A_376 = arith.constant 5 : i32
      %mul3A_377 = arith.muli %arg0, %mul3A_376 : i32
      %add3A_378 = arith.addi %mul3A_375, %mul3A_377 : i32
      %add3A_379 = arith.addi %add3A_378, %add3A_373 : i32
      %mul3A_380 = arith.constant 2592 : i32
      %mul3A_381 = arith.muli %add3A_379, %mul3A_380 : i32
      "tpu.region"() ({
        %run_scoped3A = tpu.sem_alloc : memref<!tpu.dma_semaphore, #tpu.memory_space<semaphore_mem>>
        %dma_start3A_406 = tpu.memref_slice %arg2[%mul3A_381] : memref<331776xi32, #tpu.memory_space<hbm>> -> memref<2592xi32, #tpu.memory_space<hbm>>
        %dma_start3A_407 = tpu.memref_slice %arg2[%mul3A_381] : memref<331776xi32, #tpu.memory_space<hbm>> -> memref<2592xi32, #tpu.memory_space<hbm>>
        tpu.enqueue_dma source(%dma_start3A_407 : memref<2592xi32, #tpu.memory_space<hbm>>) target(%arg8 : memref<2592xi32, #tpu.memory_space<vmem>>) target_semaphore(%run_scoped3A : memref<!tpu.dma_semaphore, #tpu.memory_space<semaphore_mem>>)
        %dma_wait3A_408 = tpu.memref_slice %arg2[%mul3A_381] : memref<331776xi32, #tpu.memory_space<hbm>> -> memref<2592xi32, #tpu.memory_space<hbm>>
        %dma_wait3A_409 = tpu.memref_slice %arg2[%mul3A_381] : memref<331776xi32, #tpu.memory_space<hbm>> -> memref<2592xi32, #tpu.memory_space<hbm>>
        tpu.wait_dma2 semaphore(%run_scoped3A : memref<!tpu.dma_semaphore, #tpu.memory_space<semaphore_mem>>) src(%dma_wait3A_409 : memref<2592xi32, #tpu.memory_space<hbm>>) dst(%arg8 : memref<2592xi32, #tpu.memory_space<vmem>>)
        tpu.yield
      }) : () -> ()
      "tpu.region"() ({
        %run_scoped3A = tpu.sem_alloc : memref<!tpu.dma_semaphore, #tpu.memory_space<semaphore_mem>>
        %dma_start3A_406 = arith.constant 0 : i32
        %dma_start3A_407 = arith.constant 0 : i32
        %dma_start3A_408 = tpu.memref_slice %arg3[%add3A_379, %dma_start3A_406, %dma_start3A_407] : memref<128x27x96xi32, #tpu.memory_space<hbm>> -> memref<1x27x96xi32, #tpu.memory_space<hbm>>
        %dma_start3A_409 = tpu.memref_squeeze %dma_start3A_408 : memref<1x27x96xi32, #tpu.memory_space<hbm>> -> memref<27x96xi32, #tpu.memory_space<hbm>>
        %dma_start3A_410 = arith.constant 0 : i32
        %dma_start3A_411 = arith.constant 0 : i32
        %dma_start3A_412 = tpu.memref_slice %arg3[%add3A_379, %dma_start3A_410, %dma_start3A_411] : memref<128x27x96xi32, #tpu.memory_space<hbm>> -> memref<1x27x96xi32, #tpu.memory_space<hbm>>
        %dma_start3A_413 = tpu.memref_squeeze %dma_start3A_412 : memref<1x27x96xi32, #tpu.memory_space<hbm>> -> memref<27x96xi32, #tpu.memory_space<hbm>>
        tpu.enqueue_dma source(%dma_start3A_413 : memref<27x96xi32, #tpu.memory_space<hbm>>) target(%arg9 : memref<27x96xi32, #tpu.memory_space<vmem>>) target_semaphore(%run_scoped3A : memref<!tpu.dma_semaphore, #tpu.memory_space<semaphore_mem>>)
        %dma_wait3A_414 = arith.constant 0 : i32
        %dma_wait3A_415 = arith.constant 0 : i32
        %dma_wait3A_416 = tpu.memref_slice %arg3[%add3A_379, %dma_wait3A_414, %dma_wait3A_415] : memref<128x27x96xi32, #tpu.memory_space<hbm>> -> memref<1x27x96xi32, #tpu.memory_space<hbm>>
        %dma_wait3A_417 = tpu.memref_squeeze %dma_wait3A_416 : memref<1x27x96xi32, #tpu.memory_space<hbm>> -> memref<27x96xi32, #tpu.memory_space<hbm>>
        %dma_wait3A_418 = arith.constant 0 : i32
        %dma_wait3A_419 = arith.constant 0 : i32
        %dma_wait3A_420 = tpu.memref_slice %arg3[%add3A_379, %dma_wait3A_418, %dma_wait3A_419] : memref<128x27x96xi32, #tpu.memory_space<hbm>> -> memref<1x27x96xi32, #tpu.memory_space<hbm>>
        %dma_wait3A_421 = tpu.memref_squeeze %dma_wait3A_420 : memref<1x27x96xi32, #tpu.memory_space<hbm>> -> memref<27x96xi32, #tpu.memory_space<hbm>>
        tpu.wait_dma2 semaphore(%run_scoped3A : memref<!tpu.dma_semaphore, #tpu.memory_space<semaphore_mem>>) src(%dma_wait3A_421 : memref<27x96xi32, #tpu.memory_space<hbm>>) dst(%arg9 : memref<27x96xi32, #tpu.memory_space<vmem>>)
        tpu.yield
      }) : () -> ()
      "tpu.region"() ({
        %run_scoped3A = tpu.sem_alloc : memref<!tpu.dma_semaphore, #tpu.memory_space<semaphore_mem>>
        %dma_start3A_406 = tpu.memref_slice %arg4[%mul3A_381] : memref<331776xf32, #tpu.memory_space<hbm>> -> memref<2592xf32, #tpu.memory_space<hbm>>
        %dma_start3A_407 = tpu.memref_slice %arg4[%mul3A_381] : memref<331776xf32, #tpu.memory_space<hbm>> -> memref<2592xf32, #tpu.memory_space<hbm>>
        tpu.enqueue_dma source(%dma_start3A_407 : memref<2592xf32, #tpu.memory_space<hbm>>) target(%arg10 : memref<2592xf32, #tpu.memory_space<vmem>>) target_semaphore(%run_scoped3A : memref<!tpu.dma_semaphore, #tpu.memory_space<semaphore_mem>>)
        %dma_wait3A_408 = tpu.memref_slice %arg4[%mul3A_381] : memref<331776xf32, #tpu.memory_space<hbm>> -> memref<2592xf32, #tpu.memory_space<hbm>>
        %dma_wait3A_409 = tpu.memref_slice %arg4[%mul3A_381] : memref<331776xf32, #tpu.memory_space<hbm>> -> memref<2592xf32, #tpu.memory_space<hbm>>
        tpu.wait_dma2 semaphore(%run_scoped3A : memref<!tpu.dma_semaphore, #tpu.memory_space<semaphore_mem>>) src(%dma_wait3A_409 : memref<2592xf32, #tpu.memory_space<hbm>>) dst(%arg10 : memref<2592xf32, #tpu.memory_space<vmem>>)
        tpu.yield
      }) : () -> ()
      %dma_start3A_382 = arith.constant 0 : i32
      %dma_start3A_383 = tpu.memref_slice %arg8[%dma_start3A_382] : memref<2592xi32, #tpu.memory_space<vmem>> -> memref<96xi32, #tpu.memory_space<vmem>>
      %dma_start3A_384 = arith.constant 0 : i32
      %dma_start3A_385 = arith.constant 0 : i32
      %dma_start3A_386 = tpu.memref_slice %arg5[%dma_start3A_384, %dma_start3A_385] : memref<10240x128xf32, #tpu.memory_space<hbm>> -> memref<10240x128xf32, #tpu.memory_space<hbm>>
      tpu.enqueue_indirect_dma source(%dma_start3A_386 : memref<10240x128xf32, #tpu.memory_space<hbm>>) target(%arg11 : memref<96x128xf32, #tpu.memory_space<vmem>>) offsets(%dma_start3A_383 : memref<96xi32, #tpu.memory_space<vmem>>) semaphore(%arg14 : memref<!tpu.dma_semaphore, #tpu.memory_space<semaphore_mem>>)
      %scan3A_387 = arith.constant 0 : i32
      %scan3A_388 = arith.constant 9 : i32
      %scan3A_389 = arith.addi %scan3A_387, %scan3A_388 : i32
      %scan3A_390 = arith.constant 1 : i32
      scf.for %scan3A_406 = %scan3A_387 to %scan3A_389 step %scan3A_390  : i32 {
        %mul3A_407 = arith.constant 1 : i32
        %mul3A_408 = arith.muli %scan3A_406, %mul3A_407 : i32
        %add3A_409 = arith.constant 0 : i32
        %add3A_410 = arith.addi %add3A_409, %mul3A_408 : i32
        %mul3A_411 = arith.constant 3 : i32
        %mul3A_412 = arith.muli %add3A_410, %mul3A_411 : i32
        %gt3A = arith.constant 0 : i32
        %gt3A_413 = arith.cmpi sgt, %add3A_410, %gt3A : i32
        %convert_element_type3A = arith.extui %gt3A_413 : i1 to i32
        %cond3A = arith.constant 0 : i32
        %cond3A_414 = arith.cmpi ne, %convert_element_type3A, %cond3A : i32
        scf.if %cond3A_414 {
          %dma_wait3A_496 = arith.constant 0 : i32
          %dma_wait3A_497 = arith.constant 0 : i32
          %dma_wait3A_498 = tpu.memref_slice %arg9[%dma_wait3A_496, %dma_wait3A_497] : memref<27x96xi32, #tpu.memory_space<vmem>> -> memref<1x96xi32, #tpu.memory_space<vmem>>
          %dma_wait3A_499 = tpu.memref_squeeze %dma_wait3A_498 : memref<1x96xi32, #tpu.memory_space<vmem>> -> memref<96xi32, #tpu.memory_space<vmem>>
          %dma_wait3A_500 = arith.constant 0 : i32
          %dma_wait3A_501 = arith.constant 0 : i32
          %dma_wait3A_502 = tpu.memref_slice %arg7[%dma_wait3A_500, %dma_wait3A_501] : memref<10240x128xf32, #tpu.memory_space<vmem_shared>> -> memref<10240x128xf32, #tpu.memory_space<vmem_shared>>
          tpu.wait_indirect_dma semaphore(%arg18 : memref<!tpu.dma_semaphore, #tpu.memory_space<semaphore_mem>>) src(%arg12 : memref<96x128xf32, #tpu.memory_space<vmem>>) dst(%dma_wait3A_502 : memref<10240x128xf32, #tpu.memory_space<vmem_shared>>)
        } else {
        }
        %add3A_415 = arith.constant 1 : i32
        %add3A_416 = arith.addi %mul3A_412, %add3A_415 : i32
        %mul3A_417 = arith.constant 96 : i32
        %mul3A_418 = arith.muli %add3A_416, %mul3A_417 : i32
        %dma_start3A_419 = tpu.memref_slice %arg8[%mul3A_418] : memref<2592xi32, #tpu.memory_space<vmem>> -> memref<96xi32, #tpu.memory_space<vmem>>
        %dma_start3A_420 = arith.constant 0 : i32
        %dma_start3A_421 = arith.constant 0 : i32
        %dma_start3A_422 = tpu.memref_slice %arg5[%dma_start3A_420, %dma_start3A_421] : memref<10240x128xf32, #tpu.memory_space<hbm>> -> memref<10240x128xf32, #tpu.memory_space<hbm>>
        tpu.enqueue_indirect_dma source(%dma_start3A_422 : memref<10240x128xf32, #tpu.memory_space<hbm>>) target(%arg12 : memref<96x128xf32, #tpu.memory_space<vmem>>) offsets(%dma_start3A_419 : memref<96xi32, #tpu.memory_space<vmem>>) semaphore(%arg15 : memref<!tpu.dma_semaphore, #tpu.memory_space<semaphore_mem>>)
        %dma_wait3A_423 = arith.constant 0 : i32
        %dma_wait3A_424 = tpu.memref_slice %arg8[%dma_wait3A_423] : memref<2592xi32, #tpu.memory_space<vmem>> -> memref<96xi32, #tpu.memory_space<vmem>>
        %dma_wait3A_425 = arith.constant 0 : i32
        %dma_wait3A_426 = arith.constant 0 : i32
        %dma_wait3A_427 = tpu.memref_slice %arg5[%dma_wait3A_425, %dma_wait3A_426] : memref<10240x128xf32, #tpu.memory_space<hbm>> -> memref<10240x128xf32, #tpu.memory_space<hbm>>
        tpu.wait_indirect_dma semaphore(%arg14 : memref<!tpu.dma_semaphore, #tpu.memory_space<semaphore_mem>>) src(%dma_wait3A_427 : memref<10240x128xf32, #tpu.memory_space<hbm>>) dst(%arg11 : memref<96x128xf32, #tpu.memory_space<vmem>>)
        %parallel_loop3A = arith.constant 0 : i32
        %parallel_loop3A_428 = arith.constant 96 : i32
        %parallel_loop3A_429 = arith.constant 1 : i32
        scf.for %parallel_loop3A_496 = %parallel_loop3A to %parallel_loop3A_428 step %parallel_loop3A_429  : i32 {
          %parallel_loop3A_497 = arith.constant 0 : i32
          %parallel_loop3A_498 = vector.broadcast %parallel_loop3A_497 : i32 to vector<16xi32>
          %parallel_loop3A_499 = arith.constant 96 : i32
          %parallel_loop3A_500 = arith.muli %mul3A_412, %parallel_loop3A_499 : i32
          %parallel_loop3A_501 = arith.addi %parallel_loop3A_500, %parallel_loop3A_496 : i32
          %parallel_loop3A_502 = vector.broadcast %parallel_loop3A_501 : i32 to vector<16xi32>
          %parallel_loop3A_503 = arith.addi %parallel_loop3A_498, %parallel_loop3A_502 : vector<16xi32>
          %parallel_loop3A_504 = tpu.vector_load_idx %arg10[%parallel_loop3A_503] : memref<2592xf32, #tpu.memory_space<vmem>>[vector<16xi32>], vector<16xf32>,
          %parallel_loop3A_505 = arith.index_cast %parallel_loop3A_496 : i32 to index
          %parallel_loop3A_506 = arith.constant 0 : index
          %parallel_loop3A_507 = tpu.vector_load %arg11[%parallel_loop3A_505, %parallel_loop3A_506] {strides = array<i32>} : memref<96x128xf32, #tpu.memory_space<vmem>>, vector<16xf32>,
          %parallel_loop3A_508 = arith.mulf %parallel_loop3A_507, %parallel_loop3A_504 : vector<16xf32>
          %parallel_loop3A_509 = arith.index_cast %parallel_loop3A_496 : i32 to index
          %parallel_loop3A_510 = arith.constant 0 : index
          %parallel_loop3A_511 = tpu.vector_load %arg11[%parallel_loop3A_509, %parallel_loop3A_510] {strides = array<i32>} : memref<96x128xf32, #tpu.memory_space<vmem>>, vector<16xf32>,
          tpu.vector_store %arg11[%parallel_loop3A_509, %parallel_loop3A_510], %parallel_loop3A_508 {strides = array<i32>} : memref<96x128xf32, #tpu.memory_space<vmem>>, vector<16xf32>,
          %parallel_loop3A_512 = arith.index_cast %parallel_loop3A_496 : i32 to index
          %parallel_loop3A_513 = arith.constant 16 : index
          %parallel_loop3A_514 = tpu.vector_load %arg11[%parallel_loop3A_512, %parallel_loop3A_513] {strides = array<i32>} : memref<96x128xf32, #tpu.memory_space<vmem>>, vector<16xf32>,
          %parallel_loop3A_515 = arith.mulf %parallel_loop3A_514, %parallel_loop3A_504 : vector<16xf32>
          %parallel_loop3A_516 = arith.index_cast %parallel_loop3A_496 : i32 to index
          %parallel_loop3A_517 = arith.constant 16 : index
          %parallel_loop3A_518 = tpu.vector_load %arg11[%parallel_loop3A_516, %parallel_loop3A_517] {strides = array<i32>} : memref<96x128xf32, #tpu.memory_space<vmem>>, vector<16xf32>,
          tpu.vector_store %arg11[%parallel_loop3A_516, %parallel_loop3A_517], %parallel_loop3A_515 {strides = array<i32>} : memref<96x128xf32, #tpu.memory_space<vmem>>, vector<16xf32>,
          %parallel_loop3A_519 = arith.index_cast %parallel_loop3A_496 : i32 to index
          %parallel_loop3A_520 = arith.constant 32 : index
          %parallel_loop3A_521 = tpu.vector_load %arg11[%parallel_loop3A_519, %parallel_loop3A_520] {strides = array<i32>} : memref<96x128xf32, #tpu.memory_space<vmem>>, vector<16xf32>,
          %parallel_loop3A_522 = arith.mulf %parallel_loop3A_521, %parallel_loop3A_504 : vector<16xf32>
          %parallel_loop3A_523 = arith.index_cast %parallel_loop3A_496 : i32 to index
          %parallel_loop3A_524 = arith.constant 32 : index
          %parallel_loop3A_525 = tpu.vector_load %arg11[%parallel_loop3A_523, %parallel_loop3A_524] {strides = array<i32>} : memref<96x128xf32, #tpu.memory_space<vmem>>, vector<16xf32>,
          tpu.vector_store %arg11[%parallel_loop3A_523, %parallel_loop3A_524], %parallel_loop3A_522 {strides = array<i32>} : memref<96x128xf32, #tpu.memory_space<vmem>>, vector<16xf32>,
          %parallel_loop3A_526 = arith.index_cast %parallel_loop3A_496 : i32 to index
          %parallel_loop3A_527 = arith.constant 48 : index
          %parallel_loop3A_528 = tpu.vector_load %arg11[%parallel_loop3A_526, %parallel_loop3A_527] {strides = array<i32>} : memref<96x128xf32, #tpu.memory_space<vmem>>, vector<16xf32>,
          %parallel_loop3A_529 = arith.mulf %parallel_loop3A_528, %parallel_loop3A_504 : vector<16xf32>
          %parallel_loop3A_530 = arith.index_cast %parallel_loop3A_496 : i32 to index
          %parallel_loop3A_531 = arith.constant 48 : index
          %parallel_loop3A_532 = tpu.vector_load %arg11[%parallel_loop3A_530, %parallel_loop3A_531] {strides = array<i32>} : memref<96x128xf32, #tpu.memory_space<vmem>>, vector<16xf32>,
          tpu.vector_store %arg11[%parallel_loop3A_530, %parallel_loop3A_531], %parallel_loop3A_529 {strides = array<i32>} : memref<96x128xf32, #tpu.memory_space<vmem>>, vector<16xf32>,
          %parallel_loop3A_533 = arith.index_cast %parallel_loop3A_496 : i32 to index
          %parallel_loop3A_534 = arith.constant 64 : index
          %parallel_loop3A_535 = tpu.vector_load %arg11[%parallel_loop3A_533, %parallel_loop3A_534] {strides = array<i32>} : memref<96x128xf32, #tpu.memory_space<vmem>>, vector<16xf32>,
          %parallel_loop3A_536 = arith.mulf %parallel_loop3A_535, %parallel_loop3A_504 : vector<16xf32>
          %parallel_loop3A_537 = arith.index_cast %parallel_loop3A_496 : i32 to index
          %parallel_loop3A_538 = arith.constant 64 : index
          %parallel_loop3A_539 = tpu.vector_load %arg11[%parallel_loop3A_537, %parallel_loop3A_538] {strides = array<i32>} : memref<96x128xf32, #tpu.memory_space<vmem>>, vector<16xf32>,
          tpu.vector_store %arg11[%parallel_loop3A_537, %parallel_loop3A_538], %parallel_loop3A_536 {strides = array<i32>} : memref<96x128xf32, #tpu.memory_space<vmem>>, vector<16xf32>,
          %parallel_loop3A_540 = arith.index_cast %parallel_loop3A_496 : i32 to index
          %parallel_loop3A_541 = arith.constant 80 : index
          %parallel_loop3A_542 = tpu.vector_load %arg11[%parallel_loop3A_540, %parallel_loop3A_541] {strides = array<i32>} : memref<96x128xf32, #tpu.memory_space<vmem>>, vector<16xf32>,
          %parallel_loop3A_543 = arith.mulf %parallel_loop3A_542, %parallel_loop3A_504 : vector<16xf32>
          %parallel_loop3A_544 = arith.index_cast %parallel_loop3A_496 : i32 to index
          %parallel_loop3A_545 = arith.constant 80 : index
          %parallel_loop3A_546 = tpu.vector_load %arg11[%parallel_loop3A_544, %parallel_loop3A_545] {strides = array<i32>} : memref<96x128xf32, #tpu.memory_space<vmem>>, vector<16xf32>,
          tpu.vector_store %arg11[%parallel_loop3A_544, %parallel_loop3A_545], %parallel_loop3A_543 {strides = array<i32>} : memref<96x128xf32, #tpu.memory_space<vmem>>, vector<16xf32>,
          %parallel_loop3A_547 = arith.index_cast %parallel_loop3A_496 : i32 to index
          %parallel_loop3A_548 = arith.constant 96 : index
          %parallel_loop3A_549 = tpu.vector_load %arg11[%parallel_loop3A_547, %parallel_loop3A_548] {strides = array<i32>} : memref<96x128xf32, #tpu.memory_space<vmem>>, vector<16xf32>,
          %parallel_loop3A_550 = arith.mulf %parallel_loop3A_549, %parallel_loop3A_504 : vector<16xf32>
          %parallel_loop3A_551 = arith.index_cast %parallel_loop3A_496 : i32 to index
          %parallel_loop3A_552 = arith.constant 96 : index
          %parallel_loop3A_553 = tpu.vector_load %arg11[%parallel_loop3A_551, %parallel_loop3A_552] {strides = array<i32>} : memref<96x128xf32, #tpu.memory_space<vmem>>, vector<16xf32>,
          tpu.vector_store %arg11[%parallel_loop3A_551, %parallel_loop3A_552], %parallel_loop3A_550 {strides = array<i32>} : memref<96x128xf32, #tpu.memory_space<vmem>>, vector<16xf32>,
          %parallel_loop3A_554 = arith.index_cast %parallel_loop3A_496 : i32 to index
          %parallel_loop3A_555 = arith.constant 112 : index
          %parallel_loop3A_556 = tpu.vector_load %arg11[%parallel_loop3A_554, %parallel_loop3A_555] {strides = array<i32>} : memref<96x128xf32, #tpu.memory_space<vmem>>, vector<16xf32>,
          %parallel_loop3A_557 = arith.mulf %parallel_loop3A_556, %parallel_loop3A_504 : vector<16xf32>
          %parallel_loop3A_558 = arith.index_cast %parallel_loop3A_496 : i32 to index
          %parallel_loop3A_559 = arith.constant 112 : index
          %parallel_loop3A_560 = tpu.vector_load %arg11[%parallel_loop3A_558, %parallel_loop3A_559] {strides = array<i32>} : memref<96x128xf32, #tpu.memory_space<vmem>>, vector<16xf32>,
          tpu.vector_store %arg11[%parallel_loop3A_558, %parallel_loop3A_559], %parallel_loop3A_557 {strides = array<i32>} : memref<96x128xf32, #tpu.memory_space<vmem>>, vector<16xf32>,
        } {sc.loop_unroll_factor = 4 : i64, sc.parallel_access}
        %dma_start3A_430 = arith.constant 0 : i32
        %dma_start3A_431 = tpu.memref_slice %arg9[%mul3A_412, %dma_start3A_430] : memref<27x96xi32, #tpu.memory_space<vmem>> -> memref<1x96xi32, #tpu.memory_space<vmem>>
        %dma_start3A_432 = tpu.memref_squeeze %dma_start3A_431 : memref<1x96xi32, #tpu.memory_space<vmem>> -> memref<96xi32, #tpu.memory_space<vmem>>
        %dma_start3A_433 = arith.constant 0 : i32
        %dma_start3A_434 = arith.constant 0 : i32
        %dma_start3A_435 = tpu.memref_slice %arg7[%dma_start3A_433, %dma_start3A_434] : memref<10240x128xf32, #tpu.memory_space<vmem_shared>> -> memref<10240x128xf32, #tpu.memory_space<vmem_shared>>
        tpu.enqueue_indirect_dma source(%arg11 : memref<96x128xf32, #tpu.memory_space<vmem>>) target(%dma_start3A_435 : memref<10240x128xf32, #tpu.memory_space<vmem_shared>>) offsets(%dma_start3A_432 : memref<96xi32, #tpu.memory_space<vmem>>) semaphore(%arg17 : memref<!tpu.dma_semaphore, #tpu.memory_space<semaphore_mem>>) {add = true}
        %gt3A_436 = arith.constant 0 : i32
        %gt3A_437 = arith.cmpi sgt, %add3A_410, %gt3A_436 : i32
        %convert_element_type3A_438 = arith.extui %gt3A_437 : i1 to i32
        %cond3A_439 = arith.constant 0 : i32
        %cond3A_440 = arith.cmpi ne, %convert_element_type3A_438, %cond3A_439 : i32
        scf.if %cond3A_440 {
          %dma_wait3A_496 = arith.constant 0 : i32
          %dma_wait3A_497 = arith.constant 0 : i32
          %dma_wait3A_498 = tpu.memref_slice %arg9[%dma_wait3A_496, %dma_wait3A_497] : memref<27x96xi32, #tpu.memory_space<vmem>> -> memref<1x96xi32, #tpu.memory_space<vmem>>
          %dma_wait3A_499 = tpu.memref_squeeze %dma_wait3A_498 : memref<1x96xi32, #tpu.memory_space<vmem>> -> memref<96xi32, #tpu.memory_space<vmem>>
          %dma_wait3A_500 = arith.constant 0 : i32
          %dma_wait3A_501 = arith.constant 0 : i32
          %dma_wait3A_502 = tpu.memref_slice %arg7[%dma_wait3A_500, %dma_wait3A_501] : memref<10240x128xf32, #tpu.memory_space<vmem_shared>> -> memref<10240x128xf32, #tpu.memory_space<vmem_shared>>
          tpu.wait_indirect_dma semaphore(%arg19 : memref<!tpu.dma_semaphore, #tpu.memory_space<semaphore_mem>>) src(%arg13 : memref<96x128xf32, #tpu.memory_space<vmem>>) dst(%dma_wait3A_502 : memref<10240x128xf32, #tpu.memory_space<vmem_shared>>)
        } else {
        }
        %add3A_441 = arith.constant 2 : i32
        %add3A_442 = arith.addi %mul3A_412, %add3A_441 : i32
        %mul3A_443 = arith.constant 96 : i32
        %mul3A_444 = arith.muli %add3A_442, %mul3A_443 : i32
        %dma_start3A_445 = tpu.memref_slice %arg8[%mul3A_444] : memref<2592xi32, #tpu.memory_space<vmem>> -> memref<96xi32, #tpu.memory_space<vmem>>
        %dma_start3A_446 = arith.constant 0 : i32
        %dma_start3A_447 = arith.constant 0 : i32
        %dma_start3A_448 = tpu.memref_slice %arg5[%dma_start3A_446, %dma_start3A_447] : memref<10240x128xf32, #tpu.memory_space<hbm>> -> memref<10240x128xf32, #tpu.memory_space<hbm>>
        tpu.enqueue_indirect_dma source(%dma_start3A_448 : memref<10240x128xf32, #tpu.memory_space<hbm>>) target(%arg13 : memref<96x128xf32, #tpu.memory_space<vmem>>) offsets(%dma_start3A_445 : memref<96xi32, #tpu.memory_space<vmem>>) semaphore(%arg16 : memref<!tpu.dma_semaphore, #tpu.memory_space<semaphore_mem>>)
        %dma_wait3A_449 = arith.constant 0 : i32
        %dma_wait3A_450 = tpu.memref_slice %arg8[%dma_wait3A_449] : memref<2592xi32, #tpu.memory_space<vmem>> -> memref<96xi32, #tpu.memory_space<vmem>>
        %dma_wait3A_451 = arith.constant 0 : i32
        %dma_wait3A_452 = arith.constant 0 : i32
        %dma_wait3A_453 = tpu.memref_slice %arg5[%dma_wait3A_451, %dma_wait3A_452] : memref<10240x128xf32, #tpu.memory_space<hbm>> -> memref<10240x128xf32, #tpu.memory_space<hbm>>
        tpu.wait_indirect_dma semaphore(%arg15 : memref<!tpu.dma_semaphore, #tpu.memory_space<semaphore_mem>>) src(%dma_wait3A_453 : memref<10240x128xf32, #tpu.memory_space<hbm>>) dst(%arg12 : memref<96x128xf32, #tpu.memory_space<vmem>>)
        %add3A_454 = arith.constant 1 : i32
        %add3A_455 = arith.addi %mul3A_412, %add3A_454 : i32
        %parallel_loop3A_456 = arith.constant 0 : i32
        %parallel_loop3A_457 = arith.constant 96 : i32
        %parallel_loop3A_458 = arith.constant 1 : i32
        scf.for %parallel_loop3A_496 = %parallel_loop3A_456 to %parallel_loop3A_457 step %parallel_loop3A_458  : i32 {
          %parallel_loop3A_497 = arith.constant 0 : i32
          %parallel_loop3A_498 = vector.broadcast %parallel_loop3A_497 : i32 to vector<16xi32>
          %parallel_loop3A_499 = arith.constant 96 : i32
          %parallel_loop3A_500 = arith.muli %add3A_455, %parallel_loop3A_499 : i32
          %parallel_loop3A_501 = arith.addi %parallel_loop3A_500, %parallel_loop3A_496 : i32
          %parallel_loop3A_502 = vector.broadcast %parallel_loop3A_501 : i32 to vector<16xi32>
          %parallel_loop3A_503 = arith.addi %parallel_loop3A_498, %parallel_loop3A_502 : vector<16xi32>
          %parallel_loop3A_504 = tpu.vector_load_idx %arg10[%parallel_loop3A_503] : memref<2592xf32, #tpu.memory_space<vmem>>[vector<16xi32>], vector<16xf32>,
          %parallel_loop3A_505 = arith.index_cast %parallel_loop3A_496 : i32 to index
          %parallel_loop3A_506 = arith.constant 0 : index
          %parallel_loop3A_507 = tpu.vector_load %arg12[%parallel_loop3A_505, %parallel_loop3A_506] {strides = array<i32>} : memref<96x128xf32, #tpu.memory_space<vmem>>, vector<16xf32>,
          %parallel_loop3A_508 = arith.mulf %parallel_loop3A_507, %parallel_loop3A_504 : vector<16xf32>
          %parallel_loop3A_509 = arith.index_cast %parallel_loop3A_496 : i32 to index
          %parallel_loop3A_510 = arith.constant 0 : index
          %parallel_loop3A_511 = tpu.vector_load %arg12[%parallel_loop3A_509, %parallel_loop3A_510] {strides = array<i32>} : memref<96x128xf32, #tpu.memory_space<vmem>>, vector<16xf32>,
          tpu.vector_store %arg12[%parallel_loop3A_509, %parallel_loop3A_510], %parallel_loop3A_508 {strides = array<i32>} : memref<96x128xf32, #tpu.memory_space<vmem>>, vector<16xf32>,
          %parallel_loop3A_512 = arith.index_cast %parallel_loop3A_496 : i32 to index
          %parallel_loop3A_513 = arith.constant 16 : index
          %parallel_loop3A_514 = tpu.vector_load %arg12[%parallel_loop3A_512, %parallel_loop3A_513] {strides = array<i32>} : memref<96x128xf32, #tpu.memory_space<vmem>>, vector<16xf32>,
          %parallel_loop3A_515 = arith.mulf %parallel_loop3A_514, %parallel_loop3A_504 : vector<16xf32>
          %parallel_loop3A_516 = arith.index_cast %parallel_loop3A_496 : i32 to index
          %parallel_loop3A_517 = arith.constant 16 : index
          %parallel_loop3A_518 = tpu.vector_load %arg12[%parallel_loop3A_516, %parallel_loop3A_517] {strides = array<i32>} : memref<96x128xf32, #tpu.memory_space<vmem>>, vector<16xf32>,
          tpu.vector_store %arg12[%parallel_loop3A_516, %parallel_loop3A_517], %parallel_loop3A_515 {strides = array<i32>} : memref<96x128xf32, #tpu.memory_space<vmem>>, vector<16xf32>,
          %parallel_loop3A_519 = arith.index_cast %parallel_loop3A_496 : i32 to index
          %parallel_loop3A_520 = arith.constant 32 : index
          %parallel_loop3A_521 = tpu.vector_load %arg12[%parallel_loop3A_519, %parallel_loop3A_520] {strides = array<i32>} : memref<96x128xf32, #tpu.memory_space<vmem>>, vector<16xf32>,
          %parallel_loop3A_522 = arith.mulf %parallel_loop3A_521, %parallel_loop3A_504 : vector<16xf32>
          %parallel_loop3A_523 = arith.index_cast %parallel_loop3A_496 : i32 to index
          %parallel_loop3A_524 = arith.constant 32 : index
          %parallel_loop3A_525 = tpu.vector_load %arg12[%parallel_loop3A_523, %parallel_loop3A_524] {strides = array<i32>} : memref<96x128xf32, #tpu.memory_space<vmem>>, vector<16xf32>,
          tpu.vector_store %arg12[%parallel_loop3A_523, %parallel_loop3A_524], %parallel_loop3A_522 {strides = array<i32>} : memref<96x128xf32, #tpu.memory_space<vmem>>, vector<16xf32>,
          %parallel_loop3A_526 = arith.index_cast %parallel_loop3A_496 : i32 to index
          %parallel_loop3A_527 = arith.constant 48 : index
          %parallel_loop3A_528 = tpu.vector_load %arg12[%parallel_loop3A_526, %parallel_loop3A_527] {strides = array<i32>} : memref<96x128xf32, #tpu.memory_space<vmem>>, vector<16xf32>,
          %parallel_loop3A_529 = arith.mulf %parallel_loop3A_528, %parallel_loop3A_504 : vector<16xf32>
          %parallel_loop3A_530 = arith.index_cast %parallel_loop3A_496 : i32 to index
          %parallel_loop3A_531 = arith.constant 48 : index
          %parallel_loop3A_532 = tpu.vector_load %arg12[%parallel_loop3A_530, %parallel_loop3A_531] {strides = array<i32>} : memref<96x128xf32, #tpu.memory_space<vmem>>, vector<16xf32>,
          tpu.vector_store %arg12[%parallel_loop3A_530, %parallel_loop3A_531], %parallel_loop3A_529 {strides = array<i32>} : memref<96x128xf32, #tpu.memory_space<vmem>>, vector<16xf32>,
          %parallel_loop3A_533 = arith.index_cast %parallel_loop3A_496 : i32 to index
          %parallel_loop3A_534 = arith.constant 64 : index
          %parallel_loop3A_535 = tpu.vector_load %arg12[%parallel_loop3A_533, %parallel_loop3A_534] {strides = array<i32>} : memref<96x128xf32, #tpu.memory_space<vmem>>, vector<16xf32>,
          %parallel_loop3A_536 = arith.mulf %parallel_loop3A_535, %parallel_loop3A_504 : vector<16xf32>
          %parallel_loop3A_537 = arith.index_cast %parallel_loop3A_496 : i32 to index
          %parallel_loop3A_538 = arith.constant 64 : index
          %parallel_loop3A_539 = tpu.vector_load %arg12[%parallel_loop3A_537, %parallel_loop3A_538] {strides = array<i32>} : memref<96x128xf32, #tpu.memory_space<vmem>>, vector<16xf32>,
          tpu.vector_store %arg12[%parallel_loop3A_537, %parallel_loop3A_538], %parallel_loop3A_536 {strides = array<i32>} : memref<96x128xf32, #tpu.memory_space<vmem>>, vector<16xf32>,
          %parallel_loop3A_540 = arith.index_cast %parallel_loop3A_496 : i32 to index
          %parallel_loop3A_541 = arith.constant 80 : index
          %parallel_loop3A_542 = tpu.vector_load %arg12[%parallel_loop3A_540, %parallel_loop3A_541] {strides = array<i32>} : memref<96x128xf32, #tpu.memory_space<vmem>>, vector<16xf32>,
          %parallel_loop3A_543 = arith.mulf %parallel_loop3A_542, %parallel_loop3A_504 : vector<16xf32>
          %parallel_loop3A_544 = arith.index_cast %parallel_loop3A_496 : i32 to index
          %parallel_loop3A_545 = arith.constant 80 : index
          %parallel_loop3A_546 = tpu.vector_load %arg12[%parallel_loop3A_544, %parallel_loop3A_545] {strides = array<i32>} : memref<96x128xf32, #tpu.memory_space<vmem>>, vector<16xf32>,
          tpu.vector_store %arg12[%parallel_loop3A_544, %parallel_loop3A_545], %parallel_loop3A_543 {strides = array<i32>} : memref<96x128xf32, #tpu.memory_space<vmem>>, vector<16xf32>,
          %parallel_loop3A_547 = arith.index_cast %parallel_loop3A_496 : i32 to index
          %parallel_loop3A_548 = arith.constant 96 : index
          %parallel_loop3A_549 = tpu.vector_load %arg12[%parallel_loop3A_547, %parallel_loop3A_548] {strides = array<i32>} : memref<96x128xf32, #tpu.memory_space<vmem>>, vector<16xf32>,
          %parallel_loop3A_550 = arith.mulf %parallel_loop3A_549, %parallel_loop3A_504 : vector<16xf32>
          %parallel_loop3A_551 = arith.index_cast %parallel_loop3A_496 : i32 to index
          %parallel_loop3A_552 = arith.constant 96 : index
          %parallel_loop3A_553 = tpu.vector_load %arg12[%parallel_loop3A_551, %parallel_loop3A_552] {strides = array<i32>} : memref<96x128xf32, #tpu.memory_space<vmem>>, vector<16xf32>,
          tpu.vector_store %arg12[%parallel_loop3A_551, %parallel_loop3A_552], %parallel_loop3A_550 {strides = array<i32>} : memref<96x128xf32, #tpu.memory_space<vmem>>, vector<16xf32>,
          %parallel_loop3A_554 = arith.index_cast %parallel_loop3A_496 : i32 to index
          %parallel_loop3A_555 = arith.constant 112 : index
          %parallel_loop3A_556 = tpu.vector_load %arg12[%parallel_loop3A_554, %parallel_loop3A_555] {strides = array<i32>} : memref<96x128xf32, #tpu.memory_space<vmem>>, vector<16xf32>,
          %parallel_loop3A_557 = arith.mulf %parallel_loop3A_556, %parallel_loop3A_504 : vector<16xf32>
          %parallel_loop3A_558 = arith.index_cast %parallel_loop3A_496 : i32 to index
          %parallel_loop3A_559 = arith.constant 112 : index
          %parallel_loop3A_560 = tpu.vector_load %arg12[%parallel_loop3A_558, %parallel_loop3A_559] {strides = array<i32>} : memref<96x128xf32, #tpu.memory_space<vmem>>, vector<16xf32>,
          tpu.vector_store %arg12[%parallel_loop3A_558, %parallel_loop3A_559], %parallel_loop3A_557 {strides = array<i32>} : memref<96x128xf32, #tpu.memory_space<vmem>>, vector<16xf32>,
        } {sc.loop_unroll_factor = 4 : i64, sc.parallel_access}
        %add3A_459 = arith.constant 1 : i32
        %add3A_460 = arith.addi %mul3A_412, %add3A_459 : i32
        %dma_start3A_461 = arith.constant 0 : i32
        %dma_start3A_462 = tpu.memref_slice %arg9[%add3A_460, %dma_start3A_461] : memref<27x96xi32, #tpu.memory_space<vmem>> -> memref<1x96xi32, #tpu.memory_space<vmem>>
        %dma_start3A_463 = tpu.memref_squeeze %dma_start3A_462 : memref<1x96xi32, #tpu.memory_space<vmem>> -> memref<96xi32, #tpu.memory_space<vmem>>
        %dma_start3A_464 = arith.constant 0 : i32
        %dma_start3A_465 = arith.constant 0 : i32
        %dma_start3A_466 = tpu.memref_slice %arg7[%dma_start3A_464, %dma_start3A_465] : memref<10240x128xf32, #tpu.memory_space<vmem_shared>> -> memref<10240x128xf32, #tpu.memory_space<vmem_shared>>
        tpu.enqueue_indirect_dma source(%arg12 : memref<96x128xf32, #tpu.memory_space<vmem>>) target(%dma_start3A_466 : memref<10240x128xf32, #tpu.memory_space<vmem_shared>>) offsets(%dma_start3A_463 : memref<96xi32, #tpu.memory_space<vmem>>) semaphore(%arg18 : memref<!tpu.dma_semaphore, #tpu.memory_space<semaphore_mem>>) {add = true}
        %dma_wait3A_467 = arith.constant 0 : i32
        %dma_wait3A_468 = arith.constant 0 : i32
        %dma_wait3A_469 = tpu.memref_slice %arg9[%dma_wait3A_467, %dma_wait3A_468] : memref<27x96xi32, #tpu.memory_space<vmem>> -> memref<1x96xi32, #tpu.memory_space<vmem>>
        %dma_wait3A_470 = tpu.memref_squeeze %dma_wait3A_469 : memref<1x96xi32, #tpu.memory_space<vmem>> -> memref<96xi32, #tpu.memory_space<vmem>>
        %dma_wait3A_471 = arith.constant 0 : i32
        %dma_wait3A_472 = arith.constant 0 : i32
        %dma_wait3A_473 = tpu.memref_slice %arg7[%dma_wait3A_471, %dma_wait3A_472] : memref<10240x128xf32, #tpu.memory_space<vmem_shared>> -> memref<10240x128xf32, #tpu.memory_space<vmem_shared>>
        tpu.wait_indirect_dma semaphore(%arg17 : memref<!tpu.dma_semaphore, #tpu.memory_space<semaphore_mem>>) src(%arg11 : memref<96x128xf32, #tpu.memory_space<vmem>>) dst(%dma_wait3A_473 : memref<10240x128xf32, #tpu.memory_space<vmem_shared>>)
        %lt3A = arith.constant 8 : i32
        %lt3A_474 = arith.cmpi slt, %add3A_410, %lt3A : i32
        %convert_element_type3A_475 = arith.extui %lt3A_474 : i1 to i32
        %cond3A_476 = arith.constant 0 : i32
        %cond3A_477 = arith.cmpi ne, %convert_element_type3A_475, %cond3A_476 : i32
        scf.if %cond3A_477 {
          %add3A_496 = arith.constant 3 : i32
          %add3A_497 = arith.addi %mul3A_412, %add3A_496 : i32
          %mul3A_498 = arith.constant 96 : i32
          %mul3A_499 = arith.muli %add3A_497, %mul3A_498 : i32
          %dma_start3A_500 = tpu.memref_slice %arg8[%mul3A_499] : memref<2592xi32, #tpu.memory_space<vmem>> -> memref<96xi32, #tpu.memory_space<vmem>>
          %dma_start3A_501 = arith.constant 0 : i32
          %dma_start3A_502 = arith.constant 0 : i32
          %dma_start3A_503 = tpu.memref_slice %arg5[%dma_start3A_501, %dma_start3A_502] : memref<10240x128xf32, #tpu.memory_space<hbm>> -> memref<10240x128xf32, #tpu.memory_space<hbm>>
          tpu.enqueue_indirect_dma source(%dma_start3A_503 : memref<10240x128xf32, #tpu.memory_space<hbm>>) target(%arg11 : memref<96x128xf32, #tpu.memory_space<vmem>>) offsets(%dma_start3A_500 : memref<96xi32, #tpu.memory_space<vmem>>) semaphore(%arg14 : memref<!tpu.dma_semaphore, #tpu.memory_space<semaphore_mem>>)
        } else {
        }
        %dma_wait3A_478 = arith.constant 0 : i32
        %dma_wait3A_479 = tpu.memref_slice %arg8[%dma_wait3A_478] : memref<2592xi32, #tpu.memory_space<vmem>> -> memref<96xi32, #tpu.memory_space<vmem>>
        %dma_wait3A_480 = arith.constant 0 : i32
        %dma_wait3A_481 = arith.constant 0 : i32
        %dma_wait3A_482 = tpu.memref_slice %arg5[%dma_wait3A_480, %dma_wait3A_481] : memref<10240x128xf32, #tpu.memory_space<hbm>> -> memref<10240x128xf32, #tpu.memory_space<hbm>>
        tpu.wait_indirect_dma semaphore(%arg16 : memref<!tpu.dma_semaphore, #tpu.memory_space<semaphore_mem>>) src(%dma_wait3A_482 : memref<10240x128xf32, #tpu.memory_space<hbm>>) dst(%arg13 : memref<96x128xf32, #tpu.memory_space<vmem>>)
        %add3A_483 = arith.constant 2 : i32
        %add3A_484 = arith.addi %mul3A_412, %add3A_483 : i32
        %parallel_loop3A_485 = arith.constant 0 : i32
        %parallel_loop3A_486 = arith.constant 96 : i32
        %parallel_loop3A_487 = arith.constant 1 : i32
        scf.for %parallel_loop3A_496 = %parallel_loop3A_485 to %parallel_loop3A_486 step %parallel_loop3A_487  : i32 {
          %parallel_loop3A_497 = arith.constant 0 : i32
          %parallel_loop3A_498 = vector.broadcast %parallel_loop3A_497 : i32 to vector<16xi32>
          %parallel_loop3A_499 = arith.constant 96 : i32
          %parallel_loop3A_500 = arith.muli %add3A_484, %parallel_loop3A_499 : i32
          %parallel_loop3A_501 = arith.addi %parallel_loop3A_500, %parallel_loop3A_496 : i32
          %parallel_loop3A_502 = vector.broadcast %parallel_loop3A_501 : i32 to vector<16xi32>
          %parallel_loop3A_503 = arith.addi %parallel_loop3A_498, %parallel_loop3A_502 : vector<16xi32>
          %parallel_loop3A_504 = tpu.vector_load_idx %arg10[%parallel_loop3A_503] : memref<2592xf32, #tpu.memory_space<vmem>>[vector<16xi32>], vector<16xf32>,
          %parallel_loop3A_505 = arith.index_cast %parallel_loop3A_496 : i32 to index
          %parallel_loop3A_506 = arith.constant 0 : index
          %parallel_loop3A_507 = tpu.vector_load %arg13[%parallel_loop3A_505, %parallel_loop3A_506] {strides = array<i32>} : memref<96x128xf32, #tpu.memory_space<vmem>>, vector<16xf32>,
          %parallel_loop3A_508 = arith.mulf %parallel_loop3A_507, %parallel_loop3A_504 : vector<16xf32>
          %parallel_loop3A_509 = arith.index_cast %parallel_loop3A_496 : i32 to index
          %parallel_loop3A_510 = arith.constant 0 : index
          %parallel_loop3A_511 = tpu.vector_load %arg13[%parallel_loop3A_509, %parallel_loop3A_510] {strides = array<i32>} : memref<96x128xf32, #tpu.memory_space<vmem>>, vector<16xf32>,
          tpu.vector_store %arg13[%parallel_loop3A_509, %parallel_loop3A_510], %parallel_loop3A_508 {strides = array<i32>} : memref<96x128xf32, #tpu.memory_space<vmem>>, vector<16xf32>,
          %parallel_loop3A_512 = arith.index_cast %parallel_loop3A_496 : i32 to index
          %parallel_loop3A_513 = arith.constant 16 : index
          %parallel_loop3A_514 = tpu.vector_load %arg13[%parallel_loop3A_512, %parallel_loop3A_513] {strides = array<i32>} : memref<96x128xf32, #tpu.memory_space<vmem>>, vector<16xf32>,
          %parallel_loop3A_515 = arith.mulf %parallel_loop3A_514, %parallel_loop3A_504 : vector<16xf32>
          %parallel_loop3A_516 = arith.index_cast %parallel_loop3A_496 : i32 to index
          %parallel_loop3A_517 = arith.constant 16 : index
          %parallel_loop3A_518 = tpu.vector_load %arg13[%parallel_loop3A_516, %parallel_loop3A_517] {strides = array<i32>} : memref<96x128xf32, #tpu.memory_space<vmem>>, vector<16xf32>,
          tpu.vector_store %arg13[%parallel_loop3A_516, %parallel_loop3A_517], %parallel_loop3A_515 {strides = array<i32>} : memref<96x128xf32, #tpu.memory_space<vmem>>, vector<16xf32>,
          %parallel_loop3A_519 = arith.index_cast %parallel_loop3A_496 : i32 to index
          %parallel_loop3A_520 = arith.constant 32 : index
          %parallel_loop3A_521 = tpu.vector_load %arg13[%parallel_loop3A_519, %parallel_loop3A_520] {strides = array<i32>} : memref<96x128xf32, #tpu.memory_space<vmem>>, vector<16xf32>,
          %parallel_loop3A_522 = arith.mulf %parallel_loop3A_521, %parallel_loop3A_504 : vector<16xf32>
          %parallel_loop3A_523 = arith.index_cast %parallel_loop3A_496 : i32 to index
          %parallel_loop3A_524 = arith.constant 32 : index
          %parallel_loop3A_525 = tpu.vector_load %arg13[%parallel_loop3A_523, %parallel_loop3A_524] {strides = array<i32>} : memref<96x128xf32, #tpu.memory_space<vmem>>, vector<16xf32>,
          tpu.vector_store %arg13[%parallel_loop3A_523, %parallel_loop3A_524], %parallel_loop3A_522 {strides = array<i32>} : memref<96x128xf32, #tpu.memory_space<vmem>>, vector<16xf32>,
          %parallel_loop3A_526 = arith.index_cast %parallel_loop3A_496 : i32 to index
          %parallel_loop3A_527 = arith.constant 48 : index
          %parallel_loop3A_528 = tpu.vector_load %arg13[%parallel_loop3A_526, %parallel_loop3A_527] {strides = array<i32>} : memref<96x128xf32, #tpu.memory_space<vmem>>, vector<16xf32>,
          %parallel_loop3A_529 = arith.mulf %parallel_loop3A_528, %parallel_loop3A_504 : vector<16xf32>
          %parallel_loop3A_530 = arith.index_cast %parallel_loop3A_496 : i32 to index
          %parallel_loop3A_531 = arith.constant 48 : index
          %parallel_loop3A_532 = tpu.vector_load %arg13[%parallel_loop3A_530, %parallel_loop3A_531] {strides = array<i32>} : memref<96x128xf32, #tpu.memory_space<vmem>>, vector<16xf32>,
          tpu.vector_store %arg13[%parallel_loop3A_530, %parallel_loop3A_531], %parallel_loop3A_529 {strides = array<i32>} : memref<96x128xf32, #tpu.memory_space<vmem>>, vector<16xf32>,
          %parallel_loop3A_533 = arith.index_cast %parallel_loop3A_496 : i32 to index
          %parallel_loop3A_534 = arith.constant 64 : index
          %parallel_loop3A_535 = tpu.vector_load %arg13[%parallel_loop3A_533, %parallel_loop3A_534] {strides = array<i32>} : memref<96x128xf32, #tpu.memory_space<vmem>>, vector<16xf32>,
          %parallel_loop3A_536 = arith.mulf %parallel_loop3A_535, %parallel_loop3A_504 : vector<16xf32>
          %parallel_loop3A_537 = arith.index_cast %parallel_loop3A_496 : i32 to index
          %parallel_loop3A_538 = arith.constant 64 : index
          %parallel_loop3A_539 = tpu.vector_load %arg13[%parallel_loop3A_537, %parallel_loop3A_538] {strides = array<i32>} : memref<96x128xf32, #tpu.memory_space<vmem>>, vector<16xf32>,
          tpu.vector_store %arg13[%parallel_loop3A_537, %parallel_loop3A_538], %parallel_loop3A_536 {strides = array<i32>} : memref<96x128xf32, #tpu.memory_space<vmem>>, vector<16xf32>,
          %parallel_loop3A_540 = arith.index_cast %parallel_loop3A_496 : i32 to index
          %parallel_loop3A_541 = arith.constant 80 : index
          %parallel_loop3A_542 = tpu.vector_load %arg13[%parallel_loop3A_540, %parallel_loop3A_541] {strides = array<i32>} : memref<96x128xf32, #tpu.memory_space<vmem>>, vector<16xf32>,
          %parallel_loop3A_543 = arith.mulf %parallel_loop3A_542, %parallel_loop3A_504 : vector<16xf32>
          %parallel_loop3A_544 = arith.index_cast %parallel_loop3A_496 : i32 to index
          %parallel_loop3A_545 = arith.constant 80 : index
          %parallel_loop3A_546 = tpu.vector_load %arg13[%parallel_loop3A_544, %parallel_loop3A_545] {strides = array<i32>} : memref<96x128xf32, #tpu.memory_space<vmem>>, vector<16xf32>,
          tpu.vector_store %arg13[%parallel_loop3A_544, %parallel_loop3A_545], %parallel_loop3A_543 {strides = array<i32>} : memref<96x128xf32, #tpu.memory_space<vmem>>, vector<16xf32>,
          %parallel_loop3A_547 = arith.index_cast %parallel_loop3A_496 : i32 to index
          %parallel_loop3A_548 = arith.constant 96 : index
          %parallel_loop3A_549 = tpu.vector_load %arg13[%parallel_loop3A_547, %parallel_loop3A_548] {strides = array<i32>} : memref<96x128xf32, #tpu.memory_space<vmem>>, vector<16xf32>,
          %parallel_loop3A_550 = arith.mulf %parallel_loop3A_549, %parallel_loop3A_504 : vector<16xf32>
          %parallel_loop3A_551 = arith.index_cast %parallel_loop3A_496 : i32 to index
          %parallel_loop3A_552 = arith.constant 96 : index
          %parallel_loop3A_553 = tpu.vector_load %arg13[%parallel_loop3A_551, %parallel_loop3A_552] {strides = array<i32>} : memref<96x128xf32, #tpu.memory_space<vmem>>, vector<16xf32>,
          tpu.vector_store %arg13[%parallel_loop3A_551, %parallel_loop3A_552], %parallel_loop3A_550 {strides = array<i32>} : memref<96x128xf32, #tpu.memory_space<vmem>>, vector<16xf32>,
          %parallel_loop3A_554 = arith.index_cast %parallel_loop3A_496 : i32 to index
          %parallel_loop3A_555 = arith.constant 112 : index
          %parallel_loop3A_556 = tpu.vector_load %arg13[%parallel_loop3A_554, %parallel_loop3A_555] {strides = array<i32>} : memref<96x128xf32, #tpu.memory_space<vmem>>, vector<16xf32>,
          %parallel_loop3A_557 = arith.mulf %parallel_loop3A_556, %parallel_loop3A_504 : vector<16xf32>
          %parallel_loop3A_558 = arith.index_cast %parallel_loop3A_496 : i32 to index
          %parallel_loop3A_559 = arith.constant 112 : index
          %parallel_loop3A_560 = tpu.vector_load %arg13[%parallel_loop3A_558, %parallel_loop3A_559] {strides = array<i32>} : memref<96x128xf32, #tpu.memory_space<vmem>>, vector<16xf32>,
          tpu.vector_store %arg13[%parallel_loop3A_558, %parallel_loop3A_559], %parallel_loop3A_557 {strides = array<i32>} : memref<96x128xf32, #tpu.memory_space<vmem>>, vector<16xf32>,
        } {sc.loop_unroll_factor = 4 : i64, sc.parallel_access}
        %add3A_488 = arith.constant 2 : i32
        %add3A_489 = arith.addi %mul3A_412, %add3A_488 : i32
        %dma_start3A_490 = arith.constant 0 : i32
        %dma_start3A_491 = tpu.memref_slice %arg9[%add3A_489, %dma_start3A_490] : memref<27x96xi32, #tpu.memory_space<vmem>> -> memref<1x96xi32, #tpu.memory_space<vmem>>
        %dma_start3A_492 = tpu.memref_squeeze %dma_start3A_491 : memref<1x96xi32, #tpu.memory_space<vmem>> -> memref<96xi32, #tpu.memory_space<vmem>>
        %dma_start3A_493 = arith.constant 0 : i32
        %dma_start3A_494 = arith.constant 0 : i32
        %dma_start3A_495 = tpu.memref_slice %arg7[%dma_start3A_493, %dma_start3A_494] : memref<10240x128xf32, #tpu.memory_space<vmem_shared>> -> memref<10240x128xf32, #tpu.memory_space<vmem_shared>>
        tpu.enqueue_indirect_dma source(%arg13 : memref<96x128xf32, #tpu.memory_space<vmem>>) target(%dma_start3A_495 : memref<10240x128xf32, #tpu.memory_space<vmem_shared>>) offsets(%dma_start3A_492 : memref<96xi32, #tpu.memory_space<vmem>>) semaphore(%arg19 : memref<!tpu.dma_semaphore, #tpu.memory_space<semaphore_mem>>) {add = true}
      }
      %scan3A_391 = arith.constant 9 : i32
      %dma_wait3A_392 = arith.constant 0 : i32
      %dma_wait3A_393 = arith.constant 0 : i32
      %dma_wait3A_394 = tpu.memref_slice %arg9[%dma_wait3A_392, %dma_wait3A_393] : memref<27x96xi32, #tpu.memory_space<vmem>> -> memref<1x96xi32, #tpu.memory_space<vmem>>
      %dma_wait3A_395 = tpu.memref_squeeze %dma_wait3A_394 : memref<1x96xi32, #tpu.memory_space<vmem>> -> memref<96xi32, #tpu.memory_space<vmem>>
      %dma_wait3A_396 = arith.constant 0 : i32
      %dma_wait3A_397 = arith.constant 0 : i32
      %dma_wait3A_398 = tpu.memref_slice %arg7[%dma_wait3A_396, %dma_wait3A_397] : memref<10240x128xf32, #tpu.memory_space<vmem_shared>> -> memref<10240x128xf32, #tpu.memory_space<vmem_shared>>
      tpu.wait_indirect_dma semaphore(%arg18 : memref<!tpu.dma_semaphore, #tpu.memory_space<semaphore_mem>>) src(%arg12 : memref<96x128xf32, #tpu.memory_space<vmem>>) dst(%dma_wait3A_398 : memref<10240x128xf32, #tpu.memory_space<vmem_shared>>)
      %dma_wait3A_399 = arith.constant 0 : i32
      %dma_wait3A_400 = arith.constant 0 : i32
      %dma_wait3A_401 = tpu.memref_slice %arg9[%dma_wait3A_399, %dma_wait3A_400] : memref<27x96xi32, #tpu.memory_space<vmem>> -> memref<1x96xi32, #tpu.memory_space<vmem>>
      %dma_wait3A_402 = tpu.memref_squeeze %dma_wait3A_401 : memref<1x96xi32, #tpu.memory_space<vmem>> -> memref<96xi32, #tpu.memory_space<vmem>>
      %dma_wait3A_403 = arith.constant 0 : i32
      %dma_wait3A_404 = arith.constant 0 : i32
      %dma_wait3A_405 = tpu.memref_slice %arg7[%dma_wait3A_403, %dma_wait3A_404] : memref<10240x128xf32, #tpu.memory_space<vmem_shared>> -> memref<10240x128xf32, #tpu.memory_space<vmem_shared>>
      tpu.wait_indirect_dma semaphore(%arg19 : memref<!tpu.dma_semaphore, #tpu.memory_space<semaphore_mem>>) src(%arg13 : memref<96x128xf32, #tpu.memory_space<vmem>>) dst(%dma_wait3A_405 : memref<10240x128xf32, #tpu.memory_space<vmem_shared>>)
    }
    %while3A_225 = arith.constant 1 : i32
    scf.for %while3A_371 = %while3A_223 to %while3A_219 step %while3A_225  : i32 {
      %mul3A_372 = arith.muli %while3A_371, %while3A : i32
      %add3A_373 = arith.addi %while3A_216, %mul3A_372 : i32
      %mul3A_374 = arith.constant 8 : i32
      %mul3A_375 = arith.muli %arg1, %mul3A_374 : i32
      %mul3A_376 = arith.constant 5 : i32
      %mul3A_377 = arith.muli %arg0, %mul3A_376 : i32
      %add3A_378 = arith.addi %mul3A_375, %mul3A_377 : i32
      %add3A_379 = arith.addi %add3A_378, %add3A_373 : i32
      %mul3A_380 = arith.constant 2592 : i32
      %mul3A_381 = arith.muli %add3A_379, %mul3A_380 : i32
      "tpu.region"() ({
        %run_scoped3A = tpu.sem_alloc : memref<!tpu.dma_semaphore, #tpu.memory_space<semaphore_mem>>
        %dma_start3A_406 = tpu.memref_slice %arg2[%mul3A_381] : memref<331776xi32, #tpu.memory_space<hbm>> -> memref<2592xi32, #tpu.memory_space<hbm>>
        %dma_start3A_407 = tpu.memref_slice %arg2[%mul3A_381] : memref<331776xi32, #tpu.memory_space<hbm>> -> memref<2592xi32, #tpu.memory_space<hbm>>
        tpu.enqueue_dma source(%dma_start3A_407 : memref<2592xi32, #tpu.memory_space<hbm>>) target(%arg8 : memref<2592xi32, #tpu.memory_space<vmem>>) target_semaphore(%run_scoped3A : memref<!tpu.dma_semaphore, #tpu.memory_space<semaphore_mem>>)
        %dma_wait3A_408 = tpu.memref_slice %arg2[%mul3A_381] : memref<331776xi32, #tpu.memory_space<hbm>> -> memref<2592xi32, #tpu.memory_space<hbm>>
        %dma_wait3A_409 = tpu.memref_slice %arg2[%mul3A_381] : memref<331776xi32, #tpu.memory_space<hbm>> -> memref<2592xi32, #tpu.memory_space<hbm>>
        tpu.wait_dma2 semaphore(%run_scoped3A : memref<!tpu.dma_semaphore, #tpu.memory_space<semaphore_mem>>) src(%dma_wait3A_409 : memref<2592xi32, #tpu.memory_space<hbm>>) dst(%arg8 : memref<2592xi32, #tpu.memory_space<vmem>>)
        tpu.yield
      }) : () -> ()
      "tpu.region"() ({
        %run_scoped3A = tpu.sem_alloc : memref<!tpu.dma_semaphore, #tpu.memory_space<semaphore_mem>>
        %dma_start3A_406 = arith.constant 0 : i32
        %dma_start3A_407 = arith.constant 0 : i32
        %dma_start3A_408 = tpu.memref_slice %arg3[%add3A_379, %dma_start3A_406, %dma_start3A_407] : memref<128x27x96xi32, #tpu.memory_space<hbm>> -> memref<1x27x96xi32, #tpu.memory_space<hbm>>
        %dma_start3A_409 = tpu.memref_squeeze %dma_start3A_408 : memref<1x27x96xi32, #tpu.memory_space<hbm>> -> memref<27x96xi32, #tpu.memory_space<hbm>>
        %dma_start3A_410 = arith.constant 0 : i32
        %dma_start3A_411 = arith.constant 0 : i32
        %dma_start3A_412 = tpu.memref_slice %arg3[%add3A_379, %dma_start3A_410, %dma_start3A_411] : memref<128x27x96xi32, #tpu.memory_space<hbm>> -> memref<1x27x96xi32, #tpu.memory_space<hbm>>
        %dma_start3A_413 = tpu.memref_squeeze %dma_start3A_412 : memref<1x27x96xi32, #tpu.memory_space<hbm>> -> memref<27x96xi32, #tpu.memory_space<hbm>>
        tpu.enqueue_dma source(%dma_start3A_413 : memref<27x96xi32, #tpu.memory_space<hbm>>) target(%arg9 : memref<27x96xi32, #tpu.memory_space<vmem>>) target_semaphore(%run_scoped3A : memref<!tpu.dma_semaphore, #tpu.memory_space<semaphore_mem>>)
        %dma_wait3A_414 = arith.constant 0 : i32
        %dma_wait3A_415 = arith.constant 0 : i32
        %dma_wait3A_416 = tpu.memref_slice %arg3[%add3A_379, %dma_wait3A_414, %dma_wait3A_415] : memref<128x27x96xi32, #tpu.memory_space<hbm>> -> memref<1x27x96xi32, #tpu.memory_space<hbm>>
        %dma_wait3A_417 = tpu.memref_squeeze %dma_wait3A_416 : memref<1x27x96xi32, #tpu.memory_space<hbm>> -> memref<27x96xi32, #tpu.memory_space<hbm>>
        %dma_wait3A_418 = arith.constant 0 : i32
        %dma_wait3A_419 = arith.constant 0 : i32
        %dma_wait3A_420 = tpu.memref_slice %arg3[%add3A_379, %dma_wait3A_418, %dma_wait3A_419] : memref<128x27x96xi32, #tpu.memory_space<hbm>> -> memref<1x27x96xi32, #tpu.memory_space<hbm>>
        %dma_wait3A_421 = tpu.memref_squeeze %dma_wait3A_420 : memref<1x27x96xi32, #tpu.memory_space<hbm>> -> memref<27x96xi32, #tpu.memory_space<hbm>>
        tpu.wait_dma2 semaphore(%run_scoped3A : memref<!tpu.dma_semaphore, #tpu.memory_space<semaphore_mem>>) src(%dma_wait3A_421 : memref<27x96xi32, #tpu.memory_space<hbm>>) dst(%arg9 : memref<27x96xi32, #tpu.memory_space<vmem>>)
        tpu.yield
      }) : () -> ()
      "tpu.region"() ({
        %run_scoped3A = tpu.sem_alloc : memref<!tpu.dma_semaphore, #tpu.memory_space<semaphore_mem>>
        %dma_start3A_406 = tpu.memref_slice %arg4[%mul3A_381] : memref<331776xf32, #tpu.memory_space<hbm>> -> memref<2592xf32, #tpu.memory_space<hbm>>
        %dma_start3A_407 = tpu.memref_slice %arg4[%mul3A_381] : memref<331776xf32, #tpu.memory_space<hbm>> -> memref<2592xf32, #tpu.memory_space<hbm>>
        tpu.enqueue_dma source(%dma_start3A_407 : memref<2592xf32, #tpu.memory_space<hbm>>) target(%arg10 : memref<2592xf32, #tpu.memory_space<vmem>>) target_semaphore(%run_scoped3A : memref<!tpu.dma_semaphore, #tpu.memory_space<semaphore_mem>>)
        %dma_wait3A_408 = tpu.memref_slice %arg4[%mul3A_381] : memref<331776xf32, #tpu.memory_space<hbm>> -> memref<2592xf32, #tpu.memory_space<hbm>>
        %dma_wait3A_409 = tpu.memref_slice %arg4[%mul3A_381] : memref<331776xf32, #tpu.memory_space<hbm>> -> memref<2592xf32, #tpu.memory_space<hbm>>
        tpu.wait_dma2 semaphore(%run_scoped3A : memref<!tpu.dma_semaphore, #tpu.memory_space<semaphore_mem>>) src(%dma_wait3A_409 : memref<2592xf32, #tpu.memory_space<hbm>>) dst(%arg10 : memref<2592xf32, #tpu.memory_space<vmem>>)
        tpu.yield
      }) : () -> ()
      %dma_start3A_382 = arith.constant 0 : i32
      %dma_start3A_383 = tpu.memref_slice %arg8[%dma_start3A_382] : memref<2592xi32, #tpu.memory_space<vmem>> -> memref<96xi32, #tpu.memory_space<vmem>>
      %dma_start3A_384 = arith.constant 0 : i32
      %dma_start3A_385 = arith.constant 0 : i32
      %dma_start3A_386 = tpu.memref_slice %arg5[%dma_start3A_384, %dma_start3A_385] : memref<10240x128xf32, #tpu.memory_space<hbm>> -> memref<10240x128xf32, #tpu.memory_space<hbm>>
      tpu.enqueue_indirect_dma source(%dma_start3A_386 : memref<10240x128xf32, #tpu.memory_space<hbm>>) target(%arg11 : memref<96x128xf32, #tpu.memory_space<vmem>>) offsets(%dma_start3A_383 : memref<96xi32, #tpu.memory_space<vmem>>) semaphore(%arg14 : memref<!tpu.dma_semaphore, #tpu.memory_space<semaphore_mem>>)
      %scan3A_387 = arith.constant 0 : i32
      %scan3A_388 = arith.constant 9 : i32
      %scan3A_389 = arith.addi %scan3A_387, %scan3A_388 : i32
      %scan3A_390 = arith.constant 1 : i32
      scf.for %scan3A_406 = %scan3A_387 to %scan3A_389 step %scan3A_390  : i32 {
        %mul3A_407 = arith.constant 1 : i32
        %mul3A_408 = arith.muli %scan3A_406, %mul3A_407 : i32
        %add3A_409 = arith.constant 0 : i32
        %add3A_410 = arith.addi %add3A_409, %mul3A_408 : i32
        %mul3A_411 = arith.constant 3 : i32
        %mul3A_412 = arith.muli %add3A_410, %mul3A_411 : i32
        %gt3A = arith.constant 0 : i32
        %gt3A_413 = arith.cmpi sgt, %add3A_410, %gt3A : i32
        %convert_element_type3A = arith.extui %gt3A_413 : i1 to i32
        %cond3A = arith.constant 0 : i32
        %cond3A_414 = arith.cmpi ne, %convert_element_type3A, %cond3A : i32
        scf.if %cond3A_414 {
          %dma_wait3A_496 = arith.constant 0 : i32
          %dma_wait3A_497 = arith.constant 0 : i32
          %dma_wait3A_498 = tpu.memref_slice %arg9[%dma_wait3A_496, %dma_wait3A_497] : memref<27x96xi32, #tpu.memory_space<vmem>> -> memref<1x96xi32, #tpu.memory_space<vmem>>
          %dma_wait3A_499 = tpu.memref_squeeze %dma_wait3A_498 : memref<1x96xi32, #tpu.memory_space<vmem>> -> memref<96xi32, #tpu.memory_space<vmem>>
          %dma_wait3A_500 = arith.constant 0 : i32
          %dma_wait3A_501 = arith.constant 0 : i32
          %dma_wait3A_502 = tpu.memref_slice %arg7[%dma_wait3A_500, %dma_wait3A_501] : memref<10240x128xf32, #tpu.memory_space<vmem_shared>> -> memref<10240x128xf32, #tpu.memory_space<vmem_shared>>
          tpu.wait_indirect_dma semaphore(%arg18 : memref<!tpu.dma_semaphore, #tpu.memory_space<semaphore_mem>>) src(%arg12 : memref<96x128xf32, #tpu.memory_space<vmem>>) dst(%dma_wait3A_502 : memref<10240x128xf32, #tpu.memory_space<vmem_shared>>)
        } else {
        }
        %add3A_415 = arith.constant 1 : i32
        %add3A_416 = arith.addi %mul3A_412, %add3A_415 : i32
        %mul3A_417 = arith.constant 96 : i32
        %mul3A_418 = arith.muli %add3A_416, %mul3A_417 : i32
        %dma_start3A_419 = tpu.memref_slice %arg8[%mul3A_418] : memref<2592xi32, #tpu.memory_space<vmem>> -> memref<96xi32, #tpu.memory_space<vmem>>
        %dma_start3A_420 = arith.constant 0 : i32
        %dma_start3A_421 = arith.constant 0 : i32
        %dma_start3A_422 = tpu.memref_slice %arg5[%dma_start3A_420, %dma_start3A_421] : memref<10240x128xf32, #tpu.memory_space<hbm>> -> memref<10240x128xf32, #tpu.memory_space<hbm>>
        tpu.enqueue_indirect_dma source(%dma_start3A_422 : memref<10240x128xf32, #tpu.memory_space<hbm>>) target(%arg12 : memref<96x128xf32, #tpu.memory_space<vmem>>) offsets(%dma_start3A_419 : memref<96xi32, #tpu.memory_space<vmem>>) semaphore(%arg15 : memref<!tpu.dma_semaphore, #tpu.memory_space<semaphore_mem>>)
        %dma_wait3A_423 = arith.constant 0 : i32
        %dma_wait3A_424 = tpu.memref_slice %arg8[%dma_wait3A_423] : memref<2592xi32, #tpu.memory_space<vmem>> -> memref<96xi32, #tpu.memory_space<vmem>>
        %dma_wait3A_425 = arith.constant 0 : i32
        %dma_wait3A_426 = arith.constant 0 : i32
        %dma_wait3A_427 = tpu.memref_slice %arg5[%dma_wait3A_425, %dma_wait3A_426] : memref<10240x128xf32, #tpu.memory_space<hbm>> -> memref<10240x128xf32, #tpu.memory_space<hbm>>
        tpu.wait_indirect_dma semaphore(%arg14 : memref<!tpu.dma_semaphore, #tpu.memory_space<semaphore_mem>>) src(%dma_wait3A_427 : memref<10240x128xf32, #tpu.memory_space<hbm>>) dst(%arg11 : memref<96x128xf32, #tpu.memory_space<vmem>>)
        %parallel_loop3A = arith.constant 0 : i32
        %parallel_loop3A_428 = arith.constant 96 : i32
        %parallel_loop3A_429 = arith.constant 1 : i32
        scf.for %parallel_loop3A_496 = %parallel_loop3A to %parallel_loop3A_428 step %parallel_loop3A_429  : i32 {
          %parallel_loop3A_497 = arith.constant 0 : i32
          %parallel_loop3A_498 = vector.broadcast %parallel_loop3A_497 : i32 to vector<16xi32>
          %parallel_loop3A_499 = arith.constant 96 : i32
          %parallel_loop3A_500 = arith.muli %mul3A_412, %parallel_loop3A_499 : i32
          %parallel_loop3A_501 = arith.addi %parallel_loop3A_500, %parallel_loop3A_496 : i32
          %parallel_loop3A_502 = vector.broadcast %parallel_loop3A_501 : i32 to vector<16xi32>
          %parallel_loop3A_503 = arith.addi %parallel_loop3A_498, %parallel_loop3A_502 : vector<16xi32>
          %parallel_loop3A_504 = tpu.vector_load_idx %arg10[%parallel_loop3A_503] : memref<2592xf32, #tpu.memory_space<vmem>>[vector<16xi32>], vector<16xf32>,
          %parallel_loop3A_505 = arith.index_cast %parallel_loop3A_496 : i32 to index
          %parallel_loop3A_506 = arith.constant 0 : index
          %parallel_loop3A_507 = tpu.vector_load %arg11[%parallel_loop3A_505, %parallel_loop3A_506] {strides = array<i32>} : memref<96x128xf32, #tpu.memory_space<vmem>>, vector<16xf32>,
          %parallel_loop3A_508 = arith.mulf %parallel_loop3A_507, %parallel_loop3A_504 : vector<16xf32>
          %parallel_loop3A_509 = arith.index_cast %parallel_loop3A_496 : i32 to index
          %parallel_loop3A_510 = arith.constant 0 : index
          %parallel_loop3A_511 = tpu.vector_load %arg11[%parallel_loop3A_509, %parallel_loop3A_510] {strides = array<i32>} : memref<96x128xf32, #tpu.memory_space<vmem>>, vector<16xf32>,
          tpu.vector_store %arg11[%parallel_loop3A_509, %parallel_loop3A_510], %parallel_loop3A_508 {strides = array<i32>} : memref<96x128xf32, #tpu.memory_space<vmem>>, vector<16xf32>,
          %parallel_loop3A_512 = arith.index_cast %parallel_loop3A_496 : i32 to index
          %parallel_loop3A_513 = arith.constant 16 : index
          %parallel_loop3A_514 = tpu.vector_load %arg11[%parallel_loop3A_512, %parallel_loop3A_513] {strides = array<i32>} : memref<96x128xf32, #tpu.memory_space<vmem>>, vector<16xf32>,
          %parallel_loop3A_515 = arith.mulf %parallel_loop3A_514, %parallel_loop3A_504 : vector<16xf32>
          %parallel_loop3A_516 = arith.index_cast %parallel_loop3A_496 : i32 to index
          %parallel_loop3A_517 = arith.constant 16 : index
          %parallel_loop3A_518 = tpu.vector_load %arg11[%parallel_loop3A_516, %parallel_loop3A_517] {strides = array<i32>} : memref<96x128xf32, #tpu.memory_space<vmem>>, vector<16xf32>,
          tpu.vector_store %arg11[%parallel_loop3A_516, %parallel_loop3A_517], %parallel_loop3A_515 {strides = array<i32>} : memref<96x128xf32, #tpu.memory_space<vmem>>, vector<16xf32>,
          %parallel_loop3A_519 = arith.index_cast %parallel_loop3A_496 : i32 to index
          %parallel_loop3A_520 = arith.constant 32 : index
          %parallel_loop3A_521 = tpu.vector_load %arg11[%parallel_loop3A_519, %parallel_loop3A_520] {strides = array<i32>} : memref<96x128xf32, #tpu.memory_space<vmem>>, vector<16xf32>,
          %parallel_loop3A_522 = arith.mulf %parallel_loop3A_521, %parallel_loop3A_504 : vector<16xf32>
          %parallel_loop3A_523 = arith.index_cast %parallel_loop3A_496 : i32 to index
          %parallel_loop3A_524 = arith.constant 32 : index
          %parallel_loop3A_525 = tpu.vector_load %arg11[%parallel_loop3A_523, %parallel_loop3A_524] {strides = array<i32>} : memref<96x128xf32, #tpu.memory_space<vmem>>, vector<16xf32>,
          tpu.vector_store %arg11[%parallel_loop3A_523, %parallel_loop3A_524], %parallel_loop3A_522 {strides = array<i32>} : memref<96x128xf32, #tpu.memory_space<vmem>>, vector<16xf32>,
          %parallel_loop3A_526 = arith.index_cast %parallel_loop3A_496 : i32 to index
          %parallel_loop3A_527 = arith.constant 48 : index
          %parallel_loop3A_528 = tpu.vector_load %arg11[%parallel_loop3A_526, %parallel_loop3A_527] {strides = array<i32>} : memref<96x128xf32, #tpu.memory_space<vmem>>, vector<16xf32>,
          %parallel_loop3A_529 = arith.mulf %parallel_loop3A_528, %parallel_loop3A_504 : vector<16xf32>
          %parallel_loop3A_530 = arith.index_cast %parallel_loop3A_496 : i32 to index
          %parallel_loop3A_531 = arith.constant 48 : index
          %parallel_loop3A_532 = tpu.vector_load %arg11[%parallel_loop3A_530, %parallel_loop3A_531] {strides = array<i32>} : memref<96x128xf32, #tpu.memory_space<vmem>>, vector<16xf32>,
          tpu.vector_store %arg11[%parallel_loop3A_530, %parallel_loop3A_531], %parallel_loop3A_529 {strides = array<i32>} : memref<96x128xf32, #tpu.memory_space<vmem>>, vector<16xf32>,
          %parallel_loop3A_533 = arith.index_cast %parallel_loop3A_496 : i32 to index
          %parallel_loop3A_534 = arith.constant 64 : index
          %parallel_loop3A_535 = tpu.vector_load %arg11[%parallel_loop3A_533, %parallel_loop3A_534] {strides = array<i32>} : memref<96x128xf32, #tpu.memory_space<vmem>>, vector<16xf32>,
          %parallel_loop3A_536 = arith.mulf %parallel_loop3A_535, %parallel_loop3A_504 : vector<16xf32>
          %parallel_loop3A_537 = arith.index_cast %parallel_loop3A_496 : i32 to index
          %parallel_loop3A_538 = arith.constant 64 : index
          %parallel_loop3A_539 = tpu.vector_load %arg11[%parallel_loop3A_537, %parallel_loop3A_538] {strides = array<i32>} : memref<96x128xf32, #tpu.memory_space<vmem>>, vector<16xf32>,
          tpu.vector_store %arg11[%parallel_loop3A_537, %parallel_loop3A_538], %parallel_loop3A_536 {strides = array<i32>} : memref<96x128xf32, #tpu.memory_space<vmem>>, vector<16xf32>,
          %parallel_loop3A_540 = arith.index_cast %parallel_loop3A_496 : i32 to index
          %parallel_loop3A_541 = arith.constant 80 : index
          %parallel_loop3A_542 = tpu.vector_load %arg11[%parallel_loop3A_540, %parallel_loop3A_541] {strides = array<i32>} : memref<96x128xf32, #tpu.memory_space<vmem>>, vector<16xf32>,
          %parallel_loop3A_543 = arith.mulf %parallel_loop3A_542, %parallel_loop3A_504 : vector<16xf32>
          %parallel_loop3A_544 = arith.index_cast %parallel_loop3A_496 : i32 to index
          %parallel_loop3A_545 = arith.constant 80 : index
          %parallel_loop3A_546 = tpu.vector_load %arg11[%parallel_loop3A_544, %parallel_loop3A_545] {strides = array<i32>} : memref<96x128xf32, #tpu.memory_space<vmem>>, vector<16xf32>,
          tpu.vector_store %arg11[%parallel_loop3A_544, %parallel_loop3A_545], %parallel_loop3A_543 {strides = array<i32>} : memref<96x128xf32, #tpu.memory_space<vmem>>, vector<16xf32>,
          %parallel_loop3A_547 = arith.index_cast %parallel_loop3A_496 : i32 to index
          %parallel_loop3A_548 = arith.constant 96 : index
          %parallel_loop3A_549 = tpu.vector_load %arg11[%parallel_loop3A_547, %parallel_loop3A_548] {strides = array<i32>} : memref<96x128xf32, #tpu.memory_space<vmem>>, vector<16xf32>,
          %parallel_loop3A_550 = arith.mulf %parallel_loop3A_549, %parallel_loop3A_504 : vector<16xf32>
          %parallel_loop3A_551 = arith.index_cast %parallel_loop3A_496 : i32 to index
          %parallel_loop3A_552 = arith.constant 96 : index
          %parallel_loop3A_553 = tpu.vector_load %arg11[%parallel_loop3A_551, %parallel_loop3A_552] {strides = array<i32>} : memref<96x128xf32, #tpu.memory_space<vmem>>, vector<16xf32>,
          tpu.vector_store %arg11[%parallel_loop3A_551, %parallel_loop3A_552], %parallel_loop3A_550 {strides = array<i32>} : memref<96x128xf32, #tpu.memory_space<vmem>>, vector<16xf32>,
          %parallel_loop3A_554 = arith.index_cast %parallel_loop3A_496 : i32 to index
          %parallel_loop3A_555 = arith.constant 112 : index
          %parallel_loop3A_556 = tpu.vector_load %arg11[%parallel_loop3A_554, %parallel_loop3A_555] {strides = array<i32>} : memref<96x128xf32, #tpu.memory_space<vmem>>, vector<16xf32>,
          %parallel_loop3A_557 = arith.mulf %parallel_loop3A_556, %parallel_loop3A_504 : vector<16xf32>
          %parallel_loop3A_558 = arith.index_cast %parallel_loop3A_496 : i32 to index
          %parallel_loop3A_559 = arith.constant 112 : index
          %parallel_loop3A_560 = tpu.vector_load %arg11[%parallel_loop3A_558, %parallel_loop3A_559] {strides = array<i32>} : memref<96x128xf32, #tpu.memory_space<vmem>>, vector<16xf32>,
          tpu.vector_store %arg11[%parallel_loop3A_558, %parallel_loop3A_559], %parallel_loop3A_557 {strides = array<i32>} : memref<96x128xf32, #tpu.memory_space<vmem>>, vector<16xf32>,
        } {sc.loop_unroll_factor = 4 : i64, sc.parallel_access}
        %dma_start3A_430 = arith.constant 0 : i32
        %dma_start3A_431 = tpu.memref_slice %arg9[%mul3A_412, %dma_start3A_430] : memref<27x96xi32, #tpu.memory_space<vmem>> -> memref<1x96xi32, #tpu.memory_space<vmem>>
        %dma_start3A_432 = tpu.memref_squeeze %dma_start3A_431 : memref<1x96xi32, #tpu.memory_space<vmem>> -> memref<96xi32, #tpu.memory_space<vmem>>
        %dma_start3A_433 = arith.constant 0 : i32
        %dma_start3A_434 = arith.constant 0 : i32
        %dma_start3A_435 = tpu.memref_slice %arg7[%dma_start3A_433, %dma_start3A_434] : memref<10240x128xf32, #tpu.memory_space<vmem_shared>> -> memref<10240x128xf32, #tpu.memory_space<vmem_shared>>
        tpu.enqueue_indirect_dma source(%arg11 : memref<96x128xf32, #tpu.memory_space<vmem>>) target(%dma_start3A_435 : memref<10240x128xf32, #tpu.memory_space<vmem_shared>>) offsets(%dma_start3A_432 : memref<96xi32, #tpu.memory_space<vmem>>) semaphore(%arg17 : memref<!tpu.dma_semaphore, #tpu.memory_space<semaphore_mem>>) {add = true}
        %gt3A_436 = arith.constant 0 : i32
        %gt3A_437 = arith.cmpi sgt, %add3A_410, %gt3A_436 : i32
        %convert_element_type3A_438 = arith.extui %gt3A_437 : i1 to i32
        %cond3A_439 = arith.constant 0 : i32
        %cond3A_440 = arith.cmpi ne, %convert_element_type3A_438, %cond3A_439 : i32
        scf.if %cond3A_440 {
          %dma_wait3A_496 = arith.constant 0 : i32
          %dma_wait3A_497 = arith.constant 0 : i32
          %dma_wait3A_498 = tpu.memref_slice %arg9[%dma_wait3A_496, %dma_wait3A_497] : memref<27x96xi32, #tpu.memory_space<vmem>> -> memref<1x96xi32, #tpu.memory_space<vmem>>
          %dma_wait3A_499 = tpu.memref_squeeze %dma_wait3A_498 : memref<1x96xi32, #tpu.memory_space<vmem>> -> memref<96xi32, #tpu.memory_space<vmem>>
          %dma_wait3A_500 = arith.constant 0 : i32
          %dma_wait3A_501 = arith.constant 0 : i32
          %dma_wait3A_502 = tpu.memref_slice %arg7[%dma_wait3A_500, %dma_wait3A_501] : memref<10240x128xf32, #tpu.memory_space<vmem_shared>> -> memref<10240x128xf32, #tpu.memory_space<vmem_shared>>
          tpu.wait_indirect_dma semaphore(%arg19 : memref<!tpu.dma_semaphore, #tpu.memory_space<semaphore_mem>>) src(%arg13 : memref<96x128xf32, #tpu.memory_space<vmem>>) dst(%dma_wait3A_502 : memref<10240x128xf32, #tpu.memory_space<vmem_shared>>)
        } else {
        }
        %add3A_441 = arith.constant 2 : i32
        %add3A_442 = arith.addi %mul3A_412, %add3A_441 : i32
        %mul3A_443 = arith.constant 96 : i32
        %mul3A_444 = arith.muli %add3A_442, %mul3A_443 : i32
        %dma_start3A_445 = tpu.memref_slice %arg8[%mul3A_444] : memref<2592xi32, #tpu.memory_space<vmem>> -> memref<96xi32, #tpu.memory_space<vmem>>
        %dma_start3A_446 = arith.constant 0 : i32
        %dma_start3A_447 = arith.constant 0 : i32
        %dma_start3A_448 = tpu.memref_slice %arg5[%dma_start3A_446, %dma_start3A_447] : memref<10240x128xf32, #tpu.memory_space<hbm>> -> memref<10240x128xf32, #tpu.memory_space<hbm>>
        tpu.enqueue_indirect_dma source(%dma_start3A_448 : memref<10240x128xf32, #tpu.memory_space<hbm>>) target(%arg13 : memref<96x128xf32, #tpu.memory_space<vmem>>) offsets(%dma_start3A_445 : memref<96xi32, #tpu.memory_space<vmem>>) semaphore(%arg16 : memref<!tpu.dma_semaphore, #tpu.memory_space<semaphore_mem>>)
        %dma_wait3A_449 = arith.constant 0 : i32
        %dma_wait3A_450 = tpu.memref_slice %arg8[%dma_wait3A_449] : memref<2592xi32, #tpu.memory_space<vmem>> -> memref<96xi32, #tpu.memory_space<vmem>>
        %dma_wait3A_451 = arith.constant 0 : i32
        %dma_wait3A_452 = arith.constant 0 : i32
        %dma_wait3A_453 = tpu.memref_slice %arg5[%dma_wait3A_451, %dma_wait3A_452] : memref<10240x128xf32, #tpu.memory_space<hbm>> -> memref<10240x128xf32, #tpu.memory_space<hbm>>
        tpu.wait_indirect_dma semaphore(%arg15 : memref<!tpu.dma_semaphore, #tpu.memory_space<semaphore_mem>>) src(%dma_wait3A_453 : memref<10240x128xf32, #tpu.memory_space<hbm>>) dst(%arg12 : memref<96x128xf32, #tpu.memory_space<vmem>>)
        %add3A_454 = arith.constant 1 : i32
        %add3A_455 = arith.addi %mul3A_412, %add3A_454 : i32
        %parallel_loop3A_456 = arith.constant 0 : i32
        %parallel_loop3A_457 = arith.constant 96 : i32
        %parallel_loop3A_458 = arith.constant 1 : i32
        scf.for %parallel_loop3A_496 = %parallel_loop3A_456 to %parallel_loop3A_457 step %parallel_loop3A_458  : i32 {
          %parallel_loop3A_497 = arith.constant 0 : i32
          %parallel_loop3A_498 = vector.broadcast %parallel_loop3A_497 : i32 to vector<16xi32>
          %parallel_loop3A_499 = arith.constant 96 : i32
          %parallel_loop3A_500 = arith.muli %add3A_455, %parallel_loop3A_499 : i32
          %parallel_loop3A_501 = arith.addi %parallel_loop3A_500, %parallel_loop3A_496 : i32
          %parallel_loop3A_502 = vector.broadcast %parallel_loop3A_501 : i32 to vector<16xi32>
          %parallel_loop3A_503 = arith.addi %parallel_loop3A_498, %parallel_loop3A_502 : vector<16xi32>
          %parallel_loop3A_504 = tpu.vector_load_idx %arg10[%parallel_loop3A_503] : memref<2592xf32, #tpu.memory_space<vmem>>[vector<16xi32>], vector<16xf32>,
          %parallel_loop3A_505 = arith.index_cast %parallel_loop3A_496 : i32 to index
          %parallel_loop3A_506 = arith.constant 0 : index
          %parallel_loop3A_507 = tpu.vector_load %arg12[%parallel_loop3A_505, %parallel_loop3A_506] {strides = array<i32>} : memref<96x128xf32, #tpu.memory_space<vmem>>, vector<16xf32>,
          %parallel_loop3A_508 = arith.mulf %parallel_loop3A_507, %parallel_loop3A_504 : vector<16xf32>
          %parallel_loop3A_509 = arith.index_cast %parallel_loop3A_496 : i32 to index
          %parallel_loop3A_510 = arith.constant 0 : index
          %parallel_loop3A_511 = tpu.vector_load %arg12[%parallel_loop3A_509, %parallel_loop3A_510] {strides = array<i32>} : memref<96x128xf32, #tpu.memory_space<vmem>>, vector<16xf32>,
          tpu.vector_store %arg12[%parallel_loop3A_509, %parallel_loop3A_510], %parallel_loop3A_508 {strides = array<i32>} : memref<96x128xf32, #tpu.memory_space<vmem>>, vector<16xf32>,
          %parallel_loop3A_512 = arith.index_cast %parallel_loop3A_496 : i32 to index
          %parallel_loop3A_513 = arith.constant 16 : index
          %parallel_loop3A_514 = tpu.vector_load %arg12[%parallel_loop3A_512, %parallel_loop3A_513] {strides = array<i32>} : memref<96x128xf32, #tpu.memory_space<vmem>>, vector<16xf32>,
          %parallel_loop3A_515 = arith.mulf %parallel_loop3A_514, %parallel_loop3A_504 : vector<16xf32>
          %parallel_loop3A_516 = arith.index_cast %parallel_loop3A_496 : i32 to index
          %parallel_loop3A_517 = arith.constant 16 : index
          %parallel_loop3A_518 = tpu.vector_load %arg12[%parallel_loop3A_516, %parallel_loop3A_517] {strides = array<i32>} : memref<96x128xf32, #tpu.memory_space<vmem>>, vector<16xf32>,
          tpu.vector_store %arg12[%parallel_loop3A_516, %parallel_loop3A_517], %parallel_loop3A_515 {strides = array<i32>} : memref<96x128xf32, #tpu.memory_space<vmem>>, vector<16xf32>,
          %parallel_loop3A_519 = arith.index_cast %parallel_loop3A_496 : i32 to index
          %parallel_loop3A_520 = arith.constant 32 : index
          %parallel_loop3A_521 = tpu.vector_load %arg12[%parallel_loop3A_519, %parallel_loop3A_520] {strides = array<i32>} : memref<96x128xf32, #tpu.memory_space<vmem>>, vector<16xf32>,
          %parallel_loop3A_522 = arith.mulf %parallel_loop3A_521, %parallel_loop3A_504 : vector<16xf32>
          %parallel_loop3A_523 = arith.index_cast %parallel_loop3A_496 : i32 to index
          %parallel_loop3A_524 = arith.constant 32 : index
          %parallel_loop3A_525 = tpu.vector_load %arg12[%parallel_loop3A_523, %parallel_loop3A_524] {strides = array<i32>} : memref<96x128xf32, #tpu.memory_space<vmem>>, vector<16xf32>,
          tpu.vector_store %arg12[%parallel_loop3A_523, %parallel_loop3A_524], %parallel_loop3A_522 {strides = array<i32>} : memref<96x128xf32, #tpu.memory_space<vmem>>, vector<16xf32>,
          %parallel_loop3A_526 = arith.index_cast %parallel_loop3A_496 : i32 to index
          %parallel_loop3A_527 = arith.constant 48 : index
          %parallel_loop3A_528 = tpu.vector_load %arg12[%parallel_loop3A_526, %parallel_loop3A_527] {strides = array<i32>} : memref<96x128xf32, #tpu.memory_space<vmem>>, vector<16xf32>,
          %parallel_loop3A_529 = arith.mulf %parallel_loop3A_528, %parallel_loop3A_504 : vector<16xf32>
          %parallel_loop3A_530 = arith.index_cast %parallel_loop3A_496 : i32 to index
          %parallel_loop3A_531 = arith.constant 48 : index
          %parallel_loop3A_532 = tpu.vector_load %arg12[%parallel_loop3A_530, %parallel_loop3A_531] {strides = array<i32>} : memref<96x128xf32, #tpu.memory_space<vmem>>, vector<16xf32>,
          tpu.vector_store %arg12[%parallel_loop3A_530, %parallel_loop3A_531], %parallel_loop3A_529 {strides = array<i32>} : memref<96x128xf32, #tpu.memory_space<vmem>>, vector<16xf32>,
          %parallel_loop3A_533 = arith.index_cast %parallel_loop3A_496 : i32 to index
          %parallel_loop3A_534 = arith.constant 64 : index
          %parallel_loop3A_535 = tpu.vector_load %arg12[%parallel_loop3A_533, %parallel_loop3A_534] {strides = array<i32>} : memref<96x128xf32, #tpu.memory_space<vmem>>, vector<16xf32>,
          %parallel_loop3A_536 = arith.mulf %parallel_loop3A_535, %parallel_loop3A_504 : vector<16xf32>
          %parallel_loop3A_537 = arith.index_cast %parallel_loop3A_496 : i32 to index
          %parallel_loop3A_538 = arith.constant 64 : index
          %parallel_loop3A_539 = tpu.vector_load %arg12[%parallel_loop3A_537, %parallel_loop3A_538] {strides = array<i32>} : memref<96x128xf32, #tpu.memory_space<vmem>>, vector<16xf32>,
          tpu.vector_store %arg12[%parallel_loop3A_537, %parallel_loop3A_538], %parallel_loop3A_536 {strides = array<i32>} : memref<96x128xf32, #tpu.memory_space<vmem>>, vector<16xf32>,
          %parallel_loop3A_540 = arith.index_cast %parallel_loop3A_496 : i32 to index
          %parallel_loop3A_541 = arith.constant 80 : index
          %parallel_loop3A_542 = tpu.vector_load %arg12[%parallel_loop3A_540, %parallel_loop3A_541] {strides = array<i32>} : memref<96x128xf32, #tpu.memory_space<vmem>>, vector<16xf32>,
          %parallel_loop3A_543 = arith.mulf %parallel_loop3A_542, %parallel_loop3A_504 : vector<16xf32>
          %parallel_loop3A_544 = arith.index_cast %parallel_loop3A_496 : i32 to index
          %parallel_loop3A_545 = arith.constant 80 : index
          %parallel_loop3A_546 = tpu.vector_load %arg12[%parallel_loop3A_544, %parallel_loop3A_545] {strides = array<i32>} : memref<96x128xf32, #tpu.memory_space<vmem>>, vector<16xf32>,
          tpu.vector_store %arg12[%parallel_loop3A_544, %parallel_loop3A_545], %parallel_loop3A_543 {strides = array<i32>} : memref<96x128xf32, #tpu.memory_space<vmem>>, vector<16xf32>,
          %parallel_loop3A_547 = arith.index_cast %parallel_loop3A_496 : i32 to index
          %parallel_loop3A_548 = arith.constant 96 : index
          %parallel_loop3A_549 = tpu.vector_load %arg12[%parallel_loop3A_547, %parallel_loop3A_548] {strides = array<i32>} : memref<96x128xf32, #tpu.memory_space<vmem>>, vector<16xf32>,
          %parallel_loop3A_550 = arith.mulf %parallel_loop3A_549, %parallel_loop3A_504 : vector<16xf32>
          %parallel_loop3A_551 = arith.index_cast %parallel_loop3A_496 : i32 to index
          %parallel_loop3A_552 = arith.constant 96 : index
          %parallel_loop3A_553 = tpu.vector_load %arg12[%parallel_loop3A_551, %parallel_loop3A_552] {strides = array<i32>} : memref<96x128xf32, #tpu.memory_space<vmem>>, vector<16xf32>,
          tpu.vector_store %arg12[%parallel_loop3A_551, %parallel_loop3A_552], %parallel_loop3A_550 {strides = array<i32>} : memref<96x128xf32, #tpu.memory_space<vmem>>, vector<16xf32>,
          %parallel_loop3A_554 = arith.index_cast %parallel_loop3A_496 : i32 to index
          %parallel_loop3A_555 = arith.constant 112 : index
          %parallel_loop3A_556 = tpu.vector_load %arg12[%parallel_loop3A_554, %parallel_loop3A_555] {strides = array<i32>} : memref<96x128xf32, #tpu.memory_space<vmem>>, vector<16xf32>,
          %parallel_loop3A_557 = arith.mulf %parallel_loop3A_556, %parallel_loop3A_504 : vector<16xf32>
          %parallel_loop3A_558 = arith.index_cast %parallel_loop3A_496 : i32 to index
          %parallel_loop3A_559 = arith.constant 112 : index
          %parallel_loop3A_560 = tpu.vector_load %arg12[%parallel_loop3A_558, %parallel_loop3A_559] {strides = array<i32>} : memref<96x128xf32, #tpu.memory_space<vmem>>, vector<16xf32>,
          tpu.vector_store %arg12[%parallel_loop3A_558, %parallel_loop3A_559], %parallel_loop3A_557 {strides = array<i32>} : memref<96x128xf32, #tpu.memory_space<vmem>>, vector<16xf32>,
        } {sc.loop_unroll_factor = 4 : i64, sc.parallel_access}
        %add3A_459 = arith.constant 1 : i32
        %add3A_460 = arith.addi %mul3A_412, %add3A_459 : i32
        %dma_start3A_461 = arith.constant 0 : i32
        %dma_start3A_462 = tpu.memref_slice %arg9[%add3A_460, %dma_start3A_461] : memref<27x96xi32, #tpu.memory_space<vmem>> -> memref<1x96xi32, #tpu.memory_space<vmem>>
        %dma_start3A_463 = tpu.memref_squeeze %dma_start3A_462 : memref<1x96xi32, #tpu.memory_space<vmem>> -> memref<96xi32, #tpu.memory_space<vmem>>
        %dma_start3A_464 = arith.constant 0 : i32
        %dma_start3A_465 = arith.constant 0 : i32
        %dma_start3A_466 = tpu.memref_slice %arg7[%dma_start3A_464, %dma_start3A_465] : memref<10240x128xf32, #tpu.memory_space<vmem_shared>> -> memref<10240x128xf32, #tpu.memory_space<vmem_shared>>
        tpu.enqueue_indirect_dma source(%arg12 : memref<96x128xf32, #tpu.memory_space<vmem>>) target(%dma_start3A_466 : memref<10240x128xf32, #tpu.memory_space<vmem_shared>>) offsets(%dma_start3A_463 : memref<96xi32, #tpu.memory_space<vmem>>) semaphore(%arg18 : memref<!tpu.dma_semaphore, #tpu.memory_space<semaphore_mem>>) {add = true}
        %dma_wait3A_467 = arith.constant 0 : i32
        %dma_wait3A_468 = arith.constant 0 : i32
        %dma_wait3A_469 = tpu.memref_slice %arg9[%dma_wait3A_467, %dma_wait3A_468] : memref<27x96xi32, #tpu.memory_space<vmem>> -> memref<1x96xi32, #tpu.memory_space<vmem>>
        %dma_wait3A_470 = tpu.memref_squeeze %dma_wait3A_469 : memref<1x96xi32, #tpu.memory_space<vmem>> -> memref<96xi32, #tpu.memory_space<vmem>>
        %dma_wait3A_471 = arith.constant 0 : i32
        %dma_wait3A_472 = arith.constant 0 : i32
        %dma_wait3A_473 = tpu.memref_slice %arg7[%dma_wait3A_471, %dma_wait3A_472] : memref<10240x128xf32, #tpu.memory_space<vmem_shared>> -> memref<10240x128xf32, #tpu.memory_space<vmem_shared>>
        tpu.wait_indirect_dma semaphore(%arg17 : memref<!tpu.dma_semaphore, #tpu.memory_space<semaphore_mem>>) src(%arg11 : memref<96x128xf32, #tpu.memory_space<vmem>>) dst(%dma_wait3A_473 : memref<10240x128xf32, #tpu.memory_space<vmem_shared>>)
        %lt3A = arith.constant 8 : i32
        %lt3A_474 = arith.cmpi slt, %add3A_410, %lt3A : i32
        %convert_element_type3A_475 = arith.extui %lt3A_474 : i1 to i32
        %cond3A_476 = arith.constant 0 : i32
        %cond3A_477 = arith.cmpi ne, %convert_element_type3A_475, %cond3A_476 : i32
        scf.if %cond3A_477 {
          %add3A_496 = arith.constant 3 : i32
          %add3A_497 = arith.addi %mul3A_412, %add3A_496 : i32
          %mul3A_498 = arith.constant 96 : i32
          %mul3A_499 = arith.muli %add3A_497, %mul3A_498 : i32
          %dma_start3A_500 = tpu.memref_slice %arg8[%mul3A_499] : memref<2592xi32, #tpu.memory_space<vmem>> -> memref<96xi32, #tpu.memory_space<vmem>>
          %dma_start3A_501 = arith.constant 0 : i32
          %dma_start3A_502 = arith.constant 0 : i32
          %dma_start3A_503 = tpu.memref_slice %arg5[%dma_start3A_501, %dma_start3A_502] : memref<10240x128xf32, #tpu.memory_space<hbm>> -> memref<10240x128xf32, #tpu.memory_space<hbm>>
          tpu.enqueue_indirect_dma source(%dma_start3A_503 : memref<10240x128xf32, #tpu.memory_space<hbm>>) target(%arg11 : memref<96x128xf32, #tpu.memory_space<vmem>>) offsets(%dma_start3A_500 : memref<96xi32, #tpu.memory_space<vmem>>) semaphore(%arg14 : memref<!tpu.dma_semaphore, #tpu.memory_space<semaphore_mem>>)
        } else {
        }
        %dma_wait3A_478 = arith.constant 0 : i32
        %dma_wait3A_479 = tpu.memref_slice %arg8[%dma_wait3A_478] : memref<2592xi32, #tpu.memory_space<vmem>> -> memref<96xi32, #tpu.memory_space<vmem>>
        %dma_wait3A_480 = arith.constant 0 : i32
        %dma_wait3A_481 = arith.constant 0 : i32
        %dma_wait3A_482 = tpu.memref_slice %arg5[%dma_wait3A_480, %dma_wait3A_481] : memref<10240x128xf32, #tpu.memory_space<hbm>> -> memref<10240x128xf32, #tpu.memory_space<hbm>>
        tpu.wait_indirect_dma semaphore(%arg16 : memref<!tpu.dma_semaphore, #tpu.memory_space<semaphore_mem>>) src(%dma_wait3A_482 : memref<10240x128xf32, #tpu.memory_space<hbm>>) dst(%arg13 : memref<96x128xf32, #tpu.memory_space<vmem>>)
        %add3A_483 = arith.constant 2 : i32
        %add3A_484 = arith.addi %mul3A_412, %add3A_483 : i32
        %parallel_loop3A_485 = arith.constant 0 : i32
        %parallel_loop3A_486 = arith.constant 96 : i32
        %parallel_loop3A_487 = arith.constant 1 : i32
        scf.for %parallel_loop3A_496 = %parallel_loop3A_485 to %parallel_loop3A_486 step %parallel_loop3A_487  : i32 {
          %parallel_loop3A_497 = arith.constant 0 : i32
          %parallel_loop3A_498 = vector.broadcast %parallel_loop3A_497 : i32 to vector<16xi32>
          %parallel_loop3A_499 = arith.constant 96 : i32
          %parallel_loop3A_500 = arith.muli %add3A_484, %parallel_loop3A_499 : i32
          %parallel_loop3A_501 = arith.addi %parallel_loop3A_500, %parallel_loop3A_496 : i32
          %parallel_loop3A_502 = vector.broadcast %parallel_loop3A_501 : i32 to vector<16xi32>
          %parallel_loop3A_503 = arith.addi %parallel_loop3A_498, %parallel_loop3A_502 : vector<16xi32>
          %parallel_loop3A_504 = tpu.vector_load_idx %arg10[%parallel_loop3A_503] : memref<2592xf32, #tpu.memory_space<vmem>>[vector<16xi32>], vector<16xf32>,
          %parallel_loop3A_505 = arith.index_cast %parallel_loop3A_496 : i32 to index
          %parallel_loop3A_506 = arith.constant 0 : index
          %parallel_loop3A_507 = tpu.vector_load %arg13[%parallel_loop3A_505, %parallel_loop3A_506] {strides = array<i32>} : memref<96x128xf32, #tpu.memory_space<vmem>>, vector<16xf32>,
          %parallel_loop3A_508 = arith.mulf %parallel_loop3A_507, %parallel_loop3A_504 : vector<16xf32>
          %parallel_loop3A_509 = arith.index_cast %parallel_loop3A_496 : i32 to index
          %parallel_loop3A_510 = arith.constant 0 : index
          %parallel_loop3A_511 = tpu.vector_load %arg13[%parallel_loop3A_509, %parallel_loop3A_510] {strides = array<i32>} : memref<96x128xf32, #tpu.memory_space<vmem>>, vector<16xf32>,
          tpu.vector_store %arg13[%parallel_loop3A_509, %parallel_loop3A_510], %parallel_loop3A_508 {strides = array<i32>} : memref<96x128xf32, #tpu.memory_space<vmem>>, vector<16xf32>,
          %parallel_loop3A_512 = arith.index_cast %parallel_loop3A_496 : i32 to index
          %parallel_loop3A_513 = arith.constant 16 : index
          %parallel_loop3A_514 = tpu.vector_load %arg13[%parallel_loop3A_512, %parallel_loop3A_513] {strides = array<i32>} : memref<96x128xf32, #tpu.memory_space<vmem>>, vector<16xf32>,
          %parallel_loop3A_515 = arith.mulf %parallel_loop3A_514, %parallel_loop3A_504 : vector<16xf32>
          %parallel_loop3A_516 = arith.index_cast %parallel_loop3A_496 : i32 to index
          %parallel_loop3A_517 = arith.constant 16 : index
          %parallel_loop3A_518 = tpu.vector_load %arg13[%parallel_loop3A_516, %parallel_loop3A_517] {strides = array<i32>} : memref<96x128xf32, #tpu.memory_space<vmem>>, vector<16xf32>,
          tpu.vector_store %arg13[%parallel_loop3A_516, %parallel_loop3A_517], %parallel_loop3A_515 {strides = array<i32>} : memref<96x128xf32, #tpu.memory_space<vmem>>, vector<16xf32>,
          %parallel_loop3A_519 = arith.index_cast %parallel_loop3A_496 : i32 to index
          %parallel_loop3A_520 = arith.constant 32 : index
          %parallel_loop3A_521 = tpu.vector_load %arg13[%parallel_loop3A_519, %parallel_loop3A_520] {strides = array<i32>} : memref<96x128xf32, #tpu.memory_space<vmem>>, vector<16xf32>,
          %parallel_loop3A_522 = arith.mulf %parallel_loop3A_521, %parallel_loop3A_504 : vector<16xf32>
          %parallel_loop3A_523 = arith.index_cast %parallel_loop3A_496 : i32 to index
          %parallel_loop3A_524 = arith.constant 32 : index
          %parallel_loop3A_525 = tpu.vector_load %arg13[%parallel_loop3A_523, %parallel_loop3A_524] {strides = array<i32>} : memref<96x128xf32, #tpu.memory_space<vmem>>, vector<16xf32>,
          tpu.vector_store %arg13[%parallel_loop3A_523, %parallel_loop3A_524], %parallel_loop3A_522 {strides = array<i32>} : memref<96x128xf32, #tpu.memory_space<vmem>>, vector<16xf32>,
          %parallel_loop3A_526 = arith.index_cast %parallel_loop3A_496 : i32 to index
          %parallel_loop3A_527 = arith.constant 48 : index
          %parallel_loop3A_528 = tpu.vector_load %arg13[%parallel_loop3A_526, %parallel_loop3A_527] {strides = array<i32>} : memref<96x128xf32, #tpu.memory_space<vmem>>, vector<16xf32>,
          %parallel_loop3A_529 = arith.mulf %parallel_loop3A_528, %parallel_loop3A_504 : vector<16xf32>
          %parallel_loop3A_530 = arith.index_cast %parallel_loop3A_496 : i32 to index
          %parallel_loop3A_531 = arith.constant 48 : index
          %parallel_loop3A_532 = tpu.vector_load %arg13[%parallel_loop3A_530, %parallel_loop3A_531] {strides = array<i32>} : memref<96x128xf32, #tpu.memory_space<vmem>>, vector<16xf32>,
          tpu.vector_store %arg13[%parallel_loop3A_530, %parallel_loop3A_531], %parallel_loop3A_529 {strides = array<i32>} : memref<96x128xf32, #tpu.memory_space<vmem>>, vector<16xf32>,
          %parallel_loop3A_533 = arith.index_cast %parallel_loop3A_496 : i32 to index
          %parallel_loop3A_534 = arith.constant 64 : index
          %parallel_loop3A_535 = tpu.vector_load %arg13[%parallel_loop3A_533, %parallel_loop3A_534] {strides = array<i32>} : memref<96x128xf32, #tpu.memory_space<vmem>>, vector<16xf32>,
          %parallel_loop3A_536 = arith.mulf %parallel_loop3A_535, %parallel_loop3A_504 : vector<16xf32>
          %parallel_loop3A_537 = arith.index_cast %parallel_loop3A_496 : i32 to index
          %parallel_loop3A_538 = arith.constant 64 : index
          %parallel_loop3A_539 = tpu.vector_load %arg13[%parallel_loop3A_537, %parallel_loop3A_538] {strides = array<i32>} : memref<96x128xf32, #tpu.memory_space<vmem>>, vector<16xf32>,
          tpu.vector_store %arg13[%parallel_loop3A_537, %parallel_loop3A_538], %parallel_loop3A_536 {strides = array<i32>} : memref<96x128xf32, #tpu.memory_space<vmem>>, vector<16xf32>,
          %parallel_loop3A_540 = arith.index_cast %parallel_loop3A_496 : i32 to index
          %parallel_loop3A_541 = arith.constant 80 : index
          %parallel_loop3A_542 = tpu.vector_load %arg13[%parallel_loop3A_540, %parallel_loop3A_541] {strides = array<i32>} : memref<96x128xf32, #tpu.memory_space<vmem>>, vector<16xf32>,
          %parallel_loop3A_543 = arith.mulf %parallel_loop3A_542, %parallel_loop3A_504 : vector<16xf32>
          %parallel_loop3A_544 = arith.index_cast %parallel_loop3A_496 : i32 to index
          %parallel_loop3A_545 = arith.constant 80 : index
          %parallel_loop3A_546 = tpu.vector_load %arg13[%parallel_loop3A_544, %parallel_loop3A_545] {strides = array<i32>} : memref<96x128xf32, #tpu.memory_space<vmem>>, vector<16xf32>,
          tpu.vector_store %arg13[%parallel_loop3A_544, %parallel_loop3A_545], %parallel_loop3A_543 {strides = array<i32>} : memref<96x128xf32, #tpu.memory_space<vmem>>, vector<16xf32>,
          %parallel_loop3A_547 = arith.index_cast %parallel_loop3A_496 : i32 to index
          %parallel_loop3A_548 = arith.constant 96 : index
          %parallel_loop3A_549 = tpu.vector_load %arg13[%parallel_loop3A_547, %parallel_loop3A_548] {strides = array<i32>} : memref<96x128xf32, #tpu.memory_space<vmem>>, vector<16xf32>,
          %parallel_loop3A_550 = arith.mulf %parallel_loop3A_549, %parallel_loop3A_504 : vector<16xf32>
          %parallel_loop3A_551 = arith.index_cast %parallel_loop3A_496 : i32 to index
          %parallel_loop3A_552 = arith.constant 96 : index
          %parallel_loop3A_553 = tpu.vector_load %arg13[%parallel_loop3A_551, %parallel_loop3A_552] {strides = array<i32>} : memref<96x128xf32, #tpu.memory_space<vmem>>, vector<16xf32>,
          tpu.vector_store %arg13[%parallel_loop3A_551, %parallel_loop3A_552], %parallel_loop3A_550 {strides = array<i32>} : memref<96x128xf32, #tpu.memory_space<vmem>>, vector<16xf32>,
          %parallel_loop3A_554 = arith.index_cast %parallel_loop3A_496 : i32 to index
          %parallel_loop3A_555 = arith.constant 112 : index
          %parallel_loop3A_556 = tpu.vector_load %arg13[%parallel_loop3A_554, %parallel_loop3A_555] {strides = array<i32>} : memref<96x128xf32, #tpu.memory_space<vmem>>, vector<16xf32>,
          %parallel_loop3A_557 = arith.mulf %parallel_loop3A_556, %parallel_loop3A_504 : vector<16xf32>
          %parallel_loop3A_558 = arith.index_cast %parallel_loop3A_496 : i32 to index
          %parallel_loop3A_559 = arith.constant 112 : index
          %parallel_loop3A_560 = tpu.vector_load %arg13[%parallel_loop3A_558, %parallel_loop3A_559] {strides = array<i32>} : memref<96x128xf32, #tpu.memory_space<vmem>>, vector<16xf32>,
          tpu.vector_store %arg13[%parallel_loop3A_558, %parallel_loop3A_559], %parallel_loop3A_557 {strides = array<i32>} : memref<96x128xf32, #tpu.memory_space<vmem>>, vector<16xf32>,
        } {sc.loop_unroll_factor = 4 : i64, sc.parallel_access}
        %add3A_488 = arith.constant 2 : i32
        %add3A_489 = arith.addi %mul3A_412, %add3A_488 : i32
        %dma_start3A_490 = arith.constant 0 : i32
        %dma_start3A_491 = tpu.memref_slice %arg9[%add3A_489, %dma_start3A_490] : memref<27x96xi32, #tpu.memory_space<vmem>> -> memref<1x96xi32, #tpu.memory_space<vmem>>
        %dma_start3A_492 = tpu.memref_squeeze %dma_start3A_491 : memref<1x96xi32, #tpu.memory_space<vmem>> -> memref<96xi32, #tpu.memory_space<vmem>>
        %dma_start3A_493 = arith.constant 0 : i32
        %dma_start3A_494 = arith.constant 0 : i32
        %dma_start3A_495 = tpu.memref_slice %arg7[%dma_start3A_493, %dma_start3A_494] : memref<10240x128xf32, #tpu.memory_space<vmem_shared>> -> memref<10240x128xf32, #tpu.memory_space<vmem_shared>>
        tpu.enqueue_indirect_dma source(%arg13 : memref<96x128xf32, #tpu.memory_space<vmem>>) target(%dma_start3A_495 : memref<10240x128xf32, #tpu.memory_space<vmem_shared>>) offsets(%dma_start3A_492 : memref<96xi32, #tpu.memory_space<vmem>>) semaphore(%arg19 : memref<!tpu.dma_semaphore, #tpu.memory_space<semaphore_mem>>) {add = true}
      }
      %scan3A_391 = arith.constant 9 : i32
      %dma_wait3A_392 = arith.constant 0 : i32
      %dma_wait3A_393 = arith.constant 0 : i32
      %dma_wait3A_394 = tpu.memref_slice %arg9[%dma_wait3A_392, %dma_wait3A_393] : memref<27x96xi32, #tpu.memory_space<vmem>> -> memref<1x96xi32, #tpu.memory_space<vmem>>
      %dma_wait3A_395 = tpu.memref_squeeze %dma_wait3A_394 : memref<1x96xi32, #tpu.memory_space<vmem>> -> memref<96xi32, #tpu.memory_space<vmem>>
      %dma_wait3A_396 = arith.constant 0 : i32
      %dma_wait3A_397 = arith.constant 0 : i32
      %dma_wait3A_398 = tpu.memref_slice %arg7[%dma_wait3A_396, %dma_wait3A_397] : memref<10240x128xf32, #tpu.memory_space<vmem_shared>> -> memref<10240x128xf32, #tpu.memory_space<vmem_shared>>
      tpu.wait_indirect_dma semaphore(%arg18 : memref<!tpu.dma_semaphore, #tpu.memory_space<semaphore_mem>>) src(%arg12 : memref<96x128xf32, #tpu.memory_space<vmem>>) dst(%dma_wait3A_398 : memref<10240x128xf32, #tpu.memory_space<vmem_shared>>)
      %dma_wait3A_399 = arith.constant 0 : i32
      %dma_wait3A_400 = arith.constant 0 : i32
      %dma_wait3A_401 = tpu.memref_slice %arg9[%dma_wait3A_399, %dma_wait3A_400] : memref<27x96xi32, #tpu.memory_space<vmem>> -> memref<1x96xi32, #tpu.memory_space<vmem>>
      %dma_wait3A_402 = tpu.memref_squeeze %dma_wait3A_401 : memref<1x96xi32, #tpu.memory_space<vmem>> -> memref<96xi32, #tpu.memory_space<vmem>>
      %dma_wait3A_403 = arith.constant 0 : i32
      %dma_wait3A_404 = arith.constant 0 : i32
      %dma_wait3A_405 = tpu.memref_slice %arg7[%dma_wait3A_403, %dma_wait3A_404] : memref<10240x128xf32, #tpu.memory_space<vmem_shared>> -> memref<10240x128xf32, #tpu.memory_space<vmem_shared>>
      tpu.wait_indirect_dma semaphore(%arg19 : memref<!tpu.dma_semaphore, #tpu.memory_space<semaphore_mem>>) src(%arg13 : memref<96x128xf32, #tpu.memory_space<vmem>>) dst(%dma_wait3A_405 : memref<10240x128xf32, #tpu.memory_space<vmem_shared>>)
    }
    %barrier3A_226 = arith.constant 0 : index
    tpu.barrier barrier_id(%barrier3A_226)
    %mul3A_227 = arith.constant 640 : i32
    %mul3A_228 = arith.muli %arg1, %mul3A_227 : i32
    %add3A_229 = arith.constant 0 : i32
    %add3A_230 = arith.addi %mul3A_228, %add3A_229 : i32
    %dma_start3A_231 = arith.constant 0 : i32
    %dma_start3A_232 = tpu.memref_slice %arg6[%arg0, %add3A_230, %dma_start3A_231] : memref<2x10240x128xf32, #tpu.memory_space<hbm>> -> memref<1x80x128xf32, #tpu.memory_space<hbm>>
    %dma_start3A_233 = tpu.memref_squeeze %dma_start3A_232 : memref<1x80x128xf32, #tpu.memory_space<hbm>> -> memref<80x128xf32, #tpu.memory_space<hbm>>
    %dma_start3A_234 = arith.constant 0 : i32
    %dma_start3A_235 = tpu.memref_slice %arg7[%add3A_230, %dma_start3A_234] : memref<10240x128xf32, #tpu.memory_space<vmem_shared>> -> memref<80x128xf32, #tpu.memory_space<vmem_shared>>
    tpu.enqueue_dma source(%dma_start3A_235 : memref<80x128xf32, #tpu.memory_space<vmem_shared>>) target(%dma_start3A_233 : memref<80x128xf32, #tpu.memory_space<hbm>>) target_semaphore(%arg15 : memref<!tpu.dma_semaphore, #tpu.memory_space<semaphore_mem>>)
    %mul3A_236 = arith.constant 640 : i32
    %mul3A_237 = arith.muli %arg1, %mul3A_236 : i32
    %add3A_238 = arith.constant 80 : i32
    %add3A_239 = arith.addi %mul3A_237, %add3A_238 : i32
    %dma_start3A_240 = arith.constant 0 : i32
    %dma_start3A_241 = tpu.memref_slice %arg6[%arg0, %add3A_239, %dma_start3A_240] : memref<2x10240x128xf32, #tpu.memory_space<hbm>> -> memref<1x80x128xf32, #tpu.memory_space<hbm>>
    %dma_start3A_242 = tpu.memref_squeeze %dma_start3A_241 : memref<1x80x128xf32, #tpu.memory_space<hbm>> -> memref<80x128xf32, #tpu.memory_space<hbm>>
    %dma_start3A_243 = arith.constant 0 : i32
    %dma_start3A_244 = tpu.memref_slice %arg7[%add3A_239, %dma_start3A_243] : memref<10240x128xf32, #tpu.memory_space<vmem_shared>> -> memref<80x128xf32, #tpu.memory_space<vmem_shared>>
    tpu.enqueue_dma source(%dma_start3A_244 : memref<80x128xf32, #tpu.memory_space<vmem_shared>>) target(%dma_start3A_242 : memref<80x128xf32, #tpu.memory_space<hbm>>) target_semaphore(%arg15 : memref<!tpu.dma_semaphore, #tpu.memory_space<semaphore_mem>>)
    %mul3A_245 = arith.constant 640 : i32
    %mul3A_246 = arith.muli %arg1, %mul3A_245 : i32
    %add3A_247 = arith.constant 160 : i32
    %add3A_248 = arith.addi %mul3A_246, %add3A_247 : i32
    %dma_start3A_249 = arith.constant 0 : i32
    %dma_start3A_250 = tpu.memref_slice %arg6[%arg0, %add3A_248, %dma_start3A_249] : memref<2x10240x128xf32, #tpu.memory_space<hbm>> -> memref<1x80x128xf32, #tpu.memory_space<hbm>>
    %dma_start3A_251 = tpu.memref_squeeze %dma_start3A_250 : memref<1x80x128xf32, #tpu.memory_space<hbm>> -> memref<80x128xf32, #tpu.memory_space<hbm>>
    %dma_start3A_252 = arith.constant 0 : i32
    %dma_start3A_253 = tpu.memref_slice %arg7[%add3A_248, %dma_start3A_252] : memref<10240x128xf32, #tpu.memory_space<vmem_shared>> -> memref<80x128xf32, #tpu.memory_space<vmem_shared>>
    tpu.enqueue_dma source(%dma_start3A_253 : memref<80x128xf32, #tpu.memory_space<vmem_shared>>) target(%dma_start3A_251 : memref<80x128xf32, #tpu.memory_space<hbm>>) target_semaphore(%arg15 : memref<!tpu.dma_semaphore, #tpu.memory_space<semaphore_mem>>)
    %mul3A_254 = arith.constant 640 : i32
    %mul3A_255 = arith.muli %arg1, %mul3A_254 : i32
    %add3A_256 = arith.constant 240 : i32
    %add3A_257 = arith.addi %mul3A_255, %add3A_256 : i32
    %dma_start3A_258 = arith.constant 0 : i32
    %dma_start3A_259 = tpu.memref_slice %arg6[%arg0, %add3A_257, %dma_start3A_258] : memref<2x10240x128xf32, #tpu.memory_space<hbm>> -> memref<1x80x128xf32, #tpu.memory_space<hbm>>
    %dma_start3A_260 = tpu.memref_squeeze %dma_start3A_259 : memref<1x80x128xf32, #tpu.memory_space<hbm>> -> memref<80x128xf32, #tpu.memory_space<hbm>>
    %dma_start3A_261 = arith.constant 0 : i32
    %dma_start3A_262 = tpu.memref_slice %arg7[%add3A_257, %dma_start3A_261] : memref<10240x128xf32, #tpu.memory_space<vmem_shared>> -> memref<80x128xf32, #tpu.memory_space<vmem_shared>>
    tpu.enqueue_dma source(%dma_start3A_262 : memref<80x128xf32, #tpu.memory_space<vmem_shared>>) target(%dma_start3A_260 : memref<80x128xf32, #tpu.memory_space<hbm>>) target_semaphore(%arg15 : memref<!tpu.dma_semaphore, #tpu.memory_space<semaphore_mem>>)
    %mul3A_263 = arith.constant 640 : i32
    %mul3A_264 = arith.muli %arg1, %mul3A_263 : i32
    %add3A_265 = arith.constant 320 : i32
    %add3A_266 = arith.addi %mul3A_264, %add3A_265 : i32
    %dma_start3A_267 = arith.constant 0 : i32
    %dma_start3A_268 = tpu.memref_slice %arg6[%arg0, %add3A_266, %dma_start3A_267] : memref<2x10240x128xf32, #tpu.memory_space<hbm>> -> memref<1x80x128xf32, #tpu.memory_space<hbm>>
    %dma_start3A_269 = tpu.memref_squeeze %dma_start3A_268 : memref<1x80x128xf32, #tpu.memory_space<hbm>> -> memref<80x128xf32, #tpu.memory_space<hbm>>
    %dma_start3A_270 = arith.constant 0 : i32
    %dma_start3A_271 = tpu.memref_slice %arg7[%add3A_266, %dma_start3A_270] : memref<10240x128xf32, #tpu.memory_space<vmem_shared>> -> memref<80x128xf32, #tpu.memory_space<vmem_shared>>
    tpu.enqueue_dma source(%dma_start3A_271 : memref<80x128xf32, #tpu.memory_space<vmem_shared>>) target(%dma_start3A_269 : memref<80x128xf32, #tpu.memory_space<hbm>>) target_semaphore(%arg15 : memref<!tpu.dma_semaphore, #tpu.memory_space<semaphore_mem>>)
    %mul3A_272 = arith.constant 640 : i32
    %mul3A_273 = arith.muli %arg1, %mul3A_272 : i32
    %add3A_274 = arith.constant 400 : i32
    %add3A_275 = arith.addi %mul3A_273, %add3A_274 : i32
    %dma_start3A_276 = arith.constant 0 : i32
    %dma_start3A_277 = tpu.memref_slice %arg6[%arg0, %add3A_275, %dma_start3A_276] : memref<2x10240x128xf32, #tpu.memory_space<hbm>> -> memref<1x80x128xf32, #tpu.memory_space<hbm>>
    %dma_start3A_278 = tpu.memref_squeeze %dma_start3A_277 : memref<1x80x128xf32, #tpu.memory_space<hbm>> -> memref<80x128xf32, #tpu.memory_space<hbm>>
    %dma_start3A_279 = arith.constant 0 : i32
    %dma_start3A_280 = tpu.memref_slice %arg7[%add3A_275, %dma_start3A_279] : memref<10240x128xf32, #tpu.memory_space<vmem_shared>> -> memref<80x128xf32, #tpu.memory_space<vmem_shared>>
    tpu.enqueue_dma source(%dma_start3A_280 : memref<80x128xf32, #tpu.memory_space<vmem_shared>>) target(%dma_start3A_278 : memref<80x128xf32, #tpu.memory_space<hbm>>) target_semaphore(%arg15 : memref<!tpu.dma_semaphore, #tpu.memory_space<semaphore_mem>>)
    %mul3A_281 = arith.constant 640 : i32
    %mul3A_282 = arith.muli %arg1, %mul3A_281 : i32
    %add3A_283 = arith.constant 480 : i32
    %add3A_284 = arith.addi %mul3A_282, %add3A_283 : i32
    %dma_start3A_285 = arith.constant 0 : i32
    %dma_start3A_286 = tpu.memref_slice %arg6[%arg0, %add3A_284, %dma_start3A_285] : memref<2x10240x128xf32, #tpu.memory_space<hbm>> -> memref<1x80x128xf32, #tpu.memory_space<hbm>>
    %dma_start3A_287 = tpu.memref_squeeze %dma_start3A_286 : memref<1x80x128xf32, #tpu.memory_space<hbm>> -> memref<80x128xf32, #tpu.memory_space<hbm>>
    %dma_start3A_288 = arith.constant 0 : i32
    %dma_start3A_289 = tpu.memref_slice %arg7[%add3A_284, %dma_start3A_288] : memref<10240x128xf32, #tpu.memory_space<vmem_shared>> -> memref<80x128xf32, #tpu.memory_space<vmem_shared>>
    tpu.enqueue_dma source(%dma_start3A_289 : memref<80x128xf32, #tpu.memory_space<vmem_shared>>) target(%dma_start3A_287 : memref<80x128xf32, #tpu.memory_space<hbm>>) target_semaphore(%arg15 : memref<!tpu.dma_semaphore, #tpu.memory_space<semaphore_mem>>)
    %mul3A_290 = arith.constant 640 : i32
    %mul3A_291 = arith.muli %arg1, %mul3A_290 : i32
    %add3A_292 = arith.constant 560 : i32
    %add3A_293 = arith.addi %mul3A_291, %add3A_292 : i32
    %dma_start3A_294 = arith.constant 0 : i32
    %dma_start3A_295 = tpu.memref_slice %arg6[%arg0, %add3A_293, %dma_start3A_294] : memref<2x10240x128xf32, #tpu.memory_space<hbm>> -> memref<1x80x128xf32, #tpu.memory_space<hbm>>
    %dma_start3A_296 = tpu.memref_squeeze %dma_start3A_295 : memref<1x80x128xf32, #tpu.memory_space<hbm>> -> memref<80x128xf32, #tpu.memory_space<hbm>>
    %dma_start3A_297 = arith.constant 0 : i32
    %dma_start3A_298 = tpu.memref_slice %arg7[%add3A_293, %dma_start3A_297] : memref<10240x128xf32, #tpu.memory_space<vmem_shared>> -> memref<80x128xf32, #tpu.memory_space<vmem_shared>>
    tpu.enqueue_dma source(%dma_start3A_298 : memref<80x128xf32, #tpu.memory_space<vmem_shared>>) target(%dma_start3A_296 : memref<80x128xf32, #tpu.memory_space<hbm>>) target_semaphore(%arg15 : memref<!tpu.dma_semaphore, #tpu.memory_space<semaphore_mem>>)
    %mul3A_299 = arith.constant 640 : i32
    %mul3A_300 = arith.muli %arg1, %mul3A_299 : i32
    %mul3A_301 = arith.constant 640 : i32
    %mul3A_302 = arith.muli %arg1, %mul3A_301 : i32
    %dma_wait3A_303 = arith.constant 0 : i32
    %dma_wait3A_304 = tpu.memref_slice %arg6[%arg0, %mul3A_302, %dma_wait3A_303] : memref<2x10240x128xf32, #tpu.memory_space<hbm>> -> memref<1x80x128xf32, #tpu.memory_space<hbm>>
    %dma_wait3A_305 = tpu.memref_squeeze %dma_wait3A_304 : memref<1x80x128xf32, #tpu.memory_space<hbm>> -> memref<80x128xf32, #tpu.memory_space<hbm>>
    %dma_wait3A_306 = arith.constant 0 : i32
    %dma_wait3A_307 = tpu.memref_slice %arg7[%mul3A_300, %dma_wait3A_306] : memref<10240x128xf32, #tpu.memory_space<vmem_shared>> -> memref<80x128xf32, #tpu.memory_space<vmem_shared>>
    tpu.wait_dma2 semaphore(%arg15 : memref<!tpu.dma_semaphore, #tpu.memory_space<semaphore_mem>>) src(%dma_wait3A_307 : memref<80x128xf32, #tpu.memory_space<vmem_shared>>) dst(%dma_wait3A_305 : memref<80x128xf32, #tpu.memory_space<hbm>>)
    %mul3A_308 = arith.constant 640 : i32
    %mul3A_309 = arith.muli %arg1, %mul3A_308 : i32
    %mul3A_310 = arith.constant 640 : i32
    %mul3A_311 = arith.muli %arg1, %mul3A_310 : i32
    %dma_wait3A_312 = arith.constant 0 : i32
    %dma_wait3A_313 = tpu.memref_slice %arg6[%arg0, %mul3A_311, %dma_wait3A_312] : memref<2x10240x128xf32, #tpu.memory_space<hbm>> -> memref<1x80x128xf32, #tpu.memory_space<hbm>>
    %dma_wait3A_314 = tpu.memref_squeeze %dma_wait3A_313 : memref<1x80x128xf32, #tpu.memory_space<hbm>> -> memref<80x128xf32, #tpu.memory_space<hbm>>
    %dma_wait3A_315 = arith.constant 0 : i32
    %dma_wait3A_316 = tpu.memref_slice %arg7[%mul3A_309, %dma_wait3A_315] : memref<10240x128xf32, #tpu.memory_space<vmem_shared>> -> memref<80x128xf32, #tpu.memory_space<vmem_shared>>
    tpu.wait_dma2 semaphore(%arg15 : memref<!tpu.dma_semaphore, #tpu.memory_space<semaphore_mem>>) src(%dma_wait3A_316 : memref<80x128xf32, #tpu.memory_space<vmem_shared>>) dst(%dma_wait3A_314 : memref<80x128xf32, #tpu.memory_space<hbm>>)
    %mul3A_317 = arith.constant 640 : i32
    %mul3A_318 = arith.muli %arg1, %mul3A_317 : i32
    %mul3A_319 = arith.constant 640 : i32
    %mul3A_320 = arith.muli %arg1, %mul3A_319 : i32
    %dma_wait3A_321 = arith.constant 0 : i32
    %dma_wait3A_322 = tpu.memref_slice %arg6[%arg0, %mul3A_320, %dma_wait3A_321] : memref<2x10240x128xf32, #tpu.memory_space<hbm>> -> memref<1x80x128xf32, #tpu.memory_space<hbm>>
    %dma_wait3A_323 = tpu.memref_squeeze %dma_wait3A_322 : memref<1x80x128xf32, #tpu.memory_space<hbm>> -> memref<80x128xf32, #tpu.memory_space<hbm>>
    %dma_wait3A_324 = arith.constant 0 : i32
    %dma_wait3A_325 = tpu.memref_slice %arg7[%mul3A_318, %dma_wait3A_324] : memref<10240x128xf32, #tpu.memory_space<vmem_shared>> -> memref<80x128xf32, #tpu.memory_space<vmem_shared>>
    tpu.wait_dma2 semaphore(%arg15 : memref<!tpu.dma_semaphore, #tpu.memory_space<semaphore_mem>>) src(%dma_wait3A_325 : memref<80x128xf32, #tpu.memory_space<vmem_shared>>) dst(%dma_wait3A_323 : memref<80x128xf32, #tpu.memory_space<hbm>>)
    %mul3A_326 = arith.constant 640 : i32
    %mul3A_327 = arith.muli %arg1, %mul3A_326 : i32
    %mul3A_328 = arith.constant 640 : i32
    %mul3A_329 = arith.muli %arg1, %mul3A_328 : i32
    %dma_wait3A_330 = arith.constant 0 : i32
    %dma_wait3A_331 = tpu.memref_slice %arg6[%arg0, %mul3A_329, %dma_wait3A_330] : memref<2x10240x128xf32, #tpu.memory_space<hbm>> -> memref<1x80x128xf32, #tpu.memory_space<hbm>>
    %dma_wait3A_332 = tpu.memref_squeeze %dma_wait3A_331 : memref<1x80x128xf32, #tpu.memory_space<hbm>> -> memref<80x128xf32, #tpu.memory_space<hbm>>
    %dma_wait3A_333 = arith.constant 0 : i32
    %dma_wait3A_334 = tpu.memref_slice %arg7[%mul3A_327, %dma_wait3A_333] : memref<10240x128xf32, #tpu.memory_space<vmem_shared>> -> memref<80x128xf32, #tpu.memory_space<vmem_shared>>
    tpu.wait_dma2 semaphore(%arg15 : memref<!tpu.dma_semaphore, #tpu.memory_space<semaphore_mem>>) src(%dma_wait3A_334 : memref<80x128xf32, #tpu.memory_space<vmem_shared>>) dst(%dma_wait3A_332 : memref<80x128xf32, #tpu.memory_space<hbm>>)
    %mul3A_335 = arith.constant 640 : i32
    %mul3A_336 = arith.muli %arg1, %mul3A_335 : i32
    %mul3A_337 = arith.constant 640 : i32
    %mul3A_338 = arith.muli %arg1, %mul3A_337 : i32
    %dma_wait3A_339 = arith.constant 0 : i32
    %dma_wait3A_340 = tpu.memref_slice %arg6[%arg0, %mul3A_338, %dma_wait3A_339] : memref<2x10240x128xf32, #tpu.memory_space<hbm>> -> memref<1x80x128xf32, #tpu.memory_space<hbm>>
    %dma_wait3A_341 = tpu.memref_squeeze %dma_wait3A_340 : memref<1x80x128xf32, #tpu.memory_space<hbm>> -> memref<80x128xf32, #tpu.memory_space<hbm>>
    %dma_wait3A_342 = arith.constant 0 : i32
    %dma_wait3A_343 = tpu.memref_slice %arg7[%mul3A_336, %dma_wait3A_342] : memref<10240x128xf32, #tpu.memory_space<vmem_shared>> -> memref<80x128xf32, #tpu.memory_space<vmem_shared>>
    tpu.wait_dma2 semaphore(%arg15 : memref<!tpu.dma_semaphore, #tpu.memory_space<semaphore_mem>>) src(%dma_wait3A_343 : memref<80x128xf32, #tpu.memory_space<vmem_shared>>) dst(%dma_wait3A_341 : memref<80x128xf32, #tpu.memory_space<hbm>>)
    %mul3A_344 = arith.constant 640 : i32
    %mul3A_345 = arith.muli %arg1, %mul3A_344 : i32
    %mul3A_346 = arith.constant 640 : i32
    %mul3A_347 = arith.muli %arg1, %mul3A_346 : i32
    %dma_wait3A_348 = arith.constant 0 : i32
    %dma_wait3A_349 = tpu.memref_slice %arg6[%arg0, %mul3A_347, %dma_wait3A_348] : memref<2x10240x128xf32, #tpu.memory_space<hbm>> -> memref<1x80x128xf32, #tpu.memory_space<hbm>>
    %dma_wait3A_350 = tpu.memref_squeeze %dma_wait3A_349 : memref<1x80x128xf32, #tpu.memory_space<hbm>> -> memref<80x128xf32, #tpu.memory_space<hbm>>
    %dma_wait3A_351 = arith.constant 0 : i32
    %dma_wait3A_352 = tpu.memref_slice %arg7[%mul3A_345, %dma_wait3A_351] : memref<10240x128xf32, #tpu.memory_space<vmem_shared>> -> memref<80x128xf32, #tpu.memory_space<vmem_shared>>
    tpu.wait_dma2 semaphore(%arg15 : memref<!tpu.dma_semaphore, #tpu.memory_space<semaphore_mem>>) src(%dma_wait3A_352 : memref<80x128xf32, #tpu.memory_space<vmem_shared>>) dst(%dma_wait3A_350 : memref<80x128xf32, #tpu.memory_space<hbm>>)
    %mul3A_353 = arith.constant 640 : i32
    %mul3A_354 = arith.muli %arg1, %mul3A_353 : i32
    %mul3A_355 = arith.constant 640 : i32
    %mul3A_356 = arith.muli %arg1, %mul3A_355 : i32
    %dma_wait3A_357 = arith.constant 0 : i32
    %dma_wait3A_358 = tpu.memref_slice %arg6[%arg0, %mul3A_356, %dma_wait3A_357] : memref<2x10240x128xf32, #tpu.memory_space<hbm>> -> memref<1x80x128xf32, #tpu.memory_space<hbm>>
    %dma_wait3A_359 = tpu.memref_squeeze %dma_wait3A_358 : memref<1x80x128xf32, #tpu.memory_space<hbm>> -> memref<80x128xf32, #tpu.memory_space<hbm>>
    %dma_wait3A_360 = arith.constant 0 : i32
    %dma_wait3A_361 = tpu.memref_slice %arg7[%mul3A_354, %dma_wait3A_360] : memref<10240x128xf32, #tpu.memory_space<vmem_shared>> -> memref<80x128xf32, #tpu.memory_space<vmem_shared>>
    tpu.wait_dma2 semaphore(%arg15 : memref<!tpu.dma_semaphore, #tpu.memory_space<semaphore_mem>>) src(%dma_wait3A_361 : memref<80x128xf32, #tpu.memory_space<vmem_shared>>) dst(%dma_wait3A_359 : memref<80x128xf32, #tpu.memory_space<hbm>>)
    %mul3A_362 = arith.constant 640 : i32
    %mul3A_363 = arith.muli %arg1, %mul3A_362 : i32
    %mul3A_364 = arith.constant 640 : i32
    %mul3A_365 = arith.muli %arg1, %mul3A_364 : i32
    %dma_wait3A_366 = arith.constant 0 : i32
    %dma_wait3A_367 = tpu.memref_slice %arg6[%arg0, %mul3A_365, %dma_wait3A_366] : memref<2x10240x128xf32, #tpu.memory_space<hbm>> -> memref<1x80x128xf32, #tpu.memory_space<hbm>>
    %dma_wait3A_368 = tpu.memref_squeeze %dma_wait3A_367 : memref<1x80x128xf32, #tpu.memory_space<hbm>> -> memref<80x128xf32, #tpu.memory_space<hbm>>
    %dma_wait3A_369 = arith.constant 0 : i32
    %dma_wait3A_370 = tpu.memref_slice %arg7[%mul3A_363, %dma_wait3A_369] : memref<10240x128xf32, #tpu.memory_space<vmem_shared>> -> memref<80x128xf32, #tpu.memory_space<vmem_shared>>
    tpu.wait_dma2 semaphore(%arg15 : memref<!tpu.dma_semaphore, #tpu.memory_space<semaphore_mem>>) src(%dma_wait3A_370 : memref<80x128xf32, #tpu.memory_space<vmem_shared>>) dst(%dma_wait3A_368 : memref<80x128xf32, #tpu.memory_space<hbm>>)
    return
  }
}

#map = affine_map<(d0, d1) -> (0, 0, 0)>
#map1 = affine_map<(d0, d1) -> (0)>
#map2 = affine_map<(d0, d1) -> (0, 0)>
module attributes {stable_mosaic.version = 14 : i64} {
  func.func @_deg_kernel(%arg0: i32, %arg1: i32, %arg2: memref<128x27x96xi32, #tpu.memory_space<hbm>>, %arg3: memref<331776xf32, #tpu.memory_space<hbm>>, %arg4: memref<2x10240xf32, #tpu.memory_space<hbm>>, %arg5: memref<10240xf32, #tpu.memory_space<vmem_shared>>, %arg6: memref<27x96xi32, #tpu.memory_space<vmem>>, %arg7: memref<2592xf32, #tpu.memory_space<vmem>>, %arg8: memref<640xf32, #tpu.memory_space<vmem>>, %arg9: memref<!tpu.dma_semaphore, #tpu.memory_space<semaphore_mem>>) attributes {dimension_semantics = [#tpu.dimension_semantics<core_parallel>, #tpu.dimension_semantics<subcore_parallel>], iteration_bounds = array<i64: 2, 16>, scalar_prefetch = 0 : i64, scratch_operands = 5 : i64, tpu.core_type = #tpu.core_type<sc_vector_subcore>, window_params = [{transform_indices = #map}, {transform_indices = #map1}, {transform_indices = #map2}]} {
    %eq3A = arith.constant 0 : i32
    %eq3A_0 = arith.cmpi eq, %arg0, %eq3A : i32
    %jit3A = arith.constant 5 : i32
    %jit3A_1 = arith.constant 3 : i32
    %select_n3A = arith.select %eq3A_0, %jit3A, %jit3A_1 : i32
    %scan3A = arith.constant 0 : i32
    %scan3A_2 = arith.constant 40 : i32
    %scan3A_3 = arith.addi %scan3A, %scan3A_2 : i32
    %scan3A_4 = arith.constant 1 : i32
    scf.for %scan3A_25 = %scan3A to %scan3A_3 step %scan3A_4  : i32 {
      %mul3A_26 = arith.constant 1 : i32
      %mul3A_27 = arith.muli %scan3A_25, %mul3A_26 : i32
      %add3A_28 = arith.constant 0 : i32
      %add3A_29 = arith.addi %add3A_28, %mul3A_27 : i32
      %broadcast_in_dim3A = arith.constant 0.000000e+00 : f32
      %broadcast_in_dim3A_30 = vector.broadcast %broadcast_in_dim3A : f32 to vector<16xf32>
      %mul3A_31 = arith.constant 16 : i32
      %mul3A_32 = arith.muli %add3A_29, %mul3A_31 : i32
      %swap3A = arith.index_cast %mul3A_32 : i32 to index
      %swap3A_33 = tpu.vector_load %arg8[%swap3A] {strides = array<i32>} : memref<640xf32, #tpu.memory_space<vmem>>, vector<16xf32>,
      tpu.vector_store %arg8[%swap3A], %broadcast_in_dim3A_30 {strides = array<i32>} : memref<640xf32, #tpu.memory_space<vmem>>, vector<16xf32>,
    }
    %scan3A_5 = arith.constant 40 : i32
    %mul3A = arith.constant 640 : i32
    %mul3A_6 = arith.muli %arg1, %mul3A : i32
    "tpu.region"() ({
      %run_scoped3A = tpu.sem_alloc : memref<!tpu.dma_semaphore, #tpu.memory_space<semaphore_mem>>
      %dma_start3A = tpu.memref_slice %arg5[%mul3A_6] : memref<10240xf32, #tpu.memory_space<vmem_shared>> -> memref<640xf32, #tpu.memory_space<vmem_shared>>
      %dma_start3A_25 = tpu.memref_slice %arg5[%mul3A_6] : memref<10240xf32, #tpu.memory_space<vmem_shared>> -> memref<640xf32, #tpu.memory_space<vmem_shared>>
      tpu.enqueue_dma source(%arg8 : memref<640xf32, #tpu.memory_space<vmem>>) target(%dma_start3A_25 : memref<640xf32, #tpu.memory_space<vmem_shared>>) target_semaphore(%run_scoped3A : memref<!tpu.dma_semaphore, #tpu.memory_space<semaphore_mem>>)
      %dma_wait3A = tpu.memref_slice %arg5[%mul3A_6] : memref<10240xf32, #tpu.memory_space<vmem_shared>> -> memref<640xf32, #tpu.memory_space<vmem_shared>>
      %dma_wait3A_26 = tpu.memref_slice %arg5[%mul3A_6] : memref<10240xf32, #tpu.memory_space<vmem_shared>> -> memref<640xf32, #tpu.memory_space<vmem_shared>>
      tpu.wait_dma2 semaphore(%run_scoped3A : memref<!tpu.dma_semaphore, #tpu.memory_space<semaphore_mem>>) src(%arg8 : memref<640xf32, #tpu.memory_space<vmem>>) dst(%dma_wait3A_26 : memref<640xf32, #tpu.memory_space<vmem_shared>>)
      tpu.yield
    }) : () -> ()
    %barrier3A = arith.constant 0 : index
    tpu.barrier barrier_id(%barrier3A)
    %sub3A = arith.constant 0 : i32
    %sub3A_7 = arith.subi %select_n3A, %sub3A : i32
    %sub3A_8 = arith.constant 1 : i32
    %sub3A_9 = arith.constant 1 : i32
    %sub3A_10 = arith.subi %sub3A_8, %sub3A_9 : i32
    %add3A = arith.addi %sub3A_7, %sub3A_10 : i32
    %div3A = arith.constant 1 : i32
    %div3A_11 = arith.divsi %add3A, %div3A : i32
    %while3A = arith.constant 1 : i32
    %while3A_12 = arith.constant 0 : i32
    %while3A_13 = arith.constant 0 : i32
    %while3A_14 = arith.subi %div3A_11, %while3A_13 : i32
    %while3A_15 = arith.addi %while3A_13, %while3A_14 : i32
    %while3A_16 = arith.constant 1 : i32
    %while3A_17 = arith.divsi %while3A_14, %while3A_16 : i32
    %while3A_18 = arith.muli %while3A_17, %while3A_16 : i32
    %while3A_19 = arith.addi %while3A_13, %while3A_18 : i32
    %while3A_20 = arith.constant 1 : i32
    scf.for %while3A_25 = %while3A_13 to %while3A_19 step %while3A_20  : i32 {
      %mul3A_26 = arith.muli %while3A_25, %while3A : i32
      %add3A_27 = arith.addi %while3A_12, %mul3A_26 : i32
      %mul3A_28 = arith.constant 8 : i32
      %mul3A_29 = arith.muli %arg1, %mul3A_28 : i32
      %mul3A_30 = arith.constant 5 : i32
      %mul3A_31 = arith.muli %arg0, %mul3A_30 : i32
      %add3A_32 = arith.addi %mul3A_29, %mul3A_31 : i32
      %add3A_33 = arith.addi %add3A_32, %add3A_27 : i32
      "tpu.region"() ({
        %run_scoped3A = tpu.sem_alloc : memref<!tpu.dma_semaphore, #tpu.memory_space<semaphore_mem>>
        %dma_start3A = arith.constant 0 : i32
        %dma_start3A_46 = arith.constant 0 : i32
        %dma_start3A_47 = tpu.memref_slice %arg2[%add3A_33, %dma_start3A, %dma_start3A_46] : memref<128x27x96xi32, #tpu.memory_space<hbm>> -> memref<1x27x96xi32, #tpu.memory_space<hbm>>
        %dma_start3A_48 = tpu.memref_squeeze %dma_start3A_47 : memref<1x27x96xi32, #tpu.memory_space<hbm>> -> memref<27x96xi32, #tpu.memory_space<hbm>>
        %dma_start3A_49 = arith.constant 0 : i32
        %dma_start3A_50 = arith.constant 0 : i32
        %dma_start3A_51 = tpu.memref_slice %arg2[%add3A_33, %dma_start3A_49, %dma_start3A_50] : memref<128x27x96xi32, #tpu.memory_space<hbm>> -> memref<1x27x96xi32, #tpu.memory_space<hbm>>
        %dma_start3A_52 = tpu.memref_squeeze %dma_start3A_51 : memref<1x27x96xi32, #tpu.memory_space<hbm>> -> memref<27x96xi32, #tpu.memory_space<hbm>>
        tpu.enqueue_dma source(%dma_start3A_52 : memref<27x96xi32, #tpu.memory_space<hbm>>) target(%arg6 : memref<27x96xi32, #tpu.memory_space<vmem>>) target_semaphore(%run_scoped3A : memref<!tpu.dma_semaphore, #tpu.memory_space<semaphore_mem>>)
        %dma_wait3A = arith.constant 0 : i32
        %dma_wait3A_53 = arith.constant 0 : i32
        %dma_wait3A_54 = tpu.memref_slice %arg2[%add3A_33, %dma_wait3A, %dma_wait3A_53] : memref<128x27x96xi32, #tpu.memory_space<hbm>> -> memref<1x27x96xi32, #tpu.memory_space<hbm>>
        %dma_wait3A_55 = tpu.memref_squeeze %dma_wait3A_54 : memref<1x27x96xi32, #tpu.memory_space<hbm>> -> memref<27x96xi32, #tpu.memory_space<hbm>>
        %dma_wait3A_56 = arith.constant 0 : i32
        %dma_wait3A_57 = arith.constant 0 : i32
        %dma_wait3A_58 = tpu.memref_slice %arg2[%add3A_33, %dma_wait3A_56, %dma_wait3A_57] : memref<128x27x96xi32, #tpu.memory_space<hbm>> -> memref<1x27x96xi32, #tpu.memory_space<hbm>>
        %dma_wait3A_59 = tpu.memref_squeeze %dma_wait3A_58 : memref<1x27x96xi32, #tpu.memory_space<hbm>> -> memref<27x96xi32, #tpu.memory_space<hbm>>
        tpu.wait_dma2 semaphore(%run_scoped3A : memref<!tpu.dma_semaphore, #tpu.memory_space<semaphore_mem>>) src(%dma_wait3A_59 : memref<27x96xi32, #tpu.memory_space<hbm>>) dst(%arg6 : memref<27x96xi32, #tpu.memory_space<vmem>>)
        tpu.yield
      }) : () -> ()
      %mul3A_34 = arith.constant 2592 : i32
      %mul3A_35 = arith.muli %add3A_33, %mul3A_34 : i32
      "tpu.region"() ({
        %run_scoped3A = tpu.sem_alloc : memref<!tpu.dma_semaphore, #tpu.memory_space<semaphore_mem>>
        %dma_start3A = tpu.memref_slice %arg3[%mul3A_35] : memref<331776xf32, #tpu.memory_space<hbm>> -> memref<2592xf32, #tpu.memory_space<hbm>>
        %dma_start3A_46 = tpu.memref_slice %arg3[%mul3A_35] : memref<331776xf32, #tpu.memory_space<hbm>> -> memref<2592xf32, #tpu.memory_space<hbm>>
        tpu.enqueue_dma source(%dma_start3A_46 : memref<2592xf32, #tpu.memory_space<hbm>>) target(%arg7 : memref<2592xf32, #tpu.memory_space<vmem>>) target_semaphore(%run_scoped3A : memref<!tpu.dma_semaphore, #tpu.memory_space<semaphore_mem>>)
        %dma_wait3A = tpu.memref_slice %arg3[%mul3A_35] : memref<331776xf32, #tpu.memory_space<hbm>> -> memref<2592xf32, #tpu.memory_space<hbm>>
        %dma_wait3A_47 = tpu.memref_slice %arg3[%mul3A_35] : memref<331776xf32, #tpu.memory_space<hbm>> -> memref<2592xf32, #tpu.memory_space<hbm>>
        tpu.wait_dma2 semaphore(%run_scoped3A : memref<!tpu.dma_semaphore, #tpu.memory_space<semaphore_mem>>) src(%dma_wait3A_47 : memref<2592xf32, #tpu.memory_space<hbm>>) dst(%arg7 : memref<2592xf32, #tpu.memory_space<vmem>>)
        tpu.yield
      }) : () -> ()
      %scan3A_36 = arith.constant 0 : i32
      %scan3A_37 = arith.constant 27 : i32
      %scan3A_38 = arith.addi %scan3A_36, %scan3A_37 : i32
      %scan3A_39 = arith.constant 1 : i32
      scf.for %scan3A_46 = %scan3A_36 to %scan3A_38 step %scan3A_39  : i32 {
        %mul3A_47 = arith.constant 1 : i32
        %mul3A_48 = arith.muli %scan3A_46, %mul3A_47 : i32
        %add3A_49 = arith.constant 0 : i32
        %add3A_50 = arith.addi %add3A_49, %mul3A_48 : i32
        %mul3A_51 = arith.constant 96 : i32
        %mul3A_52 = arith.muli %add3A_50, %mul3A_51 : i32
        %dma_start3A = tpu.memref_slice %arg7[%mul3A_52] : memref<2592xf32, #tpu.memory_space<vmem>> -> memref<96xf32, #tpu.memory_space<vmem>>
        %dma_start3A_53 = arith.constant 0 : i32
        %dma_start3A_54 = tpu.memref_slice %arg6[%add3A_50, %dma_start3A_53] : memref<27x96xi32, #tpu.memory_space<vmem>> -> memref<1x96xi32, #tpu.memory_space<vmem>>
        %dma_start3A_55 = tpu.memref_squeeze %dma_start3A_54 : memref<1x96xi32, #tpu.memory_space<vmem>> -> memref<96xi32, #tpu.memory_space<vmem>>
        %dma_start3A_56 = arith.constant 0 : i32
        %dma_start3A_57 = tpu.memref_slice %arg5[%dma_start3A_56] : memref<10240xf32, #tpu.memory_space<vmem_shared>> -> memref<10240xf32, #tpu.memory_space<vmem_shared>>
        tpu.enqueue_indirect_dma source(%dma_start3A : memref<96xf32, #tpu.memory_space<vmem>>) target(%dma_start3A_57 : memref<10240xf32, #tpu.memory_space<vmem_shared>>) offsets(%dma_start3A_55 : memref<96xi32, #tpu.memory_space<vmem>>) semaphore(%arg9 : memref<!tpu.dma_semaphore, #tpu.memory_space<semaphore_mem>>) {add = true}
        %ge3A = arith.constant 8 : i32
        %ge3A_58 = arith.cmpi sge, %add3A_50, %ge3A : i32
        %convert_element_type3A = arith.extui %ge3A_58 : i1 to i32
        %cond3A = arith.constant 0 : i32
        %cond3A_59 = arith.cmpi ne, %convert_element_type3A, %cond3A : i32
        scf.if %cond3A_59 {
          %dma_wait3A = arith.constant 0 : i32
          %dma_wait3A_60 = arith.constant 0 : i32
          %dma_wait3A_61 = tpu.memref_slice %arg7[%dma_wait3A_60] : memref<2592xf32, #tpu.memory_space<vmem>> -> memref<96xf32, #tpu.memory_space<vmem>>
          %dma_wait3A_62 = arith.constant 0 : i32
          %dma_wait3A_63 = tpu.memref_slice %arg6[%dma_wait3A, %dma_wait3A_62] : memref<27x96xi32, #tpu.memory_space<vmem>> -> memref<1x96xi32, #tpu.memory_space<vmem>>
          %dma_wait3A_64 = tpu.memref_squeeze %dma_wait3A_63 : memref<1x96xi32, #tpu.memory_space<vmem>> -> memref<96xi32, #tpu.memory_space<vmem>>
          %dma_wait3A_65 = arith.constant 0 : i32
          %dma_wait3A_66 = tpu.memref_slice %arg5[%dma_wait3A_65] : memref<10240xf32, #tpu.memory_space<vmem_shared>> -> memref<10240xf32, #tpu.memory_space<vmem_shared>>
          tpu.wait_indirect_dma semaphore(%arg9 : memref<!tpu.dma_semaphore, #tpu.memory_space<semaphore_mem>>) src(%dma_wait3A_61 : memref<96xf32, #tpu.memory_space<vmem>>) dst(%dma_wait3A_66 : memref<10240xf32, #tpu.memory_space<vmem_shared>>)
        } else {
        }
      }
      %scan3A_40 = arith.constant 27 : i32
      %scan3A_41 = arith.constant 0 : i32
      %scan3A_42 = arith.constant 8 : i32
      %scan3A_43 = arith.addi %scan3A_41, %scan3A_42 : i32
      %scan3A_44 = arith.constant 1 : i32
      scf.for %scan3A_46 = %scan3A_41 to %scan3A_43 step %scan3A_44  : i32 {
        %mul3A_47 = arith.constant 1 : i32
        %mul3A_48 = arith.muli %scan3A_46, %mul3A_47 : i32
        %add3A_49 = arith.constant 0 : i32
        %add3A_50 = arith.addi %add3A_49, %mul3A_48 : i32
        %dma_wait3A = arith.constant 0 : i32
        %dma_wait3A_51 = arith.constant 0 : i32
        %dma_wait3A_52 = tpu.memref_slice %arg7[%dma_wait3A_51] : memref<2592xf32, #tpu.memory_space<vmem>> -> memref<96xf32, #tpu.memory_space<vmem>>
        %dma_wait3A_53 = arith.constant 0 : i32
        %dma_wait3A_54 = tpu.memref_slice %arg6[%dma_wait3A, %dma_wait3A_53] : memref<27x96xi32, #tpu.memory_space<vmem>> -> memref<1x96xi32, #tpu.memory_space<vmem>>
        %dma_wait3A_55 = tpu.memref_squeeze %dma_wait3A_54 : memref<1x96xi32, #tpu.memory_space<vmem>> -> memref<96xi32, #tpu.memory_space<vmem>>
        %dma_wait3A_56 = arith.constant 0 : i32
        %dma_wait3A_57 = tpu.memref_slice %arg5[%dma_wait3A_56] : memref<10240xf32, #tpu.memory_space<vmem_shared>> -> memref<10240xf32, #tpu.memory_space<vmem_shared>>
        tpu.wait_indirect_dma semaphore(%arg9 : memref<!tpu.dma_semaphore, #tpu.memory_space<semaphore_mem>>) src(%dma_wait3A_52 : memref<96xf32, #tpu.memory_space<vmem>>) dst(%dma_wait3A_57 : memref<10240xf32, #tpu.memory_space<vmem_shared>>)
      }
      %scan3A_45 = arith.constant 8 : i32
    }
    %while3A_21 = arith.constant 1 : i32
    scf.for %while3A_25 = %while3A_19 to %while3A_15 step %while3A_21  : i32 {
      %mul3A_26 = arith.muli %while3A_25, %while3A : i32
      %add3A_27 = arith.addi %while3A_12, %mul3A_26 : i32
      %mul3A_28 = arith.constant 8 : i32
      %mul3A_29 = arith.muli %arg1, %mul3A_28 : i32
      %mul3A_30 = arith.constant 5 : i32
      %mul3A_31 = arith.muli %arg0, %mul3A_30 : i32
      %add3A_32 = arith.addi %mul3A_29, %mul3A_31 : i32
      %add3A_33 = arith.addi %add3A_32, %add3A_27 : i32
      "tpu.region"() ({
        %run_scoped3A = tpu.sem_alloc : memref<!tpu.dma_semaphore, #tpu.memory_space<semaphore_mem>>
        %dma_start3A = arith.constant 0 : i32
        %dma_start3A_46 = arith.constant 0 : i32
        %dma_start3A_47 = tpu.memref_slice %arg2[%add3A_33, %dma_start3A, %dma_start3A_46] : memref<128x27x96xi32, #tpu.memory_space<hbm>> -> memref<1x27x96xi32, #tpu.memory_space<hbm>>
        %dma_start3A_48 = tpu.memref_squeeze %dma_start3A_47 : memref<1x27x96xi32, #tpu.memory_space<hbm>> -> memref<27x96xi32, #tpu.memory_space<hbm>>
        %dma_start3A_49 = arith.constant 0 : i32
        %dma_start3A_50 = arith.constant 0 : i32
        %dma_start3A_51 = tpu.memref_slice %arg2[%add3A_33, %dma_start3A_49, %dma_start3A_50] : memref<128x27x96xi32, #tpu.memory_space<hbm>> -> memref<1x27x96xi32, #tpu.memory_space<hbm>>
        %dma_start3A_52 = tpu.memref_squeeze %dma_start3A_51 : memref<1x27x96xi32, #tpu.memory_space<hbm>> -> memref<27x96xi32, #tpu.memory_space<hbm>>
        tpu.enqueue_dma source(%dma_start3A_52 : memref<27x96xi32, #tpu.memory_space<hbm>>) target(%arg6 : memref<27x96xi32, #tpu.memory_space<vmem>>) target_semaphore(%run_scoped3A : memref<!tpu.dma_semaphore, #tpu.memory_space<semaphore_mem>>)
        %dma_wait3A = arith.constant 0 : i32
        %dma_wait3A_53 = arith.constant 0 : i32
        %dma_wait3A_54 = tpu.memref_slice %arg2[%add3A_33, %dma_wait3A, %dma_wait3A_53] : memref<128x27x96xi32, #tpu.memory_space<hbm>> -> memref<1x27x96xi32, #tpu.memory_space<hbm>>
        %dma_wait3A_55 = tpu.memref_squeeze %dma_wait3A_54 : memref<1x27x96xi32, #tpu.memory_space<hbm>> -> memref<27x96xi32, #tpu.memory_space<hbm>>
        %dma_wait3A_56 = arith.constant 0 : i32
        %dma_wait3A_57 = arith.constant 0 : i32
        %dma_wait3A_58 = tpu.memref_slice %arg2[%add3A_33, %dma_wait3A_56, %dma_wait3A_57] : memref<128x27x96xi32, #tpu.memory_space<hbm>> -> memref<1x27x96xi32, #tpu.memory_space<hbm>>
        %dma_wait3A_59 = tpu.memref_squeeze %dma_wait3A_58 : memref<1x27x96xi32, #tpu.memory_space<hbm>> -> memref<27x96xi32, #tpu.memory_space<hbm>>
        tpu.wait_dma2 semaphore(%run_scoped3A : memref<!tpu.dma_semaphore, #tpu.memory_space<semaphore_mem>>) src(%dma_wait3A_59 : memref<27x96xi32, #tpu.memory_space<hbm>>) dst(%arg6 : memref<27x96xi32, #tpu.memory_space<vmem>>)
        tpu.yield
      }) : () -> ()
      %mul3A_34 = arith.constant 2592 : i32
      %mul3A_35 = arith.muli %add3A_33, %mul3A_34 : i32
      "tpu.region"() ({
        %run_scoped3A = tpu.sem_alloc : memref<!tpu.dma_semaphore, #tpu.memory_space<semaphore_mem>>
        %dma_start3A = tpu.memref_slice %arg3[%mul3A_35] : memref<331776xf32, #tpu.memory_space<hbm>> -> memref<2592xf32, #tpu.memory_space<hbm>>
        %dma_start3A_46 = tpu.memref_slice %arg3[%mul3A_35] : memref<331776xf32, #tpu.memory_space<hbm>> -> memref<2592xf32, #tpu.memory_space<hbm>>
        tpu.enqueue_dma source(%dma_start3A_46 : memref<2592xf32, #tpu.memory_space<hbm>>) target(%arg7 : memref<2592xf32, #tpu.memory_space<vmem>>) target_semaphore(%run_scoped3A : memref<!tpu.dma_semaphore, #tpu.memory_space<semaphore_mem>>)
        %dma_wait3A = tpu.memref_slice %arg3[%mul3A_35] : memref<331776xf32, #tpu.memory_space<hbm>> -> memref<2592xf32, #tpu.memory_space<hbm>>
        %dma_wait3A_47 = tpu.memref_slice %arg3[%mul3A_35] : memref<331776xf32, #tpu.memory_space<hbm>> -> memref<2592xf32, #tpu.memory_space<hbm>>
        tpu.wait_dma2 semaphore(%run_scoped3A : memref<!tpu.dma_semaphore, #tpu.memory_space<semaphore_mem>>) src(%dma_wait3A_47 : memref<2592xf32, #tpu.memory_space<hbm>>) dst(%arg7 : memref<2592xf32, #tpu.memory_space<vmem>>)
        tpu.yield
      }) : () -> ()
      %scan3A_36 = arith.constant 0 : i32
      %scan3A_37 = arith.constant 27 : i32
      %scan3A_38 = arith.addi %scan3A_36, %scan3A_37 : i32
      %scan3A_39 = arith.constant 1 : i32
      scf.for %scan3A_46 = %scan3A_36 to %scan3A_38 step %scan3A_39  : i32 {
        %mul3A_47 = arith.constant 1 : i32
        %mul3A_48 = arith.muli %scan3A_46, %mul3A_47 : i32
        %add3A_49 = arith.constant 0 : i32
        %add3A_50 = arith.addi %add3A_49, %mul3A_48 : i32
        %mul3A_51 = arith.constant 96 : i32
        %mul3A_52 = arith.muli %add3A_50, %mul3A_51 : i32
        %dma_start3A = tpu.memref_slice %arg7[%mul3A_52] : memref<2592xf32, #tpu.memory_space<vmem>> -> memref<96xf32, #tpu.memory_space<vmem>>
        %dma_start3A_53 = arith.constant 0 : i32
        %dma_start3A_54 = tpu.memref_slice %arg6[%add3A_50, %dma_start3A_53] : memref<27x96xi32, #tpu.memory_space<vmem>> -> memref<1x96xi32, #tpu.memory_space<vmem>>
        %dma_start3A_55 = tpu.memref_squeeze %dma_start3A_54 : memref<1x96xi32, #tpu.memory_space<vmem>> -> memref<96xi32, #tpu.memory_space<vmem>>
        %dma_start3A_56 = arith.constant 0 : i32
        %dma_start3A_57 = tpu.memref_slice %arg5[%dma_start3A_56] : memref<10240xf32, #tpu.memory_space<vmem_shared>> -> memref<10240xf32, #tpu.memory_space<vmem_shared>>
        tpu.enqueue_indirect_dma source(%dma_start3A : memref<96xf32, #tpu.memory_space<vmem>>) target(%dma_start3A_57 : memref<10240xf32, #tpu.memory_space<vmem_shared>>) offsets(%dma_start3A_55 : memref<96xi32, #tpu.memory_space<vmem>>) semaphore(%arg9 : memref<!tpu.dma_semaphore, #tpu.memory_space<semaphore_mem>>) {add = true}
        %ge3A = arith.constant 8 : i32
        %ge3A_58 = arith.cmpi sge, %add3A_50, %ge3A : i32
        %convert_element_type3A = arith.extui %ge3A_58 : i1 to i32
        %cond3A = arith.constant 0 : i32
        %cond3A_59 = arith.cmpi ne, %convert_element_type3A, %cond3A : i32
        scf.if %cond3A_59 {
          %dma_wait3A = arith.constant 0 : i32
          %dma_wait3A_60 = arith.constant 0 : i32
          %dma_wait3A_61 = tpu.memref_slice %arg7[%dma_wait3A_60] : memref<2592xf32, #tpu.memory_space<vmem>> -> memref<96xf32, #tpu.memory_space<vmem>>
          %dma_wait3A_62 = arith.constant 0 : i32
          %dma_wait3A_63 = tpu.memref_slice %arg6[%dma_wait3A, %dma_wait3A_62] : memref<27x96xi32, #tpu.memory_space<vmem>> -> memref<1x96xi32, #tpu.memory_space<vmem>>
          %dma_wait3A_64 = tpu.memref_squeeze %dma_wait3A_63 : memref<1x96xi32, #tpu.memory_space<vmem>> -> memref<96xi32, #tpu.memory_space<vmem>>
          %dma_wait3A_65 = arith.constant 0 : i32
          %dma_wait3A_66 = tpu.memref_slice %arg5[%dma_wait3A_65] : memref<10240xf32, #tpu.memory_space<vmem_shared>> -> memref<10240xf32, #tpu.memory_space<vmem_shared>>
          tpu.wait_indirect_dma semaphore(%arg9 : memref<!tpu.dma_semaphore, #tpu.memory_space<semaphore_mem>>) src(%dma_wait3A_61 : memref<96xf32, #tpu.memory_space<vmem>>) dst(%dma_wait3A_66 : memref<10240xf32, #tpu.memory_space<vmem_shared>>)
        } else {
        }
      }
      %scan3A_40 = arith.constant 27 : i32
      %scan3A_41 = arith.constant 0 : i32
      %scan3A_42 = arith.constant 8 : i32
      %scan3A_43 = arith.addi %scan3A_41, %scan3A_42 : i32
      %scan3A_44 = arith.constant 1 : i32
      scf.for %scan3A_46 = %scan3A_41 to %scan3A_43 step %scan3A_44  : i32 {
        %mul3A_47 = arith.constant 1 : i32
        %mul3A_48 = arith.muli %scan3A_46, %mul3A_47 : i32
        %add3A_49 = arith.constant 0 : i32
        %add3A_50 = arith.addi %add3A_49, %mul3A_48 : i32
        %dma_wait3A = arith.constant 0 : i32
        %dma_wait3A_51 = arith.constant 0 : i32
        %dma_wait3A_52 = tpu.memref_slice %arg7[%dma_wait3A_51] : memref<2592xf32, #tpu.memory_space<vmem>> -> memref<96xf32, #tpu.memory_space<vmem>>
        %dma_wait3A_53 = arith.constant 0 : i32
        %dma_wait3A_54 = tpu.memref_slice %arg6[%dma_wait3A, %dma_wait3A_53] : memref<27x96xi32, #tpu.memory_space<vmem>> -> memref<1x96xi32, #tpu.memory_space<vmem>>
        %dma_wait3A_55 = tpu.memref_squeeze %dma_wait3A_54 : memref<1x96xi32, #tpu.memory_space<vmem>> -> memref<96xi32, #tpu.memory_space<vmem>>
        %dma_wait3A_56 = arith.constant 0 : i32
        %dma_wait3A_57 = tpu.memref_slice %arg5[%dma_wait3A_56] : memref<10240xf32, #tpu.memory_space<vmem_shared>> -> memref<10240xf32, #tpu.memory_space<vmem_shared>>
        tpu.wait_indirect_dma semaphore(%arg9 : memref<!tpu.dma_semaphore, #tpu.memory_space<semaphore_mem>>) src(%dma_wait3A_52 : memref<96xf32, #tpu.memory_space<vmem>>) dst(%dma_wait3A_57 : memref<10240xf32, #tpu.memory_space<vmem_shared>>)
      }
      %scan3A_45 = arith.constant 8 : i32
    }
    %barrier3A_22 = arith.constant 0 : index
    tpu.barrier barrier_id(%barrier3A_22)
    %mul3A_23 = arith.constant 640 : i32
    %mul3A_24 = arith.muli %arg1, %mul3A_23 : i32
    "tpu.region"() ({
      %run_scoped3A = tpu.sem_alloc : memref<!tpu.dma_semaphore, #tpu.memory_space<semaphore_mem>>
      %dma_start3A = tpu.memref_slice %arg4[%arg0, %mul3A_24] : memref<2x10240xf32, #tpu.memory_space<hbm>> -> memref<1x640xf32, #tpu.memory_space<hbm>>
      %dma_start3A_25 = tpu.memref_squeeze %dma_start3A : memref<1x640xf32, #tpu.memory_space<hbm>> -> memref<640xf32, #tpu.memory_space<hbm>>
      %dma_start3A_26 = tpu.memref_slice %arg5[%mul3A_24] : memref<10240xf32, #tpu.memory_space<vmem_shared>> -> memref<640xf32, #tpu.memory_space<vmem_shared>>
      tpu.enqueue_dma source(%dma_start3A_26 : memref<640xf32, #tpu.memory_space<vmem_shared>>) target(%dma_start3A_25 : memref<640xf32, #tpu.memory_space<hbm>>) target_semaphore(%run_scoped3A : memref<!tpu.dma_semaphore, #tpu.memory_space<semaphore_mem>>)
      %dma_wait3A = tpu.memref_slice %arg4[%arg0, %mul3A_24] : memref<2x10240xf32, #tpu.memory_space<hbm>> -> memref<1x640xf32, #tpu.memory_space<hbm>>
      %dma_wait3A_27 = tpu.memref_squeeze %dma_wait3A : memref<1x640xf32, #tpu.memory_space<hbm>> -> memref<640xf32, #tpu.memory_space<hbm>>
      %dma_wait3A_28 = tpu.memref_slice %arg5[%mul3A_24] : memref<10240xf32, #tpu.memory_space<vmem_shared>> -> memref<640xf32, #tpu.memory_space<vmem_shared>>
      tpu.wait_dma2 semaphore(%run_scoped3A : memref<!tpu.dma_semaphore, #tpu.memory_space<semaphore_mem>>) src(%dma_wait3A_28 : memref<640xf32, #tpu.memory_space<vmem_shared>>) dst(%dma_wait3A_27 : memref<640xf32, #tpu.memory_space<hbm>>)
      tpu.yield
    }) : () -> ()
    return
  }
}

module attributes {stable_mosaic.version = 14 : i64} {
  func.func @body(%arg0: i32, %arg1: memref<1280x128xf32, #tpu.memory_space<vmem>>, %arg2: memref<128x128xf32, #tpu.memory_space<vmem>>, %arg3: memref<1280x128xf32, #tpu.memory_space<vmem>>) attributes {dimension_semantics = [#tpu.dimension_semantics<arbitrary>], iteration_bounds = array<i64: 8>, scalar_prefetch = 0 : i64, scratch_operands = 0 : i64, tpu.core_type = #tpu.core_type<tc>, window_params = [{transform_indices = @transform_0, window_bounds = array<i64: 1280, 128>}, {pipeline_mode = #tpu.pipeline_mode<synchronous>, transform_indices = @transform_1, window_bounds = array<i64: 128, 128>}, {transform_indices = @transform_2, window_bounds = array<i64: 1280, 128>}]} {
    %get3A = arith.constant 0 : index
    %get3A_0 = arith.constant 0 : index
    %get3A_1 = vector.load %arg1[%get3A, %get3A_0] : memref<1280x128xf32, #tpu.memory_space<vmem>>, vector<1280x128xf32>
    %get3A_2 = arith.constant 0 : index
    %get3A_3 = arith.constant 0 : index
    %get3A_4 = vector.load %arg2[%get3A_2, %get3A_3] : memref<128x128xf32, #tpu.memory_space<vmem>>, vector<128x128xf32>
    %dot_general3A = arith.constant dense<0.000000e+00> : vector<1280x128xf32>
    %dot_general3A_5 = tpu.matmul %get3A_1, %get3A_4, %dot_general3A {dimension_numbers = #tpu.dot_dimension_numbers<[1], [0], [0], [1], [0, 0, 1, 1], [], []>, transpose_lhs_hint = false} : vector<1280x128xf32>, vector<128x128xf32>, vector<1280x128xf32> -> vector<1280x128xf32>
    %swap3A = arith.constant 0 : index
    %swap3A_6 = arith.constant 0 : index
    %swap3A_7 = vector.load %arg3[%swap3A, %swap3A_6] : memref<1280x128xf32, #tpu.memory_space<vmem>>, vector<1280x128xf32>
    tpu.vector_store %arg3[%swap3A, %swap3A_6], %dot_general3A_5 {strides = array<i32>} : memref<1280x128xf32, #tpu.memory_space<vmem>>, vector<1280x128xf32>,
    return
  }
  func.func @transform_0(%arg0: i32) -> (i32, i32) {
    %c0_i32 = arith.constant 0 : i32
    %c0_i32_0 = arith.constant 0 : i32
    return %arg0, %c0_i32 : i32, i32
  }
  func.func @transform_1(%arg0: i32) -> (i32, i32) {
    %c0_i32 = arith.constant 0 : i32
    %c0_i32_0 = arith.constant 0 : i32
    %c0_i32_1 = arith.constant 0 : i32
    return %c0_i32, %c0_i32_0 : i32, i32
  }
  func.func @transform_2(%arg0: i32) -> (i32, i32) {
    %c0_i32 = arith.constant 0 : i32
    %c0_i32_0 = arith.constant 0 : i32
    return %arg0, %c0_i32 : i32, i32
  }
}

module attributes {stable_mosaic.version = 14 : i64} {
  func.func @body(%arg0: memref<2x80x128xf32, #tpu.memory_space<vmem>>, %arg1: memref<80x128xf32, #tpu.memory_space<vmem>>) attributes {dimension_semantics = [], scalar_prefetch = 0 : i64, scratch_operands = 0 : i64, tpu.core_type = #tpu.core_type<tc>} {
    %get3A = arith.constant 0 : index
    %get3A_0 = arith.constant 0 : index
    %get3A_1 = arith.constant 0 : index
    %get3A_2 = vector.load %arg0[%get3A, %get3A_0, %get3A_1] : memref<2x80x128xf32, #tpu.memory_space<vmem>>, vector<1x80x128xf32>
    %get3A_3 = vector.shape_cast %get3A_2 : vector<1x80x128xf32> to vector<80x128xf32>
    %get3A_4 = arith.constant 1 : index
    %get3A_5 = arith.constant 0 : index
    %get3A_6 = arith.constant 0 : index
    %get3A_7 = vector.load %arg0[%get3A_4, %get3A_5, %get3A_6] : memref<2x80x128xf32, #tpu.memory_space<vmem>>, vector<1x80x128xf32>
    %get3A_8 = vector.shape_cast %get3A_7 : vector<1x80x128xf32> to vector<80x128xf32>
    %add3A = arith.addf %get3A_3, %get3A_8 : vector<80x128xf32>
    %rsqrt3A = math.rsqrt %add3A : vector<80x128xf32>
    %swap3A = arith.constant 0 : index
    %swap3A_9 = arith.constant 0 : index
    %swap3A_10 = vector.load %arg1[%swap3A, %swap3A_9] : memref<80x128xf32, #tpu.memory_space<vmem>>, vector<80x128xf32>
    tpu.vector_store %arg1[%swap3A, %swap3A_9], %rsqrt3A {strides = array<i32>} : memref<80x128xf32, #tpu.memory_space<vmem>>, vector<80x128xf32>,
    return
  }
}

module attributes {stable_mosaic.version = 14 : i64} {
  func.func @body(%arg0: i32, %arg1: memref<1280x128xf32, #tpu.memory_space<vmem>>, %arg2: memref<1280x128xf32, #tpu.memory_space<vmem>>, %arg3: memref<1280x128xf32, #tpu.memory_space<vmem>>) attributes {dimension_semantics = [#tpu.dimension_semantics<arbitrary>], iteration_bounds = array<i64: 8>, scalar_prefetch = 0 : i64, scratch_operands = 0 : i64, tpu.core_type = #tpu.core_type<tc>, window_params = [{transform_indices = @transform_0, window_bounds = array<i64: 1280, 128>}, {transform_indices = @transform_1, window_bounds = array<i64: 1280, 128>}, {transform_indices = @transform_2, window_bounds = array<i64: 1280, 128>}]} {
    %get3A = arith.constant 0 : index
    %get3A_0 = arith.constant 0 : index
    %get3A_1 = vector.load %arg1[%get3A, %get3A_0] : memref<1280x128xf32, #tpu.memory_space<vmem>>, vector<1280x128xf32>
    %get3A_2 = arith.constant 0 : index
    %get3A_3 = arith.constant 0 : index
    %get3A_4 = vector.load %arg2[%get3A_2, %get3A_3] : memref<1280x128xf32, #tpu.memory_space<vmem>>, vector<1280x128xf32>
    %mul3A = arith.mulf %get3A_1, %get3A_4 : vector<1280x128xf32>
    %swap3A = arith.constant 0 : index
    %swap3A_5 = arith.constant 0 : index
    %swap3A_6 = vector.load %arg3[%swap3A, %swap3A_5] : memref<1280x128xf32, #tpu.memory_space<vmem>>, vector<1280x128xf32>
    tpu.vector_store %arg3[%swap3A, %swap3A_5], %mul3A {strides = array<i32>} : memref<1280x128xf32, #tpu.memory_space<vmem>>, vector<1280x128xf32>,
    return
  }
  func.func @transform_0(%arg0: i32) -> (i32, i32) {
    %c0_i32 = arith.constant 0 : i32
    %c0_i32_0 = arith.constant 0 : i32
    return %arg0, %c0_i32 : i32, i32
  }
  func.func @transform_1(%arg0: i32) -> (i32, i32) {
    %c0_i32 = arith.constant 0 : i32
    %c0_i32_0 = arith.constant 0 : i32
    return %arg0, %c0_i32 : i32, i32
  }
  func.func @transform_2(%arg0: i32) -> (i32, i32) {
    %c0_i32 = arith.constant 0 : i32
    %c0_i32_0 = arith.constant 0 : i32
    return %arg0, %c0_i32 : i32, i32
  }
}

module attributes {stable_mosaic.version = 14 : i64} {
  func.func @body(%arg0: i32, %arg1: memref<2x1000x128xf32, #tpu.memory_space<vmem>>, %arg2: memref<1000x128xf32, #tpu.memory_space<vmem>>, %arg3: memref<1x128xf32, #tpu.memory_space<vmem>>, %arg4: memref<1000x128xf32, #tpu.memory_space<vmem>>) attributes {dimension_semantics = [#tpu.dimension_semantics<arbitrary>], iteration_bounds = array<i64: 10>, scalar_prefetch = 0 : i64, scratch_operands = 0 : i64, tpu.core_type = #tpu.core_type<tc>, window_params = [{transform_indices = @transform_0, window_bounds = array<i64: 2, 1000, 128>}, {transform_indices = @transform_1, window_bounds = array<i64: 1000, 128>}, {pipeline_mode = #tpu.pipeline_mode<synchronous>, transform_indices = @transform_2, window_bounds = array<i64: 1, 128>}, {transform_indices = @transform_3, window_bounds = array<i64: 1000, 128>}]} {
    %get3A = arith.constant 0 : index
    %get3A_0 = arith.constant 0 : index
    %get3A_1 = vector.load %arg2[%get3A, %get3A_0] : memref<1000x128xf32, #tpu.memory_space<vmem>>, vector<1000x128xf32>
    %get3A_2 = arith.constant 0 : index
    %get3A_3 = arith.constant 0 : index
    %get3A_4 = arith.constant 0 : index
    %get3A_5 = vector.load %arg1[%get3A_2, %get3A_3, %get3A_4] : memref<2x1000x128xf32, #tpu.memory_space<vmem>>, vector<1x1000x128xf32>
    %get3A_6 = vector.shape_cast %get3A_5 : vector<1x1000x128xf32> to vector<1000x128xf32>
    %get3A_7 = arith.constant 1 : index
    %get3A_8 = arith.constant 0 : index
    %get3A_9 = arith.constant 0 : index
    %get3A_10 = vector.load %arg1[%get3A_7, %get3A_8, %get3A_9] : memref<2x1000x128xf32, #tpu.memory_space<vmem>>, vector<1x1000x128xf32>
    %get3A_11 = vector.shape_cast %get3A_10 : vector<1x1000x128xf32> to vector<1000x128xf32>
    %add3A = arith.addf %get3A_6, %get3A_11 : vector<1000x128xf32>
    %mul3A = arith.mulf %get3A_1, %add3A : vector<1000x128xf32>
    %get3A_12 = arith.constant 0 : index
    %get3A_13 = arith.constant 0 : index
    %get3A_14 = vector.load %arg3[%get3A_12, %get3A_13] : memref<1x128xf32, #tpu.memory_space<vmem>>, vector<1x128xf32>
    %add3A_15 = vector.broadcast %get3A_14 : vector<1x128xf32> to vector<1000x128xf32>
    %add3A_16 = arith.addf %mul3A, %add3A_15 : vector<1000x128xf32>
    %max3A = arith.constant 0.000000e+00 : f32
    %max3A_17 = vector.broadcast %max3A : f32 to vector<1000x128xf32>
    %max3A_18 = arith.maximumf %add3A_16, %max3A_17 : vector<1000x128xf32>
    %swap3A = arith.constant 0 : index
    %swap3A_19 = arith.constant 0 : index
    %swap3A_20 = vector.load %arg4[%swap3A, %swap3A_19] : memref<1000x128xf32, #tpu.memory_space<vmem>>, vector<1000x128xf32>
    tpu.vector_store %arg4[%swap3A, %swap3A_19], %max3A_18 {strides = array<i32>} : memref<1000x128xf32, #tpu.memory_space<vmem>>, vector<1000x128xf32>,
    return
  }
  func.func @transform_0(%arg0: i32) -> (i32, i32, i32) {
    %c0_i32 = arith.constant 0 : i32
    %c0_i32_0 = arith.constant 0 : i32
    %c0_i32_1 = arith.constant 0 : i32
    return %c0_i32, %arg0, %c0_i32_0 : i32, i32, i32
  }
  func.func @transform_1(%arg0: i32) -> (i32, i32) {
    %c0_i32 = arith.constant 0 : i32
    %c0_i32_0 = arith.constant 0 : i32
    return %arg0, %c0_i32 : i32, i32
  }
  func.func @transform_2(%arg0: i32) -> (i32, i32) {
    %c0_i32 = arith.constant 0 : i32
    %c0_i32_0 = arith.constant 0 : i32
    %c0_i32_1 = arith.constant 0 : i32
    return %c0_i32, %c0_i32_0 : i32, i32
  }
  func.func @transform_3(%arg0: i32) -> (i32, i32) {
    %c0_i32 = arith.constant 0 : i32
    %c0_i32_0 = arith.constant 0 : i32
    return %arg0, %c0_i32 : i32, i32
  }
}

</mosaic_0001>

<sc_bundles>
// kernel: kernel.11.cloned.1.call-start
scs
__scs_entry_jumppad:
0x0: {  	(pc) =	sbr.rel $0x88, $3  }
0x1: {  	(tag) =	ssettag $0x0;
	lr =	simm.s32 $0x1  }
0x2: {  	[smem:$0x3F9C] =	sst lr;
	_ =	strace $0xD0000000  }
0x3: {  	_ = 	snop  }
0x4: {  	_ = 	snop  }
0x5: {  	_ = 	snop  }
0x6: {  	_ = 	snop  }
0x7: {  	_ = 	snop  }
__scs_overlays_trampoline_lowered:
0x8: {  	[smem:$0x3FAB] =	sst s0  }
0x9: {  	[smem:$0x3FAC] =	sst s1  }
0xa: {  	[smem:$0x3FAD] =	sst s2  }
0xb: {  	[smem:$0x3FAE] =	sst s3  }
0xc: {  	[smem:$0x3FAF] =	sst s4  }
0xd: {  	[smem:$0x3FB0] =	sst s5  }
0xe: {  	[smem:$0x3FB1] =	sst s6  }
0xf: {  	[smem:$0x3FB2] =	sst s7  }
0x10: {  	[smem:$0x3FB3] =	sst s8  }
0x11: {  	[smem:$0x3FB4] =	sst s9;
	s0 =	simm.s32 @!p0 $0x0  }
0x12: {  	s1 =	sld [smem:$0x3F9A];
	s0 =	simm.s32 @p0 $0x1  }
0x13: {  	[smem:$0x3FB5] =	sst s0;
	s0 =	simm.s32 @!p1 $0x0  }
0x14: {  	s2 =	sld [smem:$0x3F99];
	s0 =	simm.s32 @p1 $0x1  }
0x15: {  	[smem:$0x3FB6] =	sst s0;
	s0 =	simm.s32 @!p2 $0x0  }
0x16: {  	s3 =	sld [smem:$0x3FDB];
	s0 =	simm.s32 @p2 $0x1  }
0x17: {  	s4 =	simm.s32 $0x1BF5;
	[smem:$0x3FB8] =	sst s0  }
0x18: {  	s0 =	sld [smem:$0x3F9B];
	_ =	swait.ge [sflag:s4], $0x0  }
0x19: {  	s7 =	sld [smem:$0x3F9C]  }
0x1a: {  	s8 =	sadd.s32 $0xFFFFE003, lr  }
0x1b: {  	s9 =	sadd.s32 $0xFFFFFEF7, lr;
	s5 =	simm.s32 $0xFFFFFFFF;
	p2 =	slt.u32 s8, $0xFFFFF086  }
0x1c: {  	p1 =	slt.u32 s9, $0xF7A;
	s5 =	simm.s32 @!p2 $0x0  }
0x1d: {  	s5 =	simm.s32 @p1 $0x1;
	p0 =	seq.s32 s7, s2  }
0x1e: {  	s7 =	smul.u32 @!p0 $0xF7A, s2;
	p2 =	seq.s32 @!p0 s5, $0x0  }
0x1f: {  	s9 =	smul.u32 $0xF7A, s1;
	s8 =	simm.s32 @!p0 $0x1BF5;
	p2 =	por !p2, p0  }
0x20: {  	[sflag:s8] =	ssyncset.s32 @!p0 $0xFFFFF086;
	s6 =	sadd.s32 @!p0 s3, s7;
	s7 =	simm.s32 @!p0 $0x108  }
0x21: {  	s3 =	sadd.s32 s3, s9;
	s6 =	sadd.s32 @!p0 $0x88, s6;
	s7 =	simm.s32 @p2 $0x1082  }
0x22: {  	[simem:s7], [sflag:s8] =	dma.local @!p0 [hbm:s6], $0xF7A  }
0x23: {  	s9 =	sor.u32 $0xD0000000, s2;
	s6 =	simm.s32 $0x108;
	_ =	swait.ge @!p0 [sflag:s8], $0x0  }
0x24: {  	s3 =	sadd.s32 $0x88, s3;
	s6 =	simm.s32 @!p1 $0x1082;
	[sflag:s4] =	ssyncset.s32 $0xFFFFF086  }
0x25: {  	[simem:s6], [sflag:s4] =	dma.local [hbm:s3], $0xF7A  }
0x26: {  	[smem:$0x3F9C] =	sst s1;
	(tag) =	ssettag s2;
	_ =	strace s9  }
0x27: {  	s1 =	sld [smem:$0x3FAC]  }
0x28: {  	s2 =	sld [smem:$0x3FAD]  }
0x29: {  	s4 =	sld [smem:$0x3FAF]  }
0x2a: {  	p0 =	seq.s32 s5, $0x0;
	s5 =	sld [smem:$0x3FB0]  }
0x2b: {  	s6 =	sld [smem:$0x3FB1]  }
0x2c: {  	s7 =	sld [smem:$0x3FB2]  }
0x2d: {  	s3 =	simm.s32 $0x108;
	s8 =	sld [smem:$0x3FB3]  }
0x2e: {  	s3 =	simm.s32 @!p0 $0x1082;
	s9 =	sld [smem:$0x3FB4]  }
0x2f: {  	lr =	sadd.s32 s0, s3;
	s0 =	sld [smem:$0x3FAB]  }
0x30: {  	s3 =	sld [smem:$0x3FAE]  }
0x31: {  	[smem:$0x3FB7] =	sst s10  }
0x32: {  	s10 =	sld [smem:$0x3FB5];
	_ =	sdelay $0x3  }
0x33: {  	p0 =	seq.s32 s10, $0x1;
	s10 =	sld [smem:$0x3FB7];
	_ =	sdelay $0x3  }
0x34: {  	[smem:$0x3FB7] =	sst s10  }
0x35: {  	s10 =	sld [smem:$0x3FB6];
	_ =	sdelay $0x3  }
0x36: {  	p1 =	seq.s32 s10, $0x1;
	s10 =	sld [smem:$0x3FB7];
	_ =	sdelay $0x3  }
0x37: {  	[smem:$0x3FB7] =	sst s10  }
0x38: {  	s10 =	sld [smem:$0x3FB8]  }
0x39: {  	_ = 	snop;
	(pc) =	sbr.ind lr, $3  }
0x3a: {  	_ = 	snop  }
0x3b: {  	_ = 	snop  }
0x3c: {  	p2 =	seq.s32 s10, $0x1;
	s10 =	sld [smem:$0x3FB7]  }
0x3d: {  	_ =	shalt  }
0x3e: {  	_ =	shalt  }
0x3f: {  	_ =	shalt  }
0x40: {  	_ =	shalt  }
0x41: {  	_ =	shalt  }
0x42: {  	_ =	shalt  }
0x43: {  	_ =	shalt  }
0x44: {  	_ =	shalt  }
0x45: {  	_ =	shalt  }
0x46: {  	_ =	shalt  }
0x47: {  	_ =	shalt  }
0x48: {  	_ =	shalt  }
0x49: {  	_ =	shalt  }
0x4a: {  	_ =	shalt  }
0x4b: {  	_ =	shalt  }
0x4c: {  	_ =	shalt  }
0x4d: {  	_ =	shalt  }
0x4e: {  	_ =	shalt  }
0x4f: {  	_ =	shalt  }
0x50: {  	_ =	shalt  }
0x51: {  	_ =	shalt  }
0x52: {  	_ =	shalt  }
0x53: {  	_ =	shalt  }
0x54: {  	_ =	shalt  }
0x55: {  	_ =	shalt  }
0x56: {  	_ =	shalt  }
0x57: {  	_ =	shalt  }
0x58: {  	_ =	shalt  }
0x59: {  	_ =	shalt  }
0x5a: {  	_ =	shalt  }
0x5b: {  	_ =	shalt  }
0x5c: {  	_ =	shalt  }
0x5d: {  	_ =	shalt  }
0x5e: {  	_ =	shalt  }
0x5f: {  	_ =	shalt  }
0x60: {  	_ =	shalt  }
0x61: {  	_ =	shalt  }
0x62: {  	_ =	shalt  }
0x63: {  	_ =	shalt  }
0x64: {  	_ =	shalt  }
0x65: {  	_ =	shalt  }
0x66: {  	_ =	shalt  }
0x67: {  	_ =	shalt  }
0x68: {  	_ =	shalt  }
0x69: {  	_ =	shalt  }
0x6a: {  	_ =	shalt  }
0x6b: {  	_ =	shalt  }
0x6c: {  	_ =	shalt  }
0x6d: {  	_ =	shalt  }
0x6e: {  	_ =	shalt  }
0x6f: {  	_ =	shalt  }
0x70: {  	_ =	shalt  }
0x71: {  	_ =	shalt  }
0x72: {  	_ =	shalt  }
0x73: {  	_ =	shalt  }
0x74: {  	_ =	shalt  }
0x75: {  	_ =	shalt  }
0x76: {  	_ =	shalt  }
0x77: {  	_ =	shalt  }
0x78: {  	_ =	shalt  }
0x79: {  	_ =	shalt  }
0x7a: {  	_ =	shalt  }
0x7b: {  	_ =	shalt  }
0x7c: {  	_ =	shalt  }
0x7d: {  	_ =	shalt  }
0x7e: {  	_ =	shalt  }
0x7f: {  	_ =	shalt  }
0x80: {  	_ =	shalt  }
0x81: {  	_ =	shalt  }
0x82: {  	_ =	shalt  }
0x83: {  	_ =	shalt  }
0x84: {  	_ =	shalt  }
0x85: {  	_ =	shalt  }
0x86: {  	_ =	shalt  }
0x87: {  	_ =	shalt  }
.Lfunc_end0:
.L_simem_size_0:
called_computation.1_lowered:
.L_overlay_start_0:
0x88: {  	s2 =	sld [smem:$0x3FD9]  }
0x89: {  	s3 =	sld [smem:$0x3FFE];
	_ =	sdelay $0x1  }
0x8a: {  	s1 =	srdreg.scid  }
0x8b: {  	s0 =	sand.u32 $0x1, s1  }
0x8c: {  	s17 =	sshll.u32 s0, $0xA;
	s2 =	sadd.s32 s3, s2  }
0x8d: {  	s2 =	sadd.s32 s2, s17  }
0x8e: {  	[smem:$0x3FC3] =	sst s2  }
0x8f: {  	_ = 	snop  }
0x90: {  	s2 =	sld [smem:$0x3FD0];
	(tm) =	ssettm $0x1  }
0x91: {  	s18 =	sld [smem:$0x3FFB];
	_ =	sdelay $0x3  }
0x92: {  	_ =	strace s18  }
0x93: {  	s3 =	sld [smem:$0x3FFC];
	_ =	sdelay $0x3  }
0x94: {  	_ =	strace s3  }
0x95: {  	s3 =	sld [smem:$0x3FFD];
	_ =	sdelay $0x3  }
0x96: {  	_ =	strace s3  }
0x97: {  	_ =	strace $0x8FFFFFFF  }
0x98: {  	s19 =	sld [smem:$0x3FDB];
	_ =	sdelay $0x1  }
0x99: {  	s4 =	simm.s32 $_scs_section_size  }
0x9a: {  	s5 =	simm.s32 $_size__tile_overlayer_lowered;
	s6 =	simm.s32 $_tile_overlayer_lowered  }
0x9b: {  	s22 =	simm.s32 $0x1BFF;
	s21 =	sshll.u32 s6, $0x1;
	s3 =	sadd.s32 s4, s19  }
0x9c: {  	s7 =	simm.s32 $0x0;
	s20 =	sshll.u32 s5, $0x1;
	s5 =	sadd.s32 s21, s3  }
0x9d: {  	[timem:s7], [sflag:s22] =	dma.local [hbm:s5], s20  }
0x9e: {  	_ =	swait.ge [sflag:s22], s20  }
0x9f: {  	s4 =	ssub.s32 $0x0, s20;
	[sflag:s22] =	ssyncset.done $0x0  }
0xa0: {  	[sflag:s22] =	ssyncadd.s32 s4;
	_ =	sdelay $0x1  }
0xa1: {  	s23 =	simm.s32 $0x1B8B  }
0xa2: {  	_ =	swait.ge [sflag:s23], $0x1  }
0xa3: {  	[sflag:s23] =	ssyncset.done $0x0  }
0xa4: {  	s25 =	simm.s32 $0x1B8E;
	s24 =	sld [smem:$0x3FFE];
	[sflag:s23] =	ssyncadd.s32 $0xFFFFFFFF  }
0xa5: {  	s26 =	simm.s32 $execute0_lowered;
	[smem:$0x3FD2] =	sst s25  }
0xa6: {  	s5 =	sshll.u32 s26, $0x1;
	_ =	strace $0x80000049;
	[dreg:$0x1] =	wrdreg $0xFFFFFFFF  }
0xa7: {  	s28 =	simm.s32 $_size_execute0_lowered;
	s3 =	sadd.s32 s3, s5;
	[dreg:$0x0] =	wrdreg $0x0  }
0xa8: {  	s5 =	sshll.u32 s28, $0x1;
	[dreg:$0x2] =	wrdreg s3  }
0xa9: {  	[dreg:$0x3] =	wrdreg s5  }
0xaa: {  	[dreg:$0x4] =	wrdreg $0xC0  }
0xab: {  	_ =	task [dreg:s7], $0x5FFFF  }
0xac: {  	[dreg:$0x1] =	wrdreg $0xFFFFFFFF  }
0xad: {  	[dreg:$0x0] =	wrdreg $0x60  }
0xae: {  	[dreg:$0x2] =	wrdreg s24  }
0xaf: {  	[dreg:$0x3] =	wrdreg s2  }
0xb0: {  	[dreg:$0x4] =	wrdreg $0x0  }
0xb1: {  	[dreg:$0x5] =	wrdreg $0x9  }
0xb2: {  	_ =	task.clear_ibuf [dreg:s7], $0x6FFFF;
	_ =	strace $0x90000049  }
0xb3: {  	s29 =	simm.s32 $0x9;
	_ =	strace $0x8000004B  }
0xb4: {  	_ =	swait.ge [sflag:s29], $0x1  }
0xb5: {  	[sflag:s29] =	ssyncadd.s32 $0xFFFFFFFF  }
0xb6: {  	_ =	strace $0x9000004B  }
0xb7: {  	_ =	sfence  }
0xb8: {  	s30 =	sld [smem:$0x0];
	_ =	sdelay $0x2  }
0xb9: {  	s31 =	sshll.u32 s1, $0xD;
	s1 =	sshrl.u32 s1, $0x2  }
0xba: {  	s3 =	sand.u32 $0x4000, s31;
	s1 =	sadd.s32 s1, s30  }
0xbb: {  	s0 =	sor.u32 s3, s0;
	s1 =	sshll.u32 s1, $0x11  }
0xbc: {  	s0 =	sor.u32 s1, s0  }
0xbd: {  	s0 =	sadd.s32 $0x8F2B, s0  }
0xbe: {  	[sflag:s0] =	ssyncadd.remote.s32 $0x1  }
0xbf: {  	_ =	sfence.sel $0xFFFF  }
0xc0: {  	[dreg:$0x0] =	wrdreg $0xFFFFFFFF;
	(pc) =	sbr.abs _section_cstart, $3  }
0xc1: {  	[dreg:$0x1] =	wrdreg $0xFFFFFFFF  }
0xc2: {  	_ =	task.clear_ibuf [dreg:s7], $0x2FFFF;
	_ =	strace $0x9FFFFFFF  }
0xc3: {  	(tm) =	ssettm $0x7FFFFFFF  }
tec
execute0_lowered:
.L_overlay_start_1:
0x0: {  	(tag) =	ssettag $0x1  }
0x1: {  	s0 =	rddreg [dreg:$0x0]  }
0x2: {  	s2 =	rddreg [dreg:$0x2];
	s1 =	simm.s32 $0x0;
	s3 =	srdreg.scid  }
0x3: {  	s5 =	stileid.u32;
	s28 =	simm.s32 $0x5;
	s29 =	simm.s32 $0x16500  }
0x4: {  	s30 =	simm.s32 $0x1;
	s31 =	simm.s32 $0x14000;
	[smem:$0x7FF] =	sst s1  }
0x5: {  	s3 =	sand.u32 $0x1, s3;
	s4 =	sadd.s32 $0x1400, s0;
	s8 =	smul.u32 $0x14000, s5  }
0x6: {  	s7 =	sadd.s32 $0x3D800, s0;
	s9 =	smul.u32 $0x50000, s5;
	s21 =	sshll.u32 s5, $0x3  }
0x7: {  	_ =	strace $0x8000004A;
	[dreg:$0x5] =	wrdreg s4;
	s15 =	smul.u32 $0x140000, s3  }
0x8: {  	s20 =	ssub.s32 $0x2, s3;
	p0 =	seq.s32 s3, $0x0;
	s3 =	smul.u32 $0x5, s3  }
0x9: {  	s6 =	sshrl.u32 s20, $0x1;
	s10 =	sor.u32 $0x2800, s8;
	s11 =	sadd.s32 $0x5000, s8  }
0xa: {  	s12 =	sadd.s32 $0x7800, s8;
	s13 =	sadd.s32 $0xA000, s8;
	s14 =	sadd.s32 $0xC800, s8  }
0xb: {  	s18 =	sadd.s32 $0xF000, s8;
	s19 =	sadd.s32 $0x11800, s8;
	s4 =	ssub.s32 s20, s6  }
0xc: {  	s8 =	sadd.s32 s8, s15;
	s16 =	sadd.s32 s15, s10;
	s6 =	sor.u32 s3, s21  }
0xd: {  	s25 =	sadd.s32 s15, s11;
	s26 =	sadd.s32 s15, s12;
	s5 =	sadd.s32 s15, s13  }
0xe: {  	s20 =	sadd.s32 s15, s14;
	s21 =	sadd.s32 s15, s18;
	s15 =	sadd.s32 s15, s19  }
0xf: {  	s19 =	sadd.s32 s19, s2;
	s22 =	sshrl.u32 s8, $0x3;
	s23 =	sshrl.u32 s16, $0x3  }
0x10: {  	s8 =	sshrl.u32 s26, $0x3;
	s16 =	sshrl.u32 s5, $0x3;
	s26 =	smax.u32 s4, $0x1  }
0x11: {  	[dreg:$0x15] =	wrdreg s19;
	s3 =	sadd.s32 s7, s22;
	s24 =	sadd.s32 s7, s23  }
0x12: {  	s17 =	sadd.s32 s7, s16;
	s22 =	sshrl.u32 s21, $0x3;
	[dreg:$0x16] =	wrdreg s26  }
0x13: {  	s23 =	sshrl.u32 s15, $0x3;
	s15 =	sadd.s32 $0xB600, s0;
	[dreg:$0x6] =	wrdreg s3  }
0x14: {  	s16 =	sadd.s32 $0x15800, s0;
	s21 =	sadd.s32 s11, s2;
	[dreg:$0x7] =	wrdreg s24  }
0x15: {  	s0 =	simm.s32 $0x7;
	s11 =	simm.s32 $0x2;
	[dreg:$0xa] =	wrdreg s17  }
0x16: {  	s26 =	simm.s32 $0x0;
	s24 =	sadd.s32 s7, s23;
	[dreg:$0x10] =	wrdreg s21  }
0x17: {  	s3 =	sshrl.u32 s25, $0x3;
	s23 =	sadd.s32 s13, s2;
	[dreg:$0xd] =	wrdreg s24  }
0x18: {  	s25 =	sshrl.u32 s9, $0x2;
	s3 =	sadd.s32 s7, s3;
	[dreg:$0x12] =	wrdreg s23  }
0x19: {  	s17 =	simm.s32 $0x5;
	s5 =	sadd.s32 s25, s2;
	[dreg:$0x8] =	wrdreg s3  }
0x1a: {  	s9 =	simm.s32 $0x19500;
	s24 =	sadd.s32 s14, s2;
	[dreg:$0xe] =	wrdreg s5  }
0x1b: {  	s13 =	simm.s32 $0x3;
	s25 =	sadd.s32 s18, s2;
	[dreg:$0x13] =	wrdreg s24  }
0x1c: {  	s17 =	simm.s32 @!p0 $0x3;
	s3 =	sadd.s32 s7, s8;
	[dreg:$0x14] =	wrdreg s25  }
0x1d: {  	[dreg:$0x9] =	wrdreg s3;
	s3 =	sshrl.u32 s20, $0x3;
	s20 =	sadd.s32 s10, s2  }
0x1e: {  	s14 =	simm.s32 $0x6;
	s3 =	sadd.s32 s7, s3;
	[dreg:$0xf] =	wrdreg s20  }
0x1f: {  	s8 =	simm.s32 $0x60;
	[dreg:$0xb] =	wrdreg s3;
	s3 =	sadd.s32 s7, s22  }
0x20: {  	s10 =	simm.s32 $0x1C500;
	s22 =	sadd.s32 s12, s2;
	[dreg:$0xc] =	wrdreg s3  }
0x21: {  	v0 =	vimm.f32 $0.0e+00;
	s7 =	simm.s32 $0x15A80;
	s12 =	simm.s32 $0x4;
	[dreg:$0x11] =	wrdreg s22  }
.LBB2_1:
0x22: {  	s3 =	simm.s32 $0x0;
	s18 =	simm.s32 $0x200  }
.LBB2_2:
0x23: {  	p0 =	sne.s32 s18, $0xBE00;
	[tilespmem:s3+$0x16570] =	vst v0  }
0x24: {  	[tilespmem:s3+$0x16500] =	vst v0  }
0x25: {  	[tilespmem:s3+$0x16510] =	vst v0  }
.Ltmp0:
0x26: {  	[tilespmem:s3+$0x16520] =	vst v0;
	(pc) =	sbr.rel @p0 .LBB2_2-.Ltmp0, $4  }
0x27: {  	[tilespmem:s3+$0x16530] =	vst v0  }
0x28: {  	[tilespmem:s3+$0x16540] =	vst v0  }
0x29: {  	[tilespmem:s3+$0x16550] =	vst v0  }
0x2a: {  	[tilespmem:s3+$0x16560] =	vst v0;
	s3 =	sshra.s32 s18, $0x2;
	s18 =	sadd.s32 $0x200, s18  }
0x2b: {  	[tilespmem:s3+$0x16570] =	vst v0  }
0x2c: {  	[tilespmem:s3+$0x16500] =	vst v0  }
0x2d: {  	[tilespmem:s3+$0x16510] =	vst v0  }
0x2e: {  	[tilespmem:s3+$0x16520] =	vst v0  }
0x2f: {  	[tilespmem:s3+$0x16530] =	vst v0  }
0x30: {  	[tilespmem:s3+$0x16540] =	vst v0  }
0x31: {  	[tilespmem:s3+$0x16550] =	vst v0  }
0x32: {  	[tilespmem:s3+$0x16560] =	vst v0  }
0x33: {  	[spmem:s5] =	stream.linear.scatter [tilespmem:s29], [sflag:$0x1], $0x2800, $0x38;
	[tilespmem:$0x1F500] =	vst v63  }
0x34: {  	_ = 	snop  }
0x35: {  	[spmem:s20] =	stream.linear.scatter [tilespmem:s29], [sflag:$0x1], $0x2800, $0x38;
	[tilespmem:$0x1F500] =	vst v63  }
0x36: {  	_ = 	snop  }
0x37: {  	[spmem:s21] =	stream.linear.scatter [tilespmem:s29], [sflag:$0x1], $0x2800, $0x38;
	[tilespmem:$0x1F500] =	vst v63  }
0x38: {  	_ = 	snop  }
0x39: {  	[spmem:s22] =	stream.linear.scatter [tilespmem:s29], [sflag:$0x1], $0x2800, $0x38;
	[tilespmem:$0x1F500] =	vst v63  }
0x3a: {  	_ = 	snop  }
0x3b: {  	[spmem:s23] =	stream.linear.scatter [tilespmem:s29], [sflag:$0x1], $0x2800, $0x38;
	[tilespmem:$0x1F500] =	vst v63  }
0x3c: {  	_ = 	snop  }
0x3d: {  	[spmem:s24] =	stream.linear.scatter [tilespmem:s29], [sflag:$0x1], $0x2800, $0x38;
	[tilespmem:$0x1F500] =	vst v63  }
0x3e: {  	_ = 	snop  }
0x3f: {  	[spmem:s25] =	stream.linear.scatter [tilespmem:s29], [sflag:$0x1], $0x2800, $0x38;
	[tilespmem:$0x1F500] =	vst v63  }
0x40: {  	[dreg:$0x4] =	wrdreg s1  }
0x41: {  	[spmem:s19] =	stream.linear.scatter [tilespmem:s29], [sflag:$0x1], $0x2800, $0x38;
	[tilespmem:$0x1F500] =	vst v63  }
0x42: {  	_ =	swait.ge [sflag:s30], $0x2800  }
0x43: {  	[sflag:s30] =	ssyncset.done $0x0  }
0x44: {  	[sflag:s30] =	ssyncadd.s32 $0xFFFFD800  }
0x45: {  	_ =	swait.ge [sflag:s30], $0x2800  }
0x46: {  	[sflag:s30] =	ssyncset.done $0x0  }
0x47: {  	[sflag:s30] =	ssyncadd.s32 $0xFFFFD800  }
0x48: {  	_ =	swait.ge [sflag:s30], $0x2800  }
0x49: {  	[sflag:s30] =	ssyncset.done $0x0  }
0x4a: {  	[sflag:s30] =	ssyncadd.s32 $0xFFFFD800  }
0x4b: {  	_ =	swait.ge [sflag:s30], $0x2800  }
0x4c: {  	[sflag:s30] =	ssyncset.done $0x0  }
0x4d: {  	[sflag:s30] =	ssyncadd.s32 $0xFFFFD800  }
0x4e: {  	_ =	swait.ge [sflag:s30], $0x2800  }
0x4f: {  	[sflag:s30] =	ssyncset.done $0x0  }
0x50: {  	[sflag:s30] =	ssyncadd.s32 $0xFFFFD800  }
0x51: {  	_ =	swait.ge [sflag:s30], $0x2800  }
0x52: {  	[sflag:s30] =	ssyncset.done $0x0  }
0x53: {  	[sflag:s30] =	ssyncadd.s32 $0xFFFFD800  }
0x54: {  	_ =	swait.ge [sflag:s30], $0x2800  }
0x55: {  	[sflag:s30] =	ssyncset.done $0x0  }
0x56: {  	[sflag:s30] =	ssyncadd.s32 $0xFFFFD800  }
0x57: {  	_ =	swait.ge [sflag:s30], $0x2800  }
0x58: {  	[sflag:s30] =	ssyncset.done $0x0  }
0x59: {  	[sflag:s30] =	ssyncadd.s32 $0xFFFFD800  }
0x5a: {  	s18 =	simm.s32 $0x0;
	[bflag:$0x0] =	sbarrier.arrive $0xFFFF  }
.LBB2_4:
0x5b: {  	s3 =	sadd.s32 s18, s6  }
0x5c: {  	s19 =	smul.u32 $0xA20, s3;
	_ =	sdelay $0x1  }
0x5d: {  	s1 =	rddreg [dreg:$0x5];
	s19 =	sshrl.u32 s19, $0x3  }
0x5e: {  	s20 =	sadd.s32 s1, s19  }
0x5f: {  	[tilespmem:s31], [sflag:$0x7] =	stream.linear.gather [hbm4b:s20+s26], $0xA20, $0x38;
	[tilespmem:$0x1F500] =	vst v63  }
0x60: {  	_ =	swait.ge [sflag:s0], $0xA20  }
0x61: {  	[sflag:s0] =	ssyncset.done $0x0  }
0x62: {  	[sflag:s0] =	ssyncadd.s32 $0xFFFFF5E0  }
0x63: {  	s3 =	sshll.u32 s3, $0x9;
	s23 =	rddreg [dreg:$0x1]  }
0x64: {  	s24 =	simm.s32 $0x14A80;
	s3 =	sadd.s32 s23, s3  }
0x65: {  	[tilespmem:s24], [sflag:$0x7] =	stream.linear.gather [hbm4b:s3+s26], $0xD80, $0x38;
	[tilespmem:$0x1F500] =	vst v63  }
0x66: {  	_ =	swait.ge [sflag:s0], $0xD80  }
0x67: {  	[sflag:s0] =	ssyncset.done $0x0  }
0x68: {  	s25 =	sadd.s32 s15, s19;
	[sflag:s0] =	ssyncadd.s32 $0xFFFFF280  }
0x69: {  	[tilespmem:s7], [sflag:$0x7] =	stream.linear.gather [hbm4b:s25+s26], $0xA20, $0x38;
	[tilespmem:$0x1F500] =	vst v63  }
0x6a: {  	_ =	swait.ge [sflag:s0], $0xA20  }
0x6b: {  	[sflag:s0] =	ssyncset.done $0x0  }
0x6c: {  	s19 =	simm.s32 $0x0;
	s20 =	simm.s32 $0x0;
	[sflag:s0] =	ssyncadd.s32 $0xFFFFF5E0  }
0x6d: {  	[tilespmem:s29], [sflag:$0x1] =	stream.indirect.gather [hbm4b:s16+s8], $0x80, s31, s8, $0xb8;
	[tilespmem:$0x1F500] =	vst v63  }
.LBB2_5:
0x6e: {  	s21 =	smul.u32 $0x3, s20;
	p0 =	seq.s32 s20, $0x0  }
0x6f: {  	s24 =	simm.s32 @!p0 $0x5  }
0x70: {  	s3 =	sadd.s32 $0xFFFFFFFC, s19;
	_ =	swait.ge @!p0 [sflag:s24], $0x3000;
	s23 =	smul.u32 $0x60, s21  }
0x71: {  	s22 =	sadd.s32 $0x6, s3;
	[sflag:s24] =	ssyncset.done @!p0 $0x0  }
0x72: {  	s5 =	sadd.s32 $0x4, s3;
	[sflag:s24] =	ssyncadd.s32 @!p0 $0xFFFFD000;
	s24 =	sadd.s32 $0x14060, s23  }
0x73: {  	v2 =	vmov s5;
	[tilespmem:s9], [sflag:$0x2] =	stream.indirect.gather [hbm4b:s16+s8], $0x80, s24, s8, $0xb8;
	[tilespmem:$0x1F500] =	vst v63  }
0x74: {  	v1 =	vmov s22;
	v2 =	vand.u32 $0xFFFFFFFC, v2;
	_ =	swait.ge [sflag:s30], $0x3000  }
0x75: {  	v1 =	vand.u32 $0xFFFFFFFE, v1;
	v2 =	vbroadcast v2, $0x0;
	[sflag:s30] =	ssyncset.done $0x0  }
0x76: {  	v1 =	vbroadcast v1, $0x0;
	s24 =	simm.s32 $0x16600;
	[sflag:s30] =	ssyncadd.s32 $0xFFFFD000  }
0x77: {  	v3 =	vld [tilespmem:s24+$0x70]  }
0x78: {  	v5 =	vld [tilespmem:s24+$0xFFFFFF00]  }
0x79: {  	s25 =	sadd.s32 $0x5, s3;
	v6 =	vld [tilespmem:s24+$0xFFFFFF10]  }
0x7a: {  	v4 =	vmov s25;
	v7 =	vld [tilespmem:s24+$0xFFFFFF20]  }
0x7b: {  	v4 =	vand.u32 $0xFFFFFFFD, v4;
	v2 =	vld.idx.msk [tilespmem:v2+s7+$0x0], $0xffff  }
0x7c: {  	v4 =	vbroadcast v4, $0x0;
	v1 =	vld.idx.msk [tilespmem:v1+s7+$0x0], $0xffff  }
0x7d: {  	v8 =	vld [tilespmem:s24+$0xFFFFFF30]  }
0x7e: {  	v9 =	vld [tilespmem:s24+$0xFFFFFF40]  }
0x7f: {  	v10 =	vld [tilespmem:s24+$0xFFFFFF50]  }
0x80: {  	v11 =	vld [tilespmem:s24+$0xFFFFFF60];
	v5 =	vmul.f32 v5, v2  }
0x81: {  	v13 =	vld [tilespmem:s24+$0xFFFFFFD0];
	v3 =	vmul.f32 v3, v1  }
0x82: {  	v4 =	vld.idx.msk [tilespmem:v4+s7+$0x0], $0xffff;
	[tilespmem:s24+$0xFFFFFF00] =	vst v5;
	v5 =	vmul.f32 v6, v2  }
0x83: {  	v6 =	vld [tilespmem:s24+$0xFFFFFF70];
	[tilespmem:s24+$0x70] =	vst v3;
	v3 =	vmul.f32 v7, v2  }
0x84: {  	s3 =	sadd.s32 $0x7, s3;
	v7 =	vld [tilespmem:s24+$0xFFFFFF80];
	[tilespmem:s24+$0xFFFFFF10] =	vst v5;
	v5 =	vmul.f32 v8, v2  }
0x85: {  	v12 =	vmov s3;
	v8 =	vld [tilespmem:s24+$0xFFFFFF90];
	[tilespmem:s24+$0xFFFFFF20] =	vst v3;
	v3 =	vmul.f32 v9, v2  }
0x86: {  	v9 =	vld [tilespmem:s24+$0xFFFFFFA0];
	[tilespmem:s24+$0xFFFFFF30] =	vst v5;
	v5 =	vmul.f32 v10, v2  }
0x87: {  	v10 =	vld [tilespmem:s24+$0xFFFFFFB0];
	[tilespmem:s24+$0xFFFFFF40] =	vst v3;
	v3 =	vmul.f32 v11, v2  }
0x88: {  	v11 =	vld [tilespmem:s24+$0xFFFFFFC0];
	v6 =	vmul.f32 v6, v2;
	[tilespmem:s24+$0xFFFFFF50] =	vst v5  }
0x89: {  	v14 =	vld [tilespmem:s24+$0xFFFFFFE0];
	v5 =	vmul.f32 v7, v4;
	[tilespmem:s24+$0xFFFFFF60] =	vst v3  }
0x8a: {  	v2 =	vld.idx.msk [tilespmem:v12+s7+$0x0], $0xffff;
	v3 =	vmul.f32 v8, v4;
	[tilespmem:s24+$0xFFFFFF70] =	vst v6  }
0x8b: {  	v8 =	vld [tilespmem:s24+$0xFFFFFFF0];
	[tilespmem:s24+$0xFFFFFF80] =	vst v5;
	v5 =	vmul.f32 v9, v4  }
0x8c: {  	v7 =	vld [tilespmem:s24+$0x0];
	[tilespmem:s24+$0xFFFFFF90] =	vst v3;
	v3 =	vmul.f32 v10, v4  }
0x8d: {  	v6 =	vld [tilespmem:s24+$0x10];
	v9 =	vmul.f32 v11, v4;
	[tilespmem:s24+$0xFFFFFFA0] =	vst v5  }
0x8e: {  	v10 =	vmul.f32 v13, v4;
	v5 =	vld [tilespmem:s24+$0x20];
	[tilespmem:s24+$0xFFFFFFB0] =	vst v3  }
0x8f: {  	[tilespmem:s24+$0xFFFFFFC0] =	vst v9;
	v3 =	vld [tilespmem:s24+$0x30];
	v9 =	vmul.f32 v14, v4  }
0x90: {  	s22 =	sadd.s32 $0x1, s21;
	s3 =	simm.s32 $0x0;
	s25 =	simm.s32 $0x16600;
	[tilespmem:s24+$0xFFFFFFD0] =	vst v10;
	v8 =	vmul.f32 v8, v4;
	v4 =	vld [tilespmem:s24+$0x40]  }
.LBB2_6:
0x91: {  	s1 =	sadd.s32 s3, s19;
	s3 =	sadd.s32 $0x4, s3;
	[tilespmem:s24+$0xFFFFFFE0] =	vst v9;
	v7 =	vmul.f32 v7, v1;
	v9 =	vld [tilespmem:s24+$0x50]  }
0x92: {  	s4 =	sadd.s32 $0x4, s1;
	s5 =	sadd.s32 $0x6, s1;
	p1 =	slt.u32 s3, $0x5C;
	[tilespmem:s24+$0xFFFFFFF0] =	vst v8;
	v6 =	vmul.f32 v6, v1;
	v8 =	vld [tilespmem:s24+$0x60]  }
0x93: {  	v10 =	vmov s4;
	s4 =	sadd.s32 $0x5, s1;
	v11 =	vmov s5;
	s1 =	sadd.s32 $0x7, s1;
	[tilespmem:s24+$0x0] =	vst v7;
	v5 =	vmul.f32 v5, v1;
	v7 =	vld [tilespmem:s24+$0x80]  }
0x94: {  	v10 =	vand.u32 $0xFFFFFFFC, v10;
	v12 =	vmov s4;
	v11 =	vand.u32 $0xFFFFFFFE, v11;
	[tilespmem:s24+$0x10] =	vst v6;
	v6 =	vld [tilespmem:s24+$0x90]  }
0x95: {  	v10 =	vbroadcast v10, $0x0;
	v12 =	vand.u32 $0xFFFFFFFD, v12;
	v11 =	vbroadcast v11, $0x0;
	[tilespmem:s24+$0x20] =	vst v5;
	v5 =	vld [tilespmem:s24+$0xA0]  }
0x96: {  	v13 =	vmov s1;
	v3 =	vmul.f32 v3, v1;
	v12 =	vbroadcast v12, $0x0;
	v14 =	vld [tilespmem:s24+$0xB0]  }
0x97: {  	v4 =	vmul.f32 v4, v1;
	v9 =	vmul.f32 v9, v1;
	v15 =	vld [tilespmem:s24+$0xC0]  }
0x98: {  	[tilespmem:s24+$0x30] =	vst v3;
	v3 =	vmul.f32 v8, v1;
	v7 =	vmul.f32 v7, v2;
	v8 =	vld [tilespmem:s24+$0xD0]  }
0x99: {  	[tilespmem:s24+$0x40] =	vst v4;
	v4 =	vmul.f32 v6, v2;
	v6 =	vld [tilespmem:s24+$0xE0]  }
0x9a: {  	[tilespmem:s24+$0x50] =	vst v9;
	v5 =	vmul.f32 v5, v2;
	v9 =	vld [tilespmem:s24+$0xF0]  }
0x9b: {  	s24 =	sadd.s32 $0x200, s24;
	v1 =	vld.idx.msk [tilespmem:v11+s7+$0x0], $0xffff;
	[tilespmem:s25+$0x60] =	vst v3;
	v3 =	vmul.f32 v14, v2  }
0x9c: {  	v11 =	vld [tilespmem:s24+$0x70];
	[tilespmem:s25+$0x80] =	vst v7;
	v7 =	vmul.f32 v15, v2  }
0x9d: {  	v10 =	vld.idx.msk [tilespmem:v10+s7+$0x0], $0xffff;
	[tilespmem:s25+$0x90] =	vst v4;
	v4 =	vmul.f32 v8, v2  }
0x9e: {  	v8 =	vld.idx.msk [tilespmem:v12+s7+$0x0], $0xffff;
	[tilespmem:s25+$0xA0] =	vst v5;
	v5 =	vmul.f32 v6, v2  }
0x9f: {  	[tilespmem:s25+$0xB0] =	vst v3;
	v3 =	vmul.f32 v9, v2;
	v2 =	vld.idx.msk [tilespmem:v13+s7+$0x0], $0xffff  }
0xa0: {  	v6 =	vld [tilespmem:s24+$0xFFFFFF00];
	[tilespmem:s25+$0xC0] =	vst v7  }
0xa1: {  	v7 =	vld [tilespmem:s24+$0xFFFFFF10];
	v9 =	vmul.f32 v11, v1;
	[tilespmem:s25+$0xD0] =	vst v4  }
0xa2: {  	v4 =	vld [tilespmem:s24+$0xFFFFFF20];
	[tilespmem:s25+$0xE0] =	vst v5  }
0xa3: {  	v5 =	vld [tilespmem:s24+$0xFFFFFF30];
	[tilespmem:s24+$0x70] =	vst v9  }
0xa4: {  	v9 =	vld [tilespmem:s24+$0xFFFFFF40];
	[tilespmem:s25+$0xF0] =	vst v3;
	s25 =	smov.u32 s24  }
0xa5: {  	v3 =	vmul.f32 v6, v10;
	v6 =	vld [tilespmem:s24+$0xFFFFFF50]  }
0xa6: {  	v7 =	vmul.f32 v7, v10;
	v11 =	vld [tilespmem:s24+$0xFFFFFF60]  }
0xa7: {  	[tilespmem:s24+$0xFFFFFF00] =	vst v3;
	v3 =	vmul.f32 v4, v10;
	v4 =	vld [tilespmem:s24+$0xFFFFFF70]  }
0xa8: {  	[tilespmem:s24+$0xFFFFFF10] =	vst v7;
	v5 =	vmul.f32 v5, v10;
	v7 =	vld [tilespmem:s24+$0xFFFFFF80]  }
0xa9: {  	[tilespmem:s24+$0xFFFFFF20] =	vst v3;
	v3 =	vmul.f32 v9, v10;
	v9 =	vld [tilespmem:s24+$0xFFFFFF90]  }
0xaa: {  	[tilespmem:s24+$0xFFFFFF30] =	vst v5;
	v5 =	vmul.f32 v6, v10;
	v6 =	vld [tilespmem:s24+$0xFFFFFFA0]  }
0xab: {  	[tilespmem:s24+$0xFFFFFF40] =	vst v3;
	v3 =	vmul.f32 v11, v10;
	v11 =	vld [tilespmem:s24+$0xFFFFFFB0]  }
0xac: {  	[tilespmem:s24+$0xFFFFFF50] =	vst v5;
	v4 =	vmul.f32 v4, v10;
	v5 =	vld [tilespmem:s24+$0xFFFFFFC0]  }
0xad: {  	[tilespmem:s24+$0xFFFFFF60] =	vst v3;
	v3 =	vmul.f32 v7, v8;
	v10 =	vld [tilespmem:s24+$0xFFFFFFD0]  }
0xae: {  	[tilespmem:s24+$0xFFFFFF70] =	vst v4;
	v4 =	vmul.f32 v9, v8;
	v9 =	vld [tilespmem:s24+$0xFFFFFFE0]  }
0xaf: {  	[tilespmem:s24+$0xFFFFFF80] =	vst v3;
	v3 =	vmul.f32 v6, v8;
	v12 =	vld [tilespmem:s24+$0xFFFFFFF0]  }
.Ltmp1:
0xb0: {  	[tilespmem:s24+$0xFFFFFF90] =	vst v4;
	v4 =	vmul.f32 v11, v8;
	v7 =	vld [tilespmem:s24+$0x0];
	(pc) =	sbr.rel @p1 .LBB2_6-.Ltmp1, $4  }
0xb1: {  	[tilespmem:s24+$0xFFFFFFA0] =	vst v3;
	v3 =	vmul.f32 v5, v8;
	v6 =	vld [tilespmem:s24+$0x10]  }
0xb2: {  	[tilespmem:s24+$0xFFFFFFB0] =	vst v4;
	v4 =	vmul.f32 v10, v8;
	v5 =	vld [tilespmem:s24+$0x20]  }
0xb3: {  	[tilespmem:s24+$0xFFFFFFC0] =	vst v3;
	v9 =	vmul.f32 v9, v8;
	v3 =	vld [tilespmem:s24+$0x30]  }
0xb4: {  	[tilespmem:s24+$0xFFFFFFD0] =	vst v4;
	v8 =	vmul.f32 v12, v8;
	v4 =	vld [tilespmem:s24+$0x40]  }
0xb5: {  	v10 =	vld [tilespmem:s24+$0x50];
	[tilespmem:s24+$0xFFFFFFE0] =	vst v9;
	v7 =	vmul.f32 v7, v1  }
0xb6: {  	v9 =	vld [tilespmem:s24+$0x60];
	[tilespmem:s24+$0xFFFFFFF0] =	vst v8;
	v6 =	vmul.f32 v6, v1  }
0xb7: {  	v8 =	vld [tilespmem:s24+$0x80];
	[tilespmem:s24+$0x0] =	vst v7;
	v5 =	vmul.f32 v5, v1  }
0xb8: {  	v7 =	vld [tilespmem:s24+$0x90];
	[tilespmem:s24+$0x10] =	vst v6;
	v3 =	vmul.f32 v3, v1  }
0xb9: {  	v6 =	vld [tilespmem:s24+$0xA0];
	[tilespmem:s24+$0x20] =	vst v5;
	v4 =	vmul.f32 v4, v1  }
0xba: {  	v5 =	vld [tilespmem:s24+$0xB0];
	v10 =	vmul.f32 v10, v1;
	[tilespmem:s24+$0x30] =	vst v3  }
0xbb: {  	v11 =	vld [tilespmem:s24+$0xC0];
	v1 =	vmul.f32 v9, v1;
	[tilespmem:s24+$0x40] =	vst v4  }
0xbc: {  	v3 =	vld [tilespmem:s24+$0xD0];
	v4 =	vmul.f32 v8, v2;
	[tilespmem:s24+$0x50] =	vst v10  }
0xbd: {  	v8 =	vld [tilespmem:s24+$0xE0];
	v7 =	vmul.f32 v7, v2;
	[tilespmem:s25+$0x60] =	vst v1  }
0xbe: {  	v9 =	vld [tilespmem:s24+$0xF0];
	v1 =	vmul.f32 v6, v2;
	[tilespmem:s25+$0x80] =	vst v4  }
0xbf: {  	v4 =	vmul.f32 v5, v2;
	[tilespmem:s25+$0x90] =	vst v7  }
0xc0: {  	v5 =	vmul.f32 v11, v2;
	[tilespmem:s25+$0xA0] =	vst v1  }
0xc1: {  	v1 =	vmul.f32 v3, v2;
	[tilespmem:s25+$0xB0] =	vst v4  }
0xc2: {  	s1 =	smul.u32 $0x600, s20;
	v3 =	vmul.f32 v8, v2;
	[tilespmem:s25+$0xC0] =	vst v5  }
0xc3: {  	v2 =	vmul.f32 v9, v2;
	[tilespmem:s25+$0xD0] =	vst v1  }
0xc4: {  	s1 =	sshra.s32 s1, $0x2;
	[tilespmem:s25+$0xE0] =	vst v3  }
0xc5: {  	s4 =	simm.s32 @!p0 $0x6;
	s1 =	sadd.s32 $0x14A80, s1;
	[tilespmem:s25+$0xF0] =	vst v2  }
0xc6: {  	[spmem:s2] =	stream.indirect.scatter.add.f32 [tilespmem:s29], [sflag:$0x4], $0x80, s1, s8, $0xb8;
	[tilespmem:$0x1F500] =	vst v63  }
0xc7: {  	_ =	swait.ge @!p0 [sflag:s4], $0x3000  }
0xc8: {  	s24 =	sadd.s32 $0x140C0, s23;
	s1 =	sadd.s32 $0xFFFFFFFC, s19;
	[sflag:s4] =	ssyncset.done @!p0 $0x0  }
0xc9: {  	s3 =	sadd.s32 $0x66, s1;
	s5 =	sadd.s32 $0x64, s1;
	[sflag:s4] =	ssyncadd.s32 @!p0 $0xFFFFD000  }
0xca: {  	v2 =	vmov s5;
	[tilespmem:s10], [sflag:$0x3] =	stream.indirect.gather [hbm4b:s16+s8], $0x80, s24, s8, $0xb8;
	[tilespmem:$0x1F500] =	vst v63  }
0xcb: {  	v1 =	vmov s3;
	v2 =	vand.u32 $0xFFFFFFFC, v2;
	_ =	swait.ge [sflag:s11], $0x3000  }
0xcc: {  	v1 =	vand.u32 $0xFFFFFFFE, v1;
	v2 =	vbroadcast v2, $0x0;
	[sflag:s11] =	ssyncset.done $0x0  }
0xcd: {  	s23 =	simm.s32 $0x19600;
	v1 =	vbroadcast v1, $0x0;
	[sflag:s11] =	ssyncadd.s32 $0xFFFFD000  }
0xce: {  	v3 =	vld [tilespmem:s23+$0x70]  }
0xcf: {  	v5 =	vld [tilespmem:s23+$0xFFFFFF00]  }
0xd0: {  	s25 =	sadd.s32 $0x65, s1;
	v6 =	vld [tilespmem:s23+$0xFFFFFF10]  }
0xd1: {  	v4 =	vmov s25;
	v7 =	vld [tilespmem:s23+$0xFFFFFF20]  }
0xd2: {  	v4 =	vand.u32 $0xFFFFFFFD, v4;
	v2 =	vld.idx.msk [tilespmem:v2+s7+$0x0], $0xffff  }
0xd3: {  	v4 =	vbroadcast v4, $0x0;
	v1 =	vld.idx.msk [tilespmem:v1+s7+$0x0], $0xffff  }
0xd4: {  	v8 =	vld [tilespmem:s23+$0xFFFFFF30]  }
0xd5: {  	v9 =	vld [tilespmem:s23+$0xFFFFFF40]  }
0xd6: {  	v10 =	vld [tilespmem:s23+$0xFFFFFF50]  }
0xd7: {  	v11 =	vld [tilespmem:s23+$0xFFFFFF60];
	v5 =	vmul.f32 v5, v2  }
0xd8: {  	v13 =	vld [tilespmem:s23+$0xFFFFFFD0];
	v3 =	vmul.f32 v3, v1  }
0xd9: {  	v4 =	vld.idx.msk [tilespmem:v4+s7+$0x0], $0xffff;
	[tilespmem:s23+$0xFFFFFF00] =	vst v5;
	v5 =	vmul.f32 v6, v2  }
0xda: {  	v6 =	vld [tilespmem:s23+$0xFFFFFF70];
	[tilespmem:s23+$0x70] =	vst v3;
	v3 =	vmul.f32 v7, v2  }
0xdb: {  	s1 =	sadd.s32 $0x67, s1;
	v7 =	vld [tilespmem:s23+$0xFFFFFF80];
	[tilespmem:s23+$0xFFFFFF10] =	vst v5;
	v5 =	vmul.f32 v8, v2  }
0xdc: {  	v12 =	vmov s1;
	v8 =	vld [tilespmem:s23+$0xFFFFFF90];
	[tilespmem:s23+$0xFFFFFF20] =	vst v3;
	v3 =	vmul.f32 v9, v2  }
0xdd: {  	v9 =	vld [tilespmem:s23+$0xFFFFFFA0];
	[tilespmem:s23+$0xFFFFFF30] =	vst v5;
	v5 =	vmul.f32 v10, v2  }
0xde: {  	v10 =	vld [tilespmem:s23+$0xFFFFFFB0];
	[tilespmem:s23+$0xFFFFFF40] =	vst v3;
	v3 =	vmul.f32 v11, v2  }
0xdf: {  	v11 =	vld [tilespmem:s23+$0xFFFFFFC0];
	v6 =	vmul.f32 v6, v2;
	[tilespmem:s23+$0xFFFFFF50] =	vst v5  }
0xe0: {  	v14 =	vld [tilespmem:s23+$0xFFFFFFE0];
	v5 =	vmul.f32 v7, v4;
	[tilespmem:s23+$0xFFFFFF60] =	vst v3  }
0xe1: {  	v2 =	vld.idx.msk [tilespmem:v12+s7+$0x0], $0xffff;
	v3 =	vmul.f32 v8, v4;
	[tilespmem:s23+$0xFFFFFF70] =	vst v6  }
0xe2: {  	v8 =	vld [tilespmem:s23+$0xFFFFFFF0];
	[tilespmem:s23+$0xFFFFFF80] =	vst v5;
	v5 =	vmul.f32 v9, v4  }
0xe3: {  	v7 =	vld [tilespmem:s23+$0x0];
	[tilespmem:s23+$0xFFFFFF90] =	vst v3;
	v3 =	vmul.f32 v10, v4  }
0xe4: {  	v6 =	vld [tilespmem:s23+$0x10];
	v9 =	vmul.f32 v11, v4;
	[tilespmem:s23+$0xFFFFFFA0] =	vst v5  }
0xe5: {  	v10 =	vmul.f32 v13, v4;
	v5 =	vld [tilespmem:s23+$0x20];
	[tilespmem:s23+$0xFFFFFFB0] =	vst v3  }
0xe6: {  	[tilespmem:s23+$0xFFFFFFC0] =	vst v9;
	v3 =	vld [tilespmem:s23+$0x30];
	v9 =	vmul.f32 v14, v4  }
0xe7: {  	s21 =	sadd.s32 $0x2, s21;
	s3 =	simm.s32 $0x0;
	s24 =	simm.s32 $0x19600;
	[tilespmem:s23+$0xFFFFFFD0] =	vst v10;
	v8 =	vmul.f32 v8, v4;
	v4 =	vld [tilespmem:s23+$0x40]  }
.LBB2_8:
0xe8: {  	s1 =	sadd.s32 s3, s19;
	s3 =	sadd.s32 $0x4, s3;
	[tilespmem:s23+$0xFFFFFFE0] =	vst v9;
	v7 =	vmul.f32 v7, v1;
	v9 =	vld [tilespmem:s23+$0x50]  }
0xe9: {  	s4 =	sadd.s32 $0x64, s1;
	s5 =	sadd.s32 $0x66, s1;
	p0 =	slt.u32 s3, $0x5C;
	[tilespmem:s23+$0xFFFFFFF0] =	vst v8;
	v6 =	vmul.f32 v6, v1;
	v8 =	vld [tilespmem:s23+$0x60]  }
0xea: {  	v10 =	vmov s4;
	s4 =	sadd.s32 $0x65, s1;
	v11 =	vmov s5;
	s1 =	sadd.s32 $0x67, s1;
	[tilespmem:s23+$0x0] =	vst v7;
	v5 =	vmul.f32 v5, v1;
	v7 =	vld [tilespmem:s23+$0x80]  }
0xeb: {  	v10 =	vand.u32 $0xFFFFFFFC, v10;
	v12 =	vmov s4;
	v11 =	vand.u32 $0xFFFFFFFE, v11;
	[tilespmem:s23+$0x10] =	vst v6;
	v6 =	vld [tilespmem:s23+$0x90]  }
0xec: {  	v10 =	vbroadcast v10, $0x0;
	v12 =	vand.u32 $0xFFFFFFFD, v12;
	v11 =	vbroadcast v11, $0x0;
	[tilespmem:s23+$0x20] =	vst v5;
	v5 =	vld [tilespmem:s23+$0xA0]  }
0xed: {  	v13 =	vmov s1;
	v3 =	vmul.f32 v3, v1;
	v12 =	vbroadcast v12, $0x0;
	v14 =	vld [tilespmem:s23+$0xB0]  }
0xee: {  	v4 =	vmul.f32 v4, v1;
	v9 =	vmul.f32 v9, v1;
	v15 =	vld [tilespmem:s23+$0xC0]  }
0xef: {  	[tilespmem:s23+$0x30] =	vst v3;
	v3 =	vmul.f32 v8, v1;
	v7 =	vmul.f32 v7, v2;
	v8 =	vld [tilespmem:s23+$0xD0]  }
0xf0: {  	[tilespmem:s23+$0x40] =	vst v4;
	v4 =	vmul.f32 v6, v2;
	v6 =	vld [tilespmem:s23+$0xE0]  }
0xf1: {  	[tilespmem:s23+$0x50] =	vst v9;
	v5 =	vmul.f32 v5, v2;
	v9 =	vld [tilespmem:s23+$0xF0]  }
0xf2: {  	s23 =	sadd.s32 $0x200, s23;
	v1 =	vld.idx.msk [tilespmem:v11+s7+$0x0], $0xffff;
	[tilespmem:s24+$0x60] =	vst v3;
	v3 =	vmul.f32 v14, v2  }
0xf3: {  	v11 =	vld [tilespmem:s23+$0x70];
	[tilespmem:s24+$0x80] =	vst v7;
	v7 =	vmul.f32 v15, v2  }
0xf4: {  	v10 =	vld.idx.msk [tilespmem:v10+s7+$0x0], $0xffff;
	[tilespmem:s24+$0x90] =	vst v4;
	v4 =	vmul.f32 v8, v2  }
0xf5: {  	v8 =	vld.idx.msk [tilespmem:v12+s7+$0x0], $0xffff;
	[tilespmem:s24+$0xA0] =	vst v5;
	v5 =	vmul.f32 v6, v2  }
0xf6: {  	[tilespmem:s24+$0xB0] =	vst v3;
	v3 =	vmul.f32 v9, v2;
	v2 =	vld.idx.msk [tilespmem:v13+s7+$0x0], $0xffff  }
0xf7: {  	v6 =	vld [tilespmem:s23+$0xFFFFFF00];
	[tilespmem:s24+$0xC0] =	vst v7  }
0xf8: {  	v7 =	vld [tilespmem:s23+$0xFFFFFF10];
	v9 =	vmul.f32 v11, v1;
	[tilespmem:s24+$0xD0] =	vst v4  }
0xf9: {  	v4 =	vld [tilespmem:s23+$0xFFFFFF20];
	[tilespmem:s24+$0xE0] =	vst v5  }
0xfa: {  	v5 =	vld [tilespmem:s23+$0xFFFFFF30];
	[tilespmem:s23+$0x70] =	vst v9  }
0xfb: {  	v9 =	vld [tilespmem:s23+$0xFFFFFF40];
	[tilespmem:s24+$0xF0] =	vst v3;
	s24 =	smov.u32 s23  }
0xfc: {  	v3 =	vmul.f32 v6, v10;
	v6 =	vld [tilespmem:s23+$0xFFFFFF50]  }
0xfd: {  	v7 =	vmul.f32 v7, v10;
	v11 =	vld [tilespmem:s23+$0xFFFFFF60]  }
0xfe: {  	[tilespmem:s23+$0xFFFFFF00] =	vst v3;
	v3 =	vmul.f32 v4, v10;
	v4 =	vld [tilespmem:s23+$0xFFFFFF70]  }
0xff: {  	[tilespmem:s23+$0xFFFFFF10] =	vst v7;
	v5 =	vmul.f32 v5, v10;
	v7 =	vld [tilespmem:s23+$0xFFFFFF80]  }
0x100: {  	[tilespmem:s23+$0xFFFFFF20] =	vst v3;
	v3 =	vmul.f32 v9, v10;
	v9 =	vld [tilespmem:s23+$0xFFFFFF90]  }
0x101: {  	[tilespmem:s23+$0xFFFFFF30] =	vst v5;
	v5 =	vmul.f32 v6, v10;
	v6 =	vld [tilespmem:s23+$0xFFFFFFA0]  }
0x102: {  	[tilespmem:s23+$0xFFFFFF40] =	vst v3;
	v3 =	vmul.f32 v11, v10;
	v11 =	vld [tilespmem:s23+$0xFFFFFFB0]  }
0x103: {  	[tilespmem:s23+$0xFFFFFF50] =	vst v5;
	v4 =	vmul.f32 v4, v10;
	v5 =	vld [tilespmem:s23+$0xFFFFFFC0]  }
0x104: {  	[tilespmem:s23+$0xFFFFFF60] =	vst v3;
	v3 =	vmul.f32 v7, v8;
	v10 =	vld [tilespmem:s23+$0xFFFFFFD0]  }
0x105: {  	[tilespmem:s23+$0xFFFFFF70] =	vst v4;
	v4 =	vmul.f32 v9, v8;
	v9 =	vld [tilespmem:s23+$0xFFFFFFE0]  }
0x106: {  	[tilespmem:s23+$0xFFFFFF80] =	vst v3;
	v3 =	vmul.f32 v6, v8;
	v12 =	vld [tilespmem:s23+$0xFFFFFFF0]  }
.Ltmp2:
0x107: {  	[tilespmem:s23+$0xFFFFFF90] =	vst v4;
	v4 =	vmul.f32 v11, v8;
	v7 =	vld [tilespmem:s23+$0x0];
	(pc) =	sbr.rel @p0 .LBB2_8-.Ltmp2, $4  }
0x108: {  	[tilespmem:s23+$0xFFFFFFA0] =	vst v3;
	v3 =	vmul.f32 v5, v8;
	v6 =	vld [tilespmem:s23+$0x10]  }
0x109: {  	[tilespmem:s23+$0xFFFFFFB0] =	vst v4;
	v4 =	vmul.f32 v10, v8;
	v5 =	vld [tilespmem:s23+$0x20]  }
0x10a: {  	[tilespmem:s23+$0xFFFFFFC0] =	vst v3;
	v9 =	vmul.f32 v9, v8;
	v3 =	vld [tilespmem:s23+$0x30]  }
0x10b: {  	[tilespmem:s23+$0xFFFFFFD0] =	vst v4;
	v8 =	vmul.f32 v12, v8;
	v4 =	vld [tilespmem:s23+$0x40]  }
0x10c: {  	v10 =	vld [tilespmem:s23+$0x50];
	[tilespmem:s23+$0xFFFFFFE0] =	vst v9;
	v7 =	vmul.f32 v7, v1  }
0x10d: {  	v9 =	vld [tilespmem:s23+$0x60];
	[tilespmem:s23+$0xFFFFFFF0] =	vst v8;
	v6 =	vmul.f32 v6, v1  }
0x10e: {  	v8 =	vld [tilespmem:s23+$0x80];
	[tilespmem:s23+$0x0] =	vst v7;
	v5 =	vmul.f32 v5, v1  }
0x10f: {  	v7 =	vld [tilespmem:s23+$0x90];
	[tilespmem:s23+$0x10] =	vst v6;
	v3 =	vmul.f32 v3, v1  }
0x110: {  	v6 =	vld [tilespmem:s23+$0xA0];
	[tilespmem:s23+$0x20] =	vst v5;
	v4 =	vmul.f32 v4, v1  }
0x111: {  	v5 =	vld [tilespmem:s23+$0xB0];
	v10 =	vmul.f32 v10, v1;
	[tilespmem:s23+$0x30] =	vst v3  }
0x112: {  	v11 =	vld [tilespmem:s23+$0xC0];
	v1 =	vmul.f32 v9, v1;
	[tilespmem:s23+$0x40] =	vst v4  }
0x113: {  	v3 =	vld [tilespmem:s23+$0xD0];
	v4 =	vmul.f32 v8, v2;
	[tilespmem:s23+$0x50] =	vst v10  }
0x114: {  	v8 =	vld [tilespmem:s23+$0xE0];
	v7 =	vmul.f32 v7, v2;
	[tilespmem:s24+$0x60] =	vst v1  }
0x115: {  	v9 =	vld [tilespmem:s23+$0xF0];
	v1 =	vmul.f32 v6, v2;
	[tilespmem:s24+$0x80] =	vst v4  }
0x116: {  	v4 =	vmul.f32 v5, v2;
	[tilespmem:s24+$0x90] =	vst v7  }
0x117: {  	v5 =	vmul.f32 v11, v2;
	[tilespmem:s24+$0xA0] =	vst v1  }
0x118: {  	v1 =	vmul.f32 v3, v2;
	[tilespmem:s24+$0xB0] =	vst v4  }
0x119: {  	v3 =	vmul.f32 v8, v2;
	[tilespmem:s24+$0xC0] =	vst v5  }
0x11a: {  	s1 =	sshll.u32 s22, $0x7;
	v2 =	vmul.f32 v9, v2;
	[tilespmem:s24+$0xD0] =	vst v1  }
0x11b: {  	p0 =	seq.s32 s20, $0x8;
	s1 =	sand.u32 $0x3FFFFF80, s1;
	s23 =	sadd.s32 $0xFFFFFFFC, s19;
	[tilespmem:s24+$0xE0] =	vst v3  }
0x11c: {  	s4 =	smul.u32 @!p0 $0x480, s20;
	s1 =	sadd.s32 $0x14A80, s1;
	s3 =	sadd.s32 $0xC6, s23;
	[tilespmem:s24+$0xF0] =	vst v2  }
0x11d: {  	v1 =	vmov s3;
	[spmem:s2] =	stream.indirect.scatter.add.f32 [tilespmem:s9], [sflag:$0x5], $0x80, s1, s8, $0xb8;
	[tilespmem:$0x1F500] =	vst v63  }
0x11e: {  	s24 =	sadd.s32 $0xC4, s23;
	v1 =	vand.u32 $0xFFFFFFFE, v1;
	_ =	swait.ge [sflag:s12], $0x3000  }
0x11f: {  	s5 =	simm.s32 @!p0 $0x16500;
	s4 =	sshra.s32 @!p0 s4, $0x2;
	v2 =	vmov s24;
	v1 =	vbroadcast v1, $0x0;
	[sflag:s12] =	ssyncset.done $0x0  }
0x120: {  	s3 =	sadd.s32 @!p0 $0x14120, s4;
	s4 =	simm.s32 @!p0 $0x60;
	v2 =	vand.u32 $0xFFFFFFFC, v2;
	[sflag:s12] =	ssyncadd.s32 $0xFFFFD000  }
0x121: {  	v2 =	vbroadcast v2, $0x0;
	[tilespmem:s5], [sflag:$0x1] =	stream.indirect.gather @!p0 [hbm4b:s16+s4], $0x80, s3, s4, $0xb8;
	[tilespmem:$0x1F500] =	vst v63  }
0x122: {  	_ =	swait.ge [sflag:s13], $0x3000  }
0x123: {  	[sflag:s13] =	ssyncset.done $0x0  }
0x124: {  	[sflag:s13] =	ssyncadd.s32 $0xFFFFD000  }
0x125: {  	s22 =	simm.s32 $0x1C600;
	v1 =	vld.idx.msk [tilespmem:v1+s7+$0x0], $0xffff  }
0x126: {  	s25 =	sadd.s32 $0xC5, s23;
	v3 =	vld [tilespmem:s22+$0x70]  }
0x127: {  	v4 =	vmov s25;
	v2 =	vld.idx.msk [tilespmem:v2+s7+$0x0], $0xffff  }
0x128: {  	v4 =	vand.u32 $0xFFFFFFFD, v4;
	v5 =	vld [tilespmem:s22+$0xFFFFFF00]  }
0x129: {  	v4 =	vbroadcast v4, $0x0;
	v6 =	vld [tilespmem:s22+$0xFFFFFF10]  }
0x12a: {  	v7 =	vld [tilespmem:s22+$0xFFFFFF20]  }
0x12b: {  	v8 =	vld [tilespmem:s22+$0xFFFFFF30]  }
0x12c: {  	v9 =	vld [tilespmem:s22+$0xFFFFFF40]  }
0x12d: {  	v10 =	vld [tilespmem:s22+$0xFFFFFF50]  }
0x12e: {  	v11 =	vld [tilespmem:s22+$0xFFFFFF60];
	v5 =	vmul.f32 v5, v2  }
0x12f: {  	v4 =	vld.idx.msk [tilespmem:v4+s7+$0x0], $0xffff;
	v3 =	vmul.f32 v3, v1  }
0x130: {  	v13 =	vld [tilespmem:s22+$0xFFFFFFD0];
	[tilespmem:s22+$0xFFFFFF00] =	vst v5;
	v5 =	vmul.f32 v6, v2  }
0x131: {  	v6 =	vld [tilespmem:s22+$0xFFFFFF70];
	[tilespmem:s22+$0x70] =	vst v3;
	v3 =	vmul.f32 v7, v2  }
0x132: {  	s1 =	sadd.s32 $0xC7, s23;
	v7 =	vld [tilespmem:s22+$0xFFFFFF80];
	[tilespmem:s22+$0xFFFFFF10] =	vst v5;
	v5 =	vmul.f32 v8, v2  }
0x133: {  	v12 =	vmov s1;
	v8 =	vld [tilespmem:s22+$0xFFFFFF90];
	[tilespmem:s22+$0xFFFFFF20] =	vst v3;
	v3 =	vmul.f32 v9, v2  }
0x134: {  	v9 =	vld [tilespmem:s22+$0xFFFFFFA0];
	[tilespmem:s22+$0xFFFFFF30] =	vst v5;
	v5 =	vmul.f32 v10, v2  }
0x135: {  	v10 =	vld [tilespmem:s22+$0xFFFFFFB0];
	[tilespmem:s22+$0xFFFFFF40] =	vst v3;
	v3 =	vmul.f32 v11, v2  }
0x136: {  	v11 =	vld [tilespmem:s22+$0xFFFFFFC0];
	v6 =	vmul.f32 v6, v2;
	[tilespmem:s22+$0xFFFFFF50] =	vst v5  }
0x137: {  	v14 =	vld [tilespmem:s22+$0xFFFFFFE0];
	v5 =	vmul.f32 v7, v4;
	[tilespmem:s22+$0xFFFFFF60] =	vst v3  }
0x138: {  	v2 =	vld.idx.msk [tilespmem:v12+s7+$0x0], $0xffff;
	v3 =	vmul.f32 v8, v4;
	[tilespmem:s22+$0xFFFFFF70] =	vst v6  }
0x139: {  	v8 =	vld [tilespmem:s22+$0xFFFFFFF0];
	[tilespmem:s22+$0xFFFFFF80] =	vst v5;
	v5 =	vmul.f32 v9, v4  }
0x13a: {  	v7 =	vld [tilespmem:s22+$0x0];
	[tilespmem:s22+$0xFFFFFF90] =	vst v3;
	v3 =	vmul.f32 v10, v4  }
0x13b: {  	v6 =	vld [tilespmem:s22+$0x10];
	v9 =	vmul.f32 v11, v4;
	[tilespmem:s22+$0xFFFFFFA0] =	vst v5  }
0x13c: {  	v10 =	vmul.f32 v13, v4;
	v5 =	vld [tilespmem:s22+$0x20];
	[tilespmem:s22+$0xFFFFFFB0] =	vst v3  }
0x13d: {  	[tilespmem:s22+$0xFFFFFFC0] =	vst v9;
	v3 =	vld [tilespmem:s22+$0x30];
	v9 =	vmul.f32 v14, v4  }
0x13e: {  	s23 =	simm.s32 $0x1C600;
	s3 =	simm.s32 $0x0;
	[tilespmem:s22+$0xFFFFFFD0] =	vst v10;
	v8 =	vmul.f32 v8, v4;
	v4 =	vld [tilespmem:s22+$0x40]  }
.LBB2_10:
0x13f: {  	s1 =	sadd.s32 s3, s19;
	s3 =	sadd.s32 $0x4, s3;
	[tilespmem:s22+$0xFFFFFFE0] =	vst v9;
	v7 =	vmul.f32 v7, v1;
	v9 =	vld [tilespmem:s22+$0x50]  }
0x140: {  	s4 =	sadd.s32 $0xC4, s1;
	s5 =	sadd.s32 $0xC6, s1;
	p0 =	slt.u32 s3, $0x5C;
	[tilespmem:s22+$0xFFFFFFF0] =	vst v8;
	v6 =	vmul.f32 v6, v1;
	v8 =	vld [tilespmem:s22+$0x60]  }
0x141: {  	v10 =	vmov s4;
	s4 =	sadd.s32 $0xC5, s1;
	v11 =	vmov s5;
	s1 =	sadd.s32 $0xC7, s1;
	[tilespmem:s22+$0x0] =	vst v7;
	v5 =	vmul.f32 v5, v1;
	v7 =	vld [tilespmem:s22+$0x80]  }
0x142: {  	v10 =	vand.u32 $0xFFFFFFFC, v10;
	v12 =	vmov s4;
	v11 =	vand.u32 $0xFFFFFFFE, v11;
	[tilespmem:s22+$0x10] =	vst v6;
	v6 =	vld [tilespmem:s22+$0x90]  }
0x143: {  	v10 =	vbroadcast v10, $0x0;
	v12 =	vand.u32 $0xFFFFFFFD, v12;
	v11 =	vbroadcast v11, $0x0;
	[tilespmem:s22+$0x20] =	vst v5;
	v5 =	vld [tilespmem:s22+$0xA0]  }
0x144: {  	v13 =	vmov s1;
	v3 =	vmul.f32 v3, v1;
	v12 =	vbroadcast v12, $0x0;
	v14 =	vld [tilespmem:s22+$0xB0]  }
0x145: {  	v4 =	vmul.f32 v4, v1;
	v9 =	vmul.f32 v9, v1;
	v15 =	vld [tilespmem:s22+$0xC0]  }
0x146: {  	[tilespmem:s22+$0x30] =	vst v3;
	v3 =	vmul.f32 v8, v1;
	v7 =	vmul.f32 v7, v2;
	v8 =	vld [tilespmem:s22+$0xD0]  }
0x147: {  	[tilespmem:s22+$0x40] =	vst v4;
	v4 =	vmul.f32 v6, v2;
	v6 =	vld [tilespmem:s22+$0xE0]  }
0x148: {  	[tilespmem:s22+$0x50] =	vst v9;
	v5 =	vmul.f32 v5, v2;
	v9 =	vld [tilespmem:s22+$0xF0]  }
0x149: {  	s22 =	sadd.s32 $0x200, s22;
	v1 =	vld.idx.msk [tilespmem:v11+s7+$0x0], $0xffff;
	[tilespmem:s23+$0x60] =	vst v3;
	v3 =	vmul.f32 v14, v2  }
0x14a: {  	v11 =	vld [tilespmem:s22+$0x70];
	[tilespmem:s23+$0x80] =	vst v7;
	v7 =	vmul.f32 v15, v2  }
0x14b: {  	v10 =	vld.idx.msk [tilespmem:v10+s7+$0x0], $0xffff;
	[tilespmem:s23+$0x90] =	vst v4;
	v4 =	vmul.f32 v8, v2  }
0x14c: {  	v8 =	vld.idx.msk [tilespmem:v12+s7+$0x0], $0xffff;
	[tilespmem:s23+$0xA0] =	vst v5;
	v5 =	vmul.f32 v6, v2  }
0x14d: {  	[tilespmem:s23+$0xB0] =	vst v3;
	v3 =	vmul.f32 v9, v2;
	v2 =	vld.idx.msk [tilespmem:v13+s7+$0x0], $0xffff  }
0x14e: {  	v6 =	vld [tilespmem:s22+$0xFFFFFF00];
	[tilespmem:s23+$0xC0] =	vst v7  }
0x14f: {  	v7 =	vld [tilespmem:s22+$0xFFFFFF10];
	v9 =	vmul.f32 v11, v1;
	[tilespmem:s23+$0xD0] =	vst v4  }
0x150: {  	v4 =	vld [tilespmem:s22+$0xFFFFFF20];
	[tilespmem:s23+$0xE0] =	vst v5  }
0x151: {  	v5 =	vld [tilespmem:s22+$0xFFFFFF30];
	[tilespmem:s22+$0x70] =	vst v9  }
0x152: {  	v9 =	vld [tilespmem:s22+$0xFFFFFF40];
	[tilespmem:s23+$0xF0] =	vst v3;
	s23 =	smov.u32 s22  }
0x153: {  	v3 =	vmul.f32 v6, v10;
	v6 =	vld [tilespmem:s22+$0xFFFFFF50]  }
0x154: {  	v7 =	vmul.f32 v7, v10;
	v11 =	vld [tilespmem:s22+$0xFFFFFF60]  }
0x155: {  	[tilespmem:s22+$0xFFFFFF00] =	vst v3;
	v3 =	vmul.f32 v4, v10;
	v4 =	vld [tilespmem:s22+$0xFFFFFF70]  }
0x156: {  	[tilespmem:s22+$0xFFFFFF10] =	vst v7;
	v5 =	vmul.f32 v5, v10;
	v7 =	vld [tilespmem:s22+$0xFFFFFF80]  }
0x157: {  	[tilespmem:s22+$0xFFFFFF20] =	vst v3;
	v3 =	vmul.f32 v9, v10;
	v9 =	vld [tilespmem:s22+$0xFFFFFF90]  }
0x158: {  	[tilespmem:s22+$0xFFFFFF30] =	vst v5;
	v5 =	vmul.f32 v6, v10;
	v6 =	vld [tilespmem:s22+$0xFFFFFFA0]  }
0x159: {  	[tilespmem:s22+$0xFFFFFF40] =	vst v3;
	v3 =	vmul.f32 v11, v10;
	v11 =	vld [tilespmem:s22+$0xFFFFFFB0]  }
0x15a: {  	[tilespmem:s22+$0xFFFFFF50] =	vst v5;
	v4 =	vmul.f32 v4, v10;
	v5 =	vld [tilespmem:s22+$0xFFFFFFC0]  }
0x15b: {  	[tilespmem:s22+$0xFFFFFF60] =	vst v3;
	v3 =	vmul.f32 v7, v8;
	v10 =	vld [tilespmem:s22+$0xFFFFFFD0]  }
0x15c: {  	[tilespmem:s22+$0xFFFFFF70] =	vst v4;
	v4 =	vmul.f32 v9, v8;
	v9 =	vld [tilespmem:s22+$0xFFFFFFE0]  }
0x15d: {  	[tilespmem:s22+$0xFFFFFF80] =	vst v3;
	v3 =	vmul.f32 v6, v8;
	v12 =	vld [tilespmem:s22+$0xFFFFFFF0]  }
.Ltmp3:
0x15e: {  	[tilespmem:s22+$0xFFFFFF90] =	vst v4;
	v4 =	vmul.f32 v11, v8;
	v7 =	vld [tilespmem:s22+$0x0];
	(pc) =	sbr.rel @p0 .LBB2_10-.Ltmp3, $4  }
0x15f: {  	[tilespmem:s22+$0xFFFFFFA0] =	vst v3;
	v3 =	vmul.f32 v5, v8;
	v6 =	vld [tilespmem:s22+$0x10]  }
0x160: {  	[tilespmem:s22+$0xFFFFFFB0] =	vst v4;
	v4 =	vmul.f32 v10, v8;
	v5 =	vld [tilespmem:s22+$0x20]  }
0x161: {  	[tilespmem:s22+$0xFFFFFFC0] =	vst v3;
	v9 =	vmul.f32 v9, v8;
	v3 =	vld [tilespmem:s22+$0x30]  }
0x162: {  	[tilespmem:s22+$0xFFFFFFD0] =	vst v4;
	v8 =	vmul.f32 v12, v8;
	v4 =	vld [tilespmem:s22+$0x40]  }
0x163: {  	v10 =	vld [tilespmem:s22+$0x50]  }
0x164: {  	[tilespmem:s22+$0xFFFFFFE0] =	vst v9;
	v7 =	vmul.f32 v7, v1;
	v54 =	vld [tilespmem:s22+$0x60]  }
0x165: {  	v55 =	vld [tilespmem:s22+$0x80];
	[tilespmem:s22+$0xFFFFFFF0] =	vst v8;
	v6 =	vmul.f32 v6, v1  }
0x166: {  	v56 =	vld [tilespmem:s22+$0x90];
	[tilespmem:s22+$0x0] =	vst v7;
	v5 =	vmul.f32 v5, v1  }
0x167: {  	v57 =	vld [tilespmem:s22+$0xA0];
	[tilespmem:s22+$0x10] =	vst v6;
	v3 =	vmul.f32 v3, v1  }
0x168: {  	v58 =	vld [tilespmem:s22+$0xB0];
	[tilespmem:s22+$0x20] =	vst v5;
	v4 =	vmul.f32 v4, v1  }
0x169: {  	v11 =	vld [tilespmem:s22+$0xC0];
	v10 =	vmul.f32 v10, v1;
	[tilespmem:s22+$0x30] =	vst v3  }
0x16a: {  	v60 =	vld [tilespmem:s22+$0xE0];
	v59 =	vmul.f32 v55, v2;
	[tilespmem:s22+$0x40] =	vst v4  }
0x16b: {  	v3 =	vld [tilespmem:s22+$0xD0];
	v7 =	vmul.f32 v56, v2;
	[tilespmem:s22+$0x50] =	vst v10  }
0x16c: {  	v61 =	vld [tilespmem:s22+$0xF0];
	v1 =	vmul.f32 v54, v1;
	[tilespmem:s23+$0x80] =	vst v59  }
0x16d: {  	v62 =	vmul.f32 v58, v2;
	[tilespmem:s23+$0x90] =	vst v7  }
0x16e: {  	[tilespmem:s23+$0x60] =	vst v1;
	v1 =	vmul.f32 v57, v2  }
0x16f: {  	s20 =	sadd.s32 $0x1, s20;
	v63 =	vmul.f32 v11, v2;
	[tilespmem:s23+$0xB0] =	vst v62  }
0x170: {  	p0 =	sne.s32 s20, $0x9;
	[tilespmem:s23+$0xA0] =	vst v1;
	v1 =	vmul.f32 v3, v2  }
.Ltmp4:
0x171: {  	[tilespmem:s23+$0xC0] =	vst v63;
	v3 =	vmul.f32 v60, v2;
	(pc) =	sbr.rel @p0 .LBB2_5-.Ltmp4, $4  }
0x172: {  	s1 =	sshll.u32 s21, $0x7;
	v2 =	vmul.f32 v61, v2;
	[tilespmem:s23+$0xD0] =	vst v1  }
0x173: {  	s1 =	sand.u32 $0x3FFFFF80, s1;
	[tilespmem:s23+$0xE0] =	vst v3  }
0x174: {  	s19 =	sadd.s32 $0x120, s19;
	s1 =	sadd.s32 $0x14A80, s1;
	[tilespmem:s23+$0xF0] =	vst v2  }
0x175: {  	[spmem:s2] =	stream.indirect.scatter.add.f32 [tilespmem:s10], [sflag:$0x6], $0x80, s1, s8, $0xb8;
	[tilespmem:$0x1F500] =	vst v63  }
0x176: {  	s18 =	sadd.s32 $0x1, s18  }
0x177: {  	_ =	swait.ge [sflag:s28], $0x3000;
	p0 =	sne.s32 s18, s17  }
.Ltmp5:
0x178: {  	[sflag:s28] =	ssyncset.done $0x0;
	(pc) =	sbr.rel @p0 .LBB2_4-.Ltmp5, $4  }
0x179: {  	[sflag:s28] =	ssyncadd.s32 $0xFFFFD000  }
0x17a: {  	_ =	swait.ge [sflag:s14], $0x3000  }
0x17b: {  	[sflag:s14] =	ssyncset.done $0x0  }
0x17c: {  	[sflag:s14] =	ssyncadd.s32 $0xFFFFD000  }
0x17d: {  	s1 =	stileid.u32;
	[bflag:$0x0] =	sbarrier.arrive $0xFFFF  }
0x17e: {  	s1 =	sshll.u32 s1, $0x6;
	s5 =	rddreg [dreg:$0xe]  }
0x17f: {  	s4 =	rddreg [dreg:$0x6];
	s1 =	sor.u32 $0x1C02, s1;
	s3 =	sshrl.u32 s5, $0x3  }
0x180: {  	[hbm:s4], [sflag:s1] =	dma.local [spmem:s3], $0x500  }
0x181: {  	s20 =	rddreg [dreg:$0xf]  }
0x182: {  	s4 =	rddreg [dreg:$0x7];
	s22 =	sshrl.u32 s20, $0x3  }
0x183: {  	[hbm:s4], [sflag:s1] =	dma.local [spmem:s22], $0x500  }
0x184: {  	s21 =	rddreg [dreg:$0x10]  }
0x185: {  	s4 =	rddreg [dreg:$0x8];
	s23 =	sshrl.u32 s21, $0x3  }
0x186: {  	[hbm:s4], [sflag:s1] =	dma.local [spmem:s23], $0x500  }
0x187: {  	s22 =	rddreg [dreg:$0x11]  }
0x188: {  	s4 =	rddreg [dreg:$0x9];
	s24 =	sshrl.u32 s22, $0x3  }
0x189: {  	[hbm:s4], [sflag:s1] =	dma.local [spmem:s24], $0x500  }
0x18a: {  	s23 =	rddreg [dreg:$0x12]  }
0x18b: {  	s4 =	rddreg [dreg:$0xa];
	s25 =	sshrl.u32 s23, $0x3  }
0x18c: {  	[hbm:s4], [sflag:s1] =	dma.local [spmem:s25], $0x500  }
0x18d: {  	s24 =	rddreg [dreg:$0x13]  }
0x18e: {  	s4 =	rddreg [dreg:$0xb];
	s18 =	sshrl.u32 s24, $0x3  }
0x18f: {  	[hbm:s4], [sflag:s1] =	dma.local [spmem:s18], $0x500  }
0x190: {  	s25 =	rddreg [dreg:$0x14]  }
0x191: {  	s4 =	rddreg [dreg:$0xc];
	s19 =	sshrl.u32 s25, $0x3  }
0x192: {  	[hbm:s4], [sflag:s1] =	dma.local [spmem:s19], $0x500  }
0x193: {  	s19 =	rddreg [dreg:$0x15]  }
0x194: {  	s4 =	rddreg [dreg:$0xd];
	s18 =	sshrl.u32 s19, $0x3  }
0x195: {  	[hbm:s4], [sflag:s1] =	dma.local [spmem:s18], $0x500  }
0x196: {  	_ =	swait.ge [sflag:s11], $0x500  }
0x197: {  	[sflag:s11] =	ssyncset.done $0x0  }
0x198: {  	[sflag:s11] =	ssyncadd.s32 $0xFFFFFB00  }
0x199: {  	_ =	swait.ge [sflag:s11], $0x500  }
0x19a: {  	[sflag:s11] =	ssyncset.done $0x0  }
0x19b: {  	[sflag:s11] =	ssyncadd.s32 $0xFFFFFB00  }
0x19c: {  	_ =	swait.ge [sflag:s11], $0x500  }
0x19d: {  	[sflag:s11] =	ssyncset.done $0x0  }
0x19e: {  	[sflag:s11] =	ssyncadd.s32 $0xFFFFFB00  }
0x19f: {  	_ =	swait.ge [sflag:s11], $0x500  }
0x1a0: {  	[sflag:s11] =	ssyncset.done $0x0  }
0x1a1: {  	[sflag:s11] =	ssyncadd.s32 $0xFFFFFB00  }
0x1a2: {  	_ =	swait.ge [sflag:s11], $0x500  }
0x1a3: {  	[sflag:s11] =	ssyncset.done $0x0  }
0x1a4: {  	[sflag:s11] =	ssyncadd.s32 $0xFFFFFB00  }
0x1a5: {  	_ =	swait.ge [sflag:s11], $0x500  }
0x1a6: {  	[sflag:s11] =	ssyncset.done $0x0  }
0x1a7: {  	[sflag:s11] =	ssyncadd.s32 $0xFFFFFB00  }
0x1a8: {  	_ =	swait.ge [sflag:s11], $0x500  }
0x1a9: {  	[sflag:s11] =	ssyncset.done $0x0  }
0x1aa: {  	[sflag:s11] =	ssyncadd.s32 $0xFFFFFB00  }
0x1ab: {  	_ =	swait.ge [sflag:s11], $0x500  }
0x1ac: {  	s4 =	rddreg [dreg:$0x4]  }
0x1ad: {  	s18 =	rddreg [dreg:$0x16];
	s1 =	sadd.s32 $0x1, s4  }
0x1ae: {  	p0 =	sne.s32 s1, s18  }
.Ltmp6:
0x1af: {  	_ = 	snop;
	(pc) =	sbr.rel @p0 .LBB2_1-.Ltmp6, $3  }
0x1b0: {  	_ =	sdelay $0x1  }
0x1b1: {  	[sflag:s11] =	ssyncset.done $0x0  }
0x1b2: {  	[sflag:s11] =	ssyncadd.s32 $0xFFFFFB00  }
0x1b3: {  	_ =	sfence.sel $0x180000  }
0x1b4: {  	[bflag:$0x0] =	sbarrier.arrive $0xFFFF  }
0x1b5: {  	_ =	strace $0x9000004A  }
0x1b6: {  	s0 =	stileid.u32;
	[bflag:$0x2] =	sbarrier.arrive $0xFFFF  }
0x1b7: {  	p0 =	sne.s32 s0, $0x0;
	s0 =	rddreg [dreg:$0x3]  }
0x1b8: {  	s0 =	sadd.s32 @!p0 $0x100000, s0  }
0x1b9: {  	[sflag:s0] =	ssyncadd.tile.s32 @!p0 $0x1;
	_ =	shalt  }
.Lfunc_end2:
_tile_overlayer_lowered:
.L_overlay_start_2:
0x1ba: {  	(tag) =	ssettag $0x2  }
0x1bb: {  	s0 =	rddreg [dreg:$0x0];
	s2 =	stileid.u32  }
0x1bc: {  	s1 =	rddreg [dreg:$0x1];
	p0 =	sne.s32 s2, $0x0  }
0x1bd: {  	s3 =	rddreg [dreg:$0x2];
	[bflag:$0x3] =	sbarrier.arrive $0xFFFF;
	s2 =	simm.s32 @!p0 $0x1C07  }
0x1be: {  	[timem:s3], [sflag:s2] =	dma.local @!p0 [hbm:s0], s1  }
0x1bf: {  	s0 =	simm.s32 @!p0 $0x7  }
0x1c0: {  	_ =	swait.ge @!p0 [sflag:s0], s1  }
0x1c1: {  	s1 =	ssub.s32 @!p0 $0x0, s1;
	[sflag:s0] =	ssyncset.done @!p0 $0x0  }
0x1c2: {  	[sflag:s0] =	ssyncadd.s32 @!p0 s1  }
0x1c3: {  	[bflag:$0x3] =	sbarrier.arrive $0xFFFF  }
0x1c4: {  	_ =	shalt  }

// kernel: kernel.8.cloned.1.call-start
scs
__scs_entry_jumppad:
0x0: {  	(pc) =	sbr.rel $0x88, $3  }
0x1: {  	(tag) =	ssettag $0x0;
	lr =	simm.s32 $0x1  }
0x2: {  	[smem:$0x3F9C] =	sst lr;
	_ =	strace $0xD0000000  }
0x3: {  	_ = 	snop  }
0x4: {  	_ = 	snop  }
0x5: {  	_ = 	snop  }
0x6: {  	_ = 	snop  }
0x7: {  	_ = 	snop  }
__scs_overlays_trampoline_lowered:
0x8: {  	[smem:$0x3FAB] =	sst s0  }
0x9: {  	[smem:$0x3FAC] =	sst s1  }
0xa: {  	[smem:$0x3FAD] =	sst s2  }
0xb: {  	[smem:$0x3FAE] =	sst s3  }
0xc: {  	[smem:$0x3FAF] =	sst s4  }
0xd: {  	[smem:$0x3FB0] =	sst s5  }
0xe: {  	[smem:$0x3FB1] =	sst s6  }
0xf: {  	[smem:$0x3FB2] =	sst s7  }
0x10: {  	[smem:$0x3FB3] =	sst s8  }
0x11: {  	[smem:$0x3FB4] =	sst s9;
	s0 =	simm.s32 @!p0 $0x0  }
0x12: {  	s1 =	sld [smem:$0x3F9A];
	s0 =	simm.s32 @p0 $0x1  }
0x13: {  	[smem:$0x3FB5] =	sst s0;
	s0 =	simm.s32 @!p1 $0x0  }
0x14: {  	s2 =	sld [smem:$0x3F99];
	s0 =	simm.s32 @p1 $0x1  }
0x15: {  	[smem:$0x3FB6] =	sst s0;
	s0 =	simm.s32 @!p2 $0x0  }
0x16: {  	s3 =	sld [smem:$0x3FDB];
	s0 =	simm.s32 @p2 $0x1  }
0x17: {  	s4 =	simm.s32 $0x1BF5;
	[smem:$0x3FB8] =	sst s0  }
0x18: {  	s0 =	sld [smem:$0x3F9B];
	_ =	swait.ge [sflag:s4], $0x0  }
0x19: {  	s7 =	sld [smem:$0x3F9C]  }
0x1a: {  	s8 =	sadd.s32 $0xFFFFE003, lr  }
0x1b: {  	s9 =	sadd.s32 $0xFFFFFEF7, lr;
	s5 =	simm.s32 $0xFFFFFFFF;
	p2 =	slt.u32 s8, $0xFFFFF086  }
0x1c: {  	p1 =	slt.u32 s9, $0xF7A;
	s5 =	simm.s32 @!p2 $0x0  }
0x1d: {  	s5 =	simm.s32 @p1 $0x1;
	p0 =	seq.s32 s7, s2  }
0x1e: {  	s7 =	smul.u32 @!p0 $0xF7A, s2;
	p2 =	seq.s32 @!p0 s5, $0x0  }
0x1f: {  	s9 =	smul.u32 $0xF7A, s1;
	s8 =	simm.s32 @!p0 $0x1BF5;
	p2 =	por !p2, p0  }
0x20: {  	[sflag:s8] =	ssyncset.s32 @!p0 $0xFFFFF086;
	s6 =	sadd.s32 @!p0 s3, s7;
	s7 =	simm.s32 @!p0 $0x108  }
0x21: {  	s3 =	sadd.s32 s3, s9;
	s6 =	sadd.s32 @!p0 $0x88, s6;
	s7 =	simm.s32 @p2 $0x1082  }
0x22: {  	[simem:s7], [sflag:s8] =	dma.local @!p0 [hbm:s6], $0xF7A  }
0x23: {  	s9 =	sor.u32 $0xD0000000, s2;
	s6 =	simm.s32 $0x108;
	_ =	swait.ge @!p0 [sflag:s8], $0x0  }
0x24: {  	s3 =	sadd.s32 $0x88, s3;
	s6 =	simm.s32 @!p1 $0x1082;
	[sflag:s4] =	ssyncset.s32 $0xFFFFF086  }
0x25: {  	[simem:s6], [sflag:s4] =	dma.local [hbm:s3], $0xF7A  }
0x26: {  	[smem:$0x3F9C] =	sst s1;
	(tag) =	ssettag s2;
	_ =	strace s9  }
0x27: {  	s1 =	sld [smem:$0x3FAC]  }
0x28: {  	s2 =	sld [smem:$0x3FAD]  }
0x29: {  	s4 =	sld [smem:$0x3FAF]  }
0x2a: {  	p0 =	seq.s32 s5, $0x0;
	s5 =	sld [smem:$0x3FB0]  }
0x2b: {  	s6 =	sld [smem:$0x3FB1]  }
0x2c: {  	s7 =	sld [smem:$0x3FB2]  }
0x2d: {  	s3 =	simm.s32 $0x108;
	s8 =	sld [smem:$0x3FB3]  }
0x2e: {  	s3 =	simm.s32 @!p0 $0x1082;
	s9 =	sld [smem:$0x3FB4]  }
0x2f: {  	lr =	sadd.s32 s0, s3;
	s0 =	sld [smem:$0x3FAB]  }
0x30: {  	s3 =	sld [smem:$0x3FAE]  }
0x31: {  	[smem:$0x3FB7] =	sst s10  }
0x32: {  	s10 =	sld [smem:$0x3FB5];
	_ =	sdelay $0x3  }
0x33: {  	p0 =	seq.s32 s10, $0x1;
	s10 =	sld [smem:$0x3FB7];
	_ =	sdelay $0x3  }
0x34: {  	[smem:$0x3FB7] =	sst s10  }
0x35: {  	s10 =	sld [smem:$0x3FB6];
	_ =	sdelay $0x3  }
0x36: {  	p1 =	seq.s32 s10, $0x1;
	s10 =	sld [smem:$0x3FB7];
	_ =	sdelay $0x3  }
0x37: {  	[smem:$0x3FB7] =	sst s10  }
0x38: {  	s10 =	sld [smem:$0x3FB8]  }
0x39: {  	_ = 	snop;
	(pc) =	sbr.ind lr, $3  }
0x3a: {  	_ = 	snop  }
0x3b: {  	_ = 	snop  }
0x3c: {  	p2 =	seq.s32 s10, $0x1;
	s10 =	sld [smem:$0x3FB7]  }
0x3d: {  	_ =	shalt  }
0x3e: {  	_ =	shalt  }
0x3f: {  	_ =	shalt  }
0x40: {  	_ =	shalt  }
0x41: {  	_ =	shalt  }
0x42: {  	_ =	shalt  }
0x43: {  	_ =	shalt  }
0x44: {  	_ =	shalt  }
0x45: {  	_ =	shalt  }
0x46: {  	_ =	shalt  }
0x47: {  	_ =	shalt  }
0x48: {  	_ =	shalt  }
0x49: {  	_ =	shalt  }
0x4a: {  	_ =	shalt  }
0x4b: {  	_ =	shalt  }
0x4c: {  	_ =	shalt  }
0x4d: {  	_ =	shalt  }
0x4e: {  	_ =	shalt  }
0x4f: {  	_ =	shalt  }
0x50: {  	_ =	shalt  }
0x51: {  	_ =	shalt  }
0x52: {  	_ =	shalt  }
0x53: {  	_ =	shalt  }
0x54: {  	_ =	shalt  }
0x55: {  	_ =	shalt  }
0x56: {  	_ =	shalt  }
0x57: {  	_ =	shalt  }
0x58: {  	_ =	shalt  }
0x59: {  	_ =	shalt  }
0x5a: {  	_ =	shalt  }
0x5b: {  	_ =	shalt  }
0x5c: {  	_ =	shalt  }
0x5d: {  	_ =	shalt  }
0x5e: {  	_ =	shalt  }
0x5f: {  	_ =	shalt  }
0x60: {  	_ =	shalt  }
0x61: {  	_ =	shalt  }
0x62: {  	_ =	shalt  }
0x63: {  	_ =	shalt  }
0x64: {  	_ =	shalt  }
0x65: {  	_ =	shalt  }
0x66: {  	_ =	shalt  }
0x67: {  	_ =	shalt  }
0x68: {  	_ =	shalt  }
0x69: {  	_ =	shalt  }
0x6a: {  	_ =	shalt  }
0x6b: {  	_ =	shalt  }
0x6c: {  	_ =	shalt  }
0x6d: {  	_ =	shalt  }
0x6e: {  	_ =	shalt  }
0x6f: {  	_ =	shalt  }
0x70: {  	_ =	shalt  }
0x71: {  	_ =	shalt  }
0x72: {  	_ =	shalt  }
0x73: {  	_ =	shalt  }
0x74: {  	_ =	shalt  }
0x75: {  	_ =	shalt  }
0x76: {  	_ =	shalt  }
0x77: {  	_ =	shalt  }
0x78: {  	_ =	shalt  }
0x79: {  	_ =	shalt  }
0x7a: {  	_ =	shalt  }
0x7b: {  	_ =	shalt  }
0x7c: {  	_ =	shalt  }
0x7d: {  	_ =	shalt  }
0x7e: {  	_ =	shalt  }
0x7f: {  	_ =	shalt  }
0x80: {  	_ =	shalt  }
0x81: {  	_ =	shalt  }
0x82: {  	_ =	shalt  }
0x83: {  	_ =	shalt  }
0x84: {  	_ =	shalt  }
0x85: {  	_ =	shalt  }
0x86: {  	_ =	shalt  }
0x87: {  	_ =	shalt  }
.Lfunc_end0:
.L_simem_size_0:
called_computation_lowered:
.L_overlay_start_0:
0x88: {  	s2 =	sld [smem:$0x3FD9]  }
0x89: {  	s3 =	sld [smem:$0x3FFE];
	_ =	sdelay $0x1  }
0x8a: {  	s1 =	srdreg.scid  }
0x8b: {  	s0 =	sand.u32 $0x1, s1  }
0x8c: {  	s17 =	sshll.u32 s0, $0xA;
	s2 =	sadd.s32 s3, s2  }
0x8d: {  	s2 =	sadd.s32 s2, s17  }
0x8e: {  	[smem:$0x3FC3] =	sst s2  }
0x8f: {  	_ = 	snop  }
0x90: {  	s2 =	sld [smem:$0x3FD0];
	(tm) =	ssettm $0x1  }
0x91: {  	s18 =	sld [smem:$0x3FFB];
	_ =	sdelay $0x3  }
0x92: {  	_ =	strace s18  }
0x93: {  	s3 =	sld [smem:$0x3FFC];
	_ =	sdelay $0x3  }
0x94: {  	_ =	strace s3  }
0x95: {  	s3 =	sld [smem:$0x3FFD];
	_ =	sdelay $0x3  }
0x96: {  	_ =	strace s3  }
0x97: {  	_ =	strace $0x8FFFFFFF  }
0x98: {  	s19 =	sld [smem:$0x3FDB];
	_ =	sdelay $0x1  }
0x99: {  	s4 =	simm.s32 $_scs_section_size  }
0x9a: {  	s5 =	simm.s32 $_size__tile_overlayer_lowered;
	s6 =	simm.s32 $_tile_overlayer_lowered  }
0x9b: {  	s22 =	simm.s32 $0x1BFF;
	s21 =	sshll.u32 s6, $0x1;
	s3 =	sadd.s32 s4, s19  }
0x9c: {  	s7 =	simm.s32 $0x0;
	s20 =	sshll.u32 s5, $0x1;
	s5 =	sadd.s32 s21, s3  }
0x9d: {  	[timem:s7], [sflag:s22] =	dma.local [hbm:s5], s20  }
0x9e: {  	_ =	swait.ge [sflag:s22], s20  }
0x9f: {  	s4 =	ssub.s32 $0x0, s20;
	[sflag:s22] =	ssyncset.done $0x0  }
0xa0: {  	[sflag:s22] =	ssyncadd.s32 s4;
	_ =	sdelay $0x1  }
0xa1: {  	s23 =	simm.s32 $0x1B8B  }
0xa2: {  	_ =	swait.ge [sflag:s23], $0x1  }
0xa3: {  	[sflag:s23] =	ssyncset.done $0x0  }
0xa4: {  	s25 =	simm.s32 $0x1B8E;
	s24 =	sld [smem:$0x3FFE];
	[sflag:s23] =	ssyncadd.s32 $0xFFFFFFFF  }
0xa5: {  	s26 =	simm.s32 $execute0_lowered;
	[smem:$0x3FD2] =	sst s25  }
0xa6: {  	s5 =	sshll.u32 s26, $0x1;
	_ =	strace $0x80000046;
	[dreg:$0x1] =	wrdreg $0xFFFFFFFF  }
0xa7: {  	s28 =	simm.s32 $_size_execute0_lowered;
	s3 =	sadd.s32 s3, s5;
	[dreg:$0x0] =	wrdreg $0x0  }
0xa8: {  	s5 =	sshll.u32 s28, $0x1;
	[dreg:$0x2] =	wrdreg s3  }
0xa9: {  	[dreg:$0x3] =	wrdreg s5  }
0xaa: {  	[dreg:$0x4] =	wrdreg $0xC0  }
0xab: {  	_ =	task [dreg:s7], $0x5FFFF  }
0xac: {  	[dreg:$0x1] =	wrdreg $0xFFFFFFFF  }
0xad: {  	[dreg:$0x0] =	wrdreg $0x60  }
0xae: {  	[dreg:$0x2] =	wrdreg s2  }
0xaf: {  	[dreg:$0x3] =	wrdreg s24  }
0xb0: {  	[dreg:$0x4] =	wrdreg $0x0  }
0xb1: {  	[dreg:$0x5] =	wrdreg $0x9  }
0xb2: {  	_ =	task.clear_ibuf [dreg:s7], $0x6FFFF;
	_ =	strace $0x90000046  }
0xb3: {  	s29 =	simm.s32 $0x9;
	_ =	strace $0x80000048  }
0xb4: {  	_ =	swait.ge [sflag:s29], $0x1  }
0xb5: {  	[sflag:s29] =	ssyncadd.s32 $0xFFFFFFFF  }
0xb6: {  	_ =	strace $0x90000048  }
0xb7: {  	_ =	sfence  }
0xb8: {  	s30 =	sld [smem:$0x0];
	_ =	sdelay $0x2  }
0xb9: {  	s31 =	sshll.u32 s1, $0xD;
	s1 =	sshrl.u32 s1, $0x2  }
0xba: {  	s3 =	sand.u32 $0x4000, s31;
	s1 =	sadd.s32 s1, s30  }
0xbb: {  	s0 =	sor.u32 s3, s0;
	s1 =	sshll.u32 s1, $0x11  }
0xbc: {  	s0 =	sor.u32 s1, s0  }
0xbd: {  	s0 =	sadd.s32 $0x8F2B, s0  }
0xbe: {  	[sflag:s0] =	ssyncadd.remote.s32 $0x1  }
0xbf: {  	_ =	sfence.sel $0xFFFF  }
0xc0: {  	[dreg:$0x0] =	wrdreg $0xFFFFFFFF;
	(pc) =	sbr.abs _section_cstart, $3  }
0xc1: {  	[dreg:$0x1] =	wrdreg $0xFFFFFFFF  }
0xc2: {  	_ =	task.clear_ibuf [dreg:s7], $0x2FFFF;
	_ =	strace $0x9FFFFFFF  }
0xc3: {  	(tm) =	ssettm $0x7FFFFFFF  }
tec
execute0_lowered:
.L_overlay_start_1:
0x0: {  	(tag) =	ssettag $0x1  }
0x1: {  	s1 =	rddreg [dreg:$0x0]  }
0x2: {  	s6 =	rddreg [dreg:$0x1]  }
0x3: {  	s3 =	rddreg [dreg:$0x2]  }
0x4: {  	s0 =	rddreg [dreg:$0x3];
	s4 =	simm.s32 $0x0;
	s5 =	srdreg.scid  }
0x5: {  	s2 =	stileid.u32;
	s13 =	simm.s32 $0x60;
	s14 =	simm.s32 $0x1  }
0x6: {  	s17 =	simm.s32 $0x20;
	s18 =	simm.s32 $0x10;
	[smem:$0x7FF] =	sst s4  }
0x7: {  	s7 =	sand.u32 $0x1, s5;
	s8 =	smul.u32 $0x500, s2;
	s5 =	sadd.s32 $0xB600, s6  }
0x8: {  	s11 =	smul.u32 $0xA00, s2;
	s31 =	sshll.u32 s2, $0x3;
	s15 =	sshll.u32 s2, $0x6  }
0x9: {  	_ =	strace $0x80000047;
	s9 =	sshll.u32 s7, $0x7;
	s28 =	ssub.s32 $0x2, s7  }
0xa: {  	p0 =	seq.s32 s7, $0x0;
	s30 =	smul.u32 $0x5, s7;
	s15 =	sor.u32 $0x1C02, s15  }
0xb: {  	s8 =	sor.u32 s9, s8;
	s10 =	sshrl.u32 s28, $0x1;
	s29 =	sshrl.u32 s11, $0x2  }
0xc: {  	s11 =	simm.s32 $0x1D00;
	s8 =	sshrl.u32 s8, $0x3;
	s10 =	ssub.s32 s28, s10  }
0xd: {  	s7 =	sadd.s32 s29, s3;
	s12 =	sadd.s32 s8, s6;
	s6 =	simm.s32 $0x5  }
0xe: {  	s8 =	sor.u32 s30, s31;
	s10 =	smax.u32 s10, $0x1;
	s16 =	sshrl.u32 s7, $0x3  }
0xf: {  	v0 =	vimm.f32 $0.0e+00;
	s6 =	simm.s32 @!p0 $0x3;
	s9 =	sadd.s32 $0x15800, s12;
	s12 =	simm.s32 $0x2  }
.LBB2_1:
0x10: {  	[tilespmem:$0x1D00] =	vst v0  }
0x11: {  	[tilespmem:$0x1D10] =	vst v0  }
0x12: {  	[tilespmem:$0x1D20] =	vst v0  }
0x13: {  	[tilespmem:$0x1D30] =	vst v0  }
0x14: {  	[tilespmem:$0x1D40] =	vst v0  }
0x15: {  	[tilespmem:$0x1D50] =	vst v0  }
0x16: {  	[tilespmem:$0x1D60] =	vst v0  }
0x17: {  	[tilespmem:$0x1D70] =	vst v0  }
0x18: {  	[tilespmem:$0x1D80] =	vst v0  }
0x19: {  	[tilespmem:$0x1D90] =	vst v0  }
0x1a: {  	[tilespmem:$0x1DA0] =	vst v0  }
0x1b: {  	[tilespmem:$0x1DB0] =	vst v0  }
0x1c: {  	[tilespmem:$0x1DC0] =	vst v0  }
0x1d: {  	[tilespmem:$0x1DD0] =	vst v0  }
0x1e: {  	[tilespmem:$0x1DE0] =	vst v0  }
0x1f: {  	[tilespmem:$0x1DF0] =	vst v0  }
0x20: {  	[tilespmem:$0x1E00] =	vst v0  }
0x21: {  	[tilespmem:$0x1E10] =	vst v0  }
0x22: {  	[tilespmem:$0x1E20] =	vst v0  }
0x23: {  	[tilespmem:$0x1E30] =	vst v0  }
0x24: {  	[tilespmem:$0x1E40] =	vst v0  }
0x25: {  	[tilespmem:$0x1E50] =	vst v0  }
0x26: {  	[tilespmem:$0x1E60] =	vst v0  }
0x27: {  	[tilespmem:$0x1E70] =	vst v0  }
0x28: {  	[tilespmem:$0x1E80] =	vst v0  }
0x29: {  	[tilespmem:$0x1E90] =	vst v0  }
0x2a: {  	[tilespmem:$0x1EA0] =	vst v0  }
0x2b: {  	[tilespmem:$0x1EB0] =	vst v0  }
0x2c: {  	[tilespmem:$0x1EC0] =	vst v0  }
0x2d: {  	[tilespmem:$0x1ED0] =	vst v0  }
0x2e: {  	[tilespmem:$0x1EE0] =	vst v0  }
0x2f: {  	[tilespmem:$0x1EF0] =	vst v0  }
0x30: {  	[tilespmem:$0x1F00] =	vst v0  }
0x31: {  	[tilespmem:$0x1F10] =	vst v0  }
0x32: {  	[tilespmem:$0x1F20] =	vst v0  }
0x33: {  	[tilespmem:$0x1F30] =	vst v0  }
0x34: {  	[tilespmem:$0x1F40] =	vst v0  }
0x35: {  	[tilespmem:$0x1F50] =	vst v0  }
0x36: {  	[tilespmem:$0x1F60] =	vst v0  }
0x37: {  	[tilespmem:$0x1F70] =	vst v0  }
0x38: {  	[spmem:s7] =	stream.linear.scatter [tilespmem:s11], [sflag:$0x2], $0x280, $0x38;
	[tilespmem:$0x1F80] =	vst v63  }
0x39: {  	_ =	swait.ge [sflag:s12], $0x280  }
0x3a: {  	[sflag:s12] =	ssyncset.done $0x0  }
0x3b: {  	[sflag:s12] =	ssyncadd.s32 $0xFFFFFD80  }
0x3c: {  	s19 =	simm.s32 $0x0;
	[bflag:$0x0] =	sbarrier.arrive $0xFFFF  }
.LBB2_2:
0x3d: {  	s21 =	sadd.s32 s19, s8  }
0x3e: {  	s23 =	simm.s32 $0x0;
	s20 =	sshll.u32 s21, $0x9  }
0x3f: {  	s21 =	smul.u32 $0xA20, s21;
	s22 =	sadd.s32 s1, s20;
	s20 =	simm.s32 $0x280  }
0x40: {  	[tilespmem:s20], [sflag:$0x2] =	stream.linear.gather [hbm4b:s22+s23], $0xD80, $0x38;
	[tilespmem:$0x1F80] =	vst v63  }
0x41: {  	_ =	swait.ge [sflag:s12], $0xD80  }
0x42: {  	s21 =	sshrl.u32 s21, $0x3;
	[sflag:s12] =	ssyncset.done $0x0  }
0x43: {  	s31 =	simm.s32 $0x1280;
	s21 =	sadd.s32 s5, s21;
	[sflag:s12] =	ssyncadd.s32 $0xFFFFF280  }
0x44: {  	[tilespmem:s31], [sflag:$0x2] =	stream.linear.gather [hbm4b:s21+s23], $0xA20, $0x38;
	[tilespmem:$0x1F80] =	vst v63  }
0x45: {  	_ =	swait.ge [sflag:s12], $0xA20  }
0x46: {  	p0 =	por $0x1, $0x1;
	[sflag:s12] =	ssyncset.done $0x0  }
0x47: {  	s23 =	simm.s32 @!p0 $0x1;
	[sflag:s12] =	ssyncadd.s32 $0xFFFFF5E0  }
0x48: {  	[spmem:s3] =	stream.indirect.scatter.add.f32 [tilespmem:s31], [sflag:$0x1], $0x1, s20, s13, $0xb8;
	[tilespmem:$0x1F80] =	vst v63  }
0x49: {  	_ =	swait.ge @!p0 [sflag:s23], $0x60  }
0x4a: {  	s22 =	simm.s32 $0x12E0;
	s21 =	simm.s32 $0x1;
	[sflag:s23] =	ssyncset.done @!p0 $0x0  }
.LBB2_3:
0x4b: {  	[sflag:s23] =	ssyncadd.s32 @!p0 $0xFFFFFFA0  }
0x4c: {  	s20 =	sadd.s32 $0x80, s20;
	s23 =	smov.u32 s21;
	s21 =	sadd.s32 $0x1, s21  }
0x4d: {  	p1 =	sne.s32 s21, $0x1B  }
0x4e: {  	[spmem:s3] =	stream.indirect.scatter.add.f32 [tilespmem:s22], [sflag:$0x1], $0x1, s20, s13, $0xb8;
	[tilespmem:$0x1F80] =	vst v63  }
.Ltmp0:
0x4f: {  	_ = 	snop;
	(pc) =	sbr.rel @p1 .LBB2_3-.Ltmp0, $4  }
0x50: {  	p0 =	slt.u32 s23, $0x8  }
0x51: {  	s23 =	simm.s32 @!p0 $0x1  }
0x52: {  	_ =	swait.ge @!p0 [sflag:s23], $0x60  }
0x53: {  	s22 =	sadd.s32 $0x60, s22;
	[sflag:s23] =	ssyncset.done @!p0 $0x0  }
0x54: {  	[sflag:s23] =	ssyncadd.s32 @!p0 $0xFFFFFFA0  }
0x55: {  	_ =	swait.ge [sflag:s14], $0x60  }
0x56: {  	[sflag:s14] =	ssyncset.done $0x0  }
0x57: {  	[sflag:s14] =	ssyncadd.s32 $0xFFFFFFA0  }
0x58: {  	_ =	swait.ge [sflag:s14], $0x60  }
0x59: {  	[sflag:s14] =	ssyncset.done $0x0  }
0x5a: {  	[sflag:s14] =	ssyncadd.s32 $0xFFFFFFA0  }
0x5b: {  	_ =	swait.ge [sflag:s14], $0x60  }
0x5c: {  	[sflag:s14] =	ssyncset.done $0x0  }
0x5d: {  	[sflag:s14] =	ssyncadd.s32 $0xFFFFFFA0  }
0x5e: {  	_ =	swait.ge [sflag:s14], $0x60  }
0x5f: {  	[sflag:s14] =	ssyncset.done $0x0  }
0x60: {  	[sflag:s14] =	ssyncadd.s32 $0xFFFFFFA0  }
0x61: {  	_ =	swait.ge [sflag:s14], $0x60  }
0x62: {  	[sflag:s14] =	ssyncset.done $0x0  }
0x63: {  	[sflag:s14] =	ssyncadd.s32 $0xFFFFFFA0  }
0x64: {  	_ =	swait.ge [sflag:s14], $0x60  }
0x65: {  	[sflag:s14] =	ssyncset.done $0x0  }
0x66: {  	s19 =	sadd.s32 $0x1, s19;
	[sflag:s14] =	ssyncadd.s32 $0xFFFFFFA0  }
0x67: {  	p0 =	sne.s32 s19, s6;
	_ =	swait.ge [sflag:s14], $0x60  }
.Ltmp1:
0x68: {  	[sflag:s14] =	ssyncset.done $0x0;
	(pc) =	sbr.rel @p0 .LBB2_2-.Ltmp1, $4  }
0x69: {  	[sflag:s14] =	ssyncadd.s32 $0xFFFFFFA0  }
0x6a: {  	_ =	swait.ge [sflag:s14], $0x60  }
0x6b: {  	[sflag:s14] =	ssyncset.done $0x0  }
0x6c: {  	[sflag:s14] =	ssyncadd.s32 $0xFFFFFFA0  }
0x6d: {  	s4 =	sadd.s32 $0x1, s4  }
0x6e: {  	p0 =	sne.s32 s4, s10  }
.Ltmp2:
0x6f: {  	[bflag:$0x0] =	sbarrier.arrive $0xFFFF;
	(pc) =	sbr.rel @p0 .LBB2_1-.Ltmp2, $4  }
0x70: {  	[hbm:s9@s17], [sflag:s15] =	dma.strided [spmem:s16@s18], $0x50, s14, $0x10   }
0x71: {  	_ =	swait.ge [sflag:s12], $0x50  }
0x72: {  	[sflag:s12] =	ssyncset.done $0x0  }
0x73: {  	[sflag:s12] =	ssyncadd.s32 $0xFFFFFFB0  }
0x74: {  	_ =	sfence.sel $0x180000  }
0x75: {  	[bflag:$0x0] =	sbarrier.arrive $0xFFFF  }
0x76: {  	p0 =	sne.s32 s2, $0x0;
	_ =	strace $0x90000047  }
0x77: {  	s0 =	sadd.s32 @!p0 $0x100000, s0;
	[bflag:$0x2] =	sbarrier.arrive $0xFFFF  }
0x78: {  	[sflag:s0] =	ssyncadd.tile.s32 @!p0 $0x1;
	_ =	shalt  }
.Lfunc_end2:
_tile_overlayer_lowered:
.L_overlay_start_2:
0x79: {  	(tag) =	ssettag $0x2  }
0x7a: {  	s0 =	rddreg [dreg:$0x0];
	s2 =	stileid.u32  }
0x7b: {  	s1 =	rddreg [dreg:$0x1];
	p0 =	sne.s32 s2, $0x0  }
0x7c: {  	s3 =	rddreg [dreg:$0x2];
	[bflag:$0x3] =	sbarrier.arrive $0xFFFF;
	s2 =	simm.s32 @!p0 $0x1C02  }
0x7d: {  	[timem:s3], [sflag:s2] =	dma.local @!p0 [hbm:s0], s1  }
0x7e: {  	s0 =	simm.s32 @!p0 $0x2  }
0x7f: {  	_ =	swait.ge @!p0 [sflag:s0], s1  }
0x80: {  	s1 =	ssub.s32 @!p0 $0x0, s1;
	[sflag:s0] =	ssyncset.done @!p0 $0x0  }
0x81: {  	[sflag:s0] =	ssyncadd.s32 @!p0 s1  }
0x82: {  	[bflag:$0x3] =	sbarrier.arrive $0xFFFF  }
0x83: {  	_ =	shalt  }

</sc_bundles>
